<compile_context>
chip_gen: v7x
topology: tpu7x:2x2x1
jax: 0.10.2.dev20260603
libtpu: 0.0.44.dev20260713+nightly
codegen_flags: <defaults>
</compile_context>

<pallas_src>
import functools

import jax
import jax.numpy as jnp
from jax import lax
from jax.experimental import pallas as pl
from jax.experimental.pallas import tpu as pltpu
from jax.experimental.pallas import tpu_sc as plsc

NCORES = 2
NSUB = 16
NW = NCORES * NSUB
CB = 128
CBN = 512


def _mm_body(N, NP, x_ref, w_ref, b_ref, gv_ref, y_ref, t_ref):
    K = w_ref.shape[0]
    xb = x_ref[0].astype(jnp.bfloat16)
    for j in range(K):
        acc = lax.dot_general(
            xb, w_ref[j], (((0,), (0,)), ((), ())),
            preferred_element_type=jnp.float32)
        if j == 0:
            acc = acc + b_ref[...]
        y_ref[j] = acc
    nb_cols = t_ref.shape[1] * t_ref.shape[2]
    offs = (lax.broadcasted_iota(jnp.int32, (K - 1, nb_cols), 0) + 1) * NP
    t = jnp.clip(gv_ref[0], 0, N - 1).T + offs
    t_ref[...] = t.reshape(t_ref.shape)


def _tr_body(s_ref, y0_ref, o_ref):
    o_ref[0] = (s_ref[...] + y0_ref[0]).T


def _make_sc_gather(NP, K, C_out, chunks):
    mesh = plsc.VectorSubcoreMesh(core_axis_name="c", subcore_axis_name="s")
    NBR = K - 1

    @functools.partial(
        pl.kernel,
        out_type=jax.ShapeDtypeStruct((NP, C_out), jnp.float32),
        mesh=mesh,
        scratch_types=[
            pltpu.VMEM((2, K - 1, CB), jnp.int32),
            pltpu.VMEM((2, CB, C_out), jnp.float32),
            pltpu.SemaphoreType.DMA,
            pltpu.SemaphoreType.DMA,
            pltpu.SemaphoreType.DMA,
            pltpu.SemaphoreType.DMA,
        ],
    )
    def sc_gather(y_hbm, idx_hbm, s_hbm, idx_v, acc_v, sem_i, sem_g0, sem_g1,
                  sem_o):
        sem_gs = (sem_g0, sem_g1)
        wid = lax.axis_index("s") * NCORES + lax.axis_index("c")
        base0 = wid * chunks * CB

        def fire_idx(t, p):
            r = (base0 + t * CB) // CB
            for j in range(K - 1):
                pltpu.async_copy(idx_hbm.at[j, r], idx_v.at[p, j], sem_i)

        def drain_gathers(p):
            for _j in range(K - 1):
                pltpu.make_async_copy(
                    y_hbm.at[pl.ds(0, CB)], acc_v.at[p], sem_gs[p]).wait()

        def body(t, p):
            base = base0 + t * CB
            for j in range(K - 1):
                pltpu.make_async_copy(
                    idx_hbm.at[j, 0], idx_v.at[p, j], sem_i).wait()
            @pl.when(t >= 2)
            def _():
                pltpu.make_async_copy(
                    acc_v.at[p], s_hbm.at[pl.ds(0, CB)], sem_o).wait()

            zvec = jnp.zeros((16,), jnp.float32)

            def zero(i, c2):
                for v in range(C_out // 16):
                    acc_v[p, i, pl.ds(v * 16, 16)] = zvec
                return c2

            lax.fori_loop(0, CB, zero, 0)
            for j in range(K - 1):
                pltpu.async_copy(
                    y_hbm.at[idx_v.at[p, j]], acc_v.at[p], sem_gs[p], add=True)
            @pl.when(t >= 1)
            def _():
                drain_gathers(1 - p)
                pltpu.async_copy(
                    acc_v.at[1 - p], s_hbm.at[pl.ds(base - CB, CB)], sem_o)

            @pl.when(t + 1 < chunks)
            def _():
                fire_idx(t + 1, 1 - p)

        fire_idx(0, 0)

        def pair(tt, carry):
            for p in range(2):
                t = tt * 2 + p

                @pl.when(t < chunks)
                def _():
                    body(t, p)

            return carry

        lax.fori_loop(0, (chunks + 1) // 2, pair, 0)
        p_last = (chunks - 1) % 2
        drain_gathers(p_last)
        pltpu.async_copy(
            acc_v.at[p_last],
            s_hbm.at[pl.ds((base0 + (chunks - 1) * CB), CB)], sem_o)
        for _p in range(2):
            pltpu.make_async_copy(
                acc_v.at[_p], s_hbm.at[pl.ds(0, CB)], sem_o).wait()

    return sc_gather


def kernel(x, gemm_vs, W, b):
    Bsz, C, N = x.shape
    K = gemm_vs.shape[-1] + 1
    C_out = W.shape[0]
    NP = ((N + NW * CB - 1) // (NW * CB)) * (NW * CB)
    chunks = NP // (NW * CB)
    nblk = pl.cdiv(N, CBN)

    Wr = jnp.transpose(W, (2, 1, 0)).astype(jnp.bfloat16)
    b2 = b.reshape(1, C_out)

    CBN1 = 2 * CBN
    nblk_full = NP // CBN1
    last_real = pl.cdiv(N, CBN1) - 1

    Y, idxT = pl.pallas_call(
        functools.partial(_mm_body, N, NP),
        grid=(nblk_full,),
        in_specs=[
            pl.BlockSpec((1, C, CBN1),
                         lambda nb: (0, 0, jnp.minimum(nb, last_real))),
            pl.BlockSpec((K, C, C_out), lambda nb: (0, 0, 0)),
            pl.BlockSpec((1, C_out), lambda nb: (0, 0)),
            pl.BlockSpec((1, CBN1, K - 1),
                         lambda nb: (0, jnp.minimum(nb, last_real), 0)),
        ],
        out_specs=[
            pl.BlockSpec((K, CBN1, C_out), lambda nb: (0, nb, 0)),
            pl.BlockSpec((K - 1, CBN1 // CB, CB), lambda nb: (0, nb, 0)),
        ],
        out_shape=[
            jax.ShapeDtypeStruct((K, NP, C_out), jnp.float32),
            jax.ShapeDtypeStruct((K - 1, NP // CB, CB), jnp.int32),
        ],
    )(x, Wr, b2, gemm_vs)

    S = _make_sc_gather(NP, K, C_out, chunks)(
        Y.reshape(K * NP, C_out), idxT)

    out = pl.pallas_call(
        _tr_body,
        grid=(nblk,),
        in_specs=[
            pl.BlockSpec((CBN, C_out), lambda nb: (nb, 0)),
            pl.BlockSpec((1, CBN, C_out), lambda nb: (0, nb, 0)),
        ],
        out_specs=pl.BlockSpec((1, C_out, CBN), lambda nb: (0, 0, nb)),
        out_shape=jax.ShapeDtypeStruct((1, C_out, N), jnp.float32),
    )(S, Y)

    return out[..., None]

# --- scband reference (transcript-rebuilt; emitter-appended) ---
"""Pipeline reference for scband-mesh-conv-point-35132832481370 (READ-ONLY COPY).

The authoritative reference and input builder live on the scoring server;
editing this copy changes nothing except your own understanding.
"""

import jax, jax.numpy as jnp
import numpy as np

B, C_IN, C_OUT, N, NBR = 1, 128, 128, 100000, 6
K = NBR + 1

def setup_inputs(seed: int = 0) -> dict:
    key = jax.random.key(seed)
    k1, k2, k3 = jax.random.split(key, 3)
    x = jax.random.normal(k1, (B, C_IN, N), dtype=jnp.float32)
    gemm_vs = jax.random.randint(k2, (B, N, NBR), 0, N, dtype=jnp.int32)
    W = jax.random.normal(k3, (C_OUT, C_IN, K), dtype=jnp.float32) * 0.05
    b = jnp.zeros((C_OUT,), dtype=jnp.float32)
    return {"x": x, "gemm_vs": gemm_vs, "W": W, "b": b}

def reference(x, gemm_vs, W, b):
    # x: [B, C, N]  (mesh replaced by explicit neighbor index tensor gemm_vs: [B, N, NBR])
    Bsz, C, Nn = x.shape
    k = gemm_vs.shape[-1] + 1
    # pad_gemm: prepend self index -> G: [B, N, k]
    self_idx = jnp.broadcast_to(jnp.arange(Nn, dtype=gemm_vs.dtype)[None, :, None], (Bsz, Nn, 1))
    G = jnp.concatenate([self_idx, gemm_vs], axis=2)
    # create_GeMM: prepend a zero 'padding' column to x, shift indices by +1
    xp = jnp.concatenate([jnp.zeros((Bsz, C, 1), dtype=x.dtype), x], axis=2)  # [B, C, N+1]
    Gi = G + 1
    # flatten_gemm_inds: per-batch row offsets into flattened (B*(N+1), C)
    xt = jnp.transpose(xp, (0, 2, 1)).reshape(Bsz * (Nn + 1), C)
    offs = (jnp.arange(Bsz, dtype=Gi.dtype) * (Nn + 1))[:, None, None]
    Gi_flat = (Gi + offs).reshape(-1)
    f = jnp.take(xt, Gi_flat, axis=0).reshape(Bsz, Nn, k, C)
    f = jnp.transpose(f, (0, 3, 1, 2))  # [B, C, N, k]
    # Conv2d with kernel (1, k): out[b, o, n, 0] = sum_{c,j} f[b,c,n,j] * W[o,c,j] + b[o]
    out = jnp.einsum('bcnj,ocj->bon', f, W) + b[None, :, None]
    return out[..., None]  # [B, C_OUT, N, 1]

if __name__ == "__main__":
    import jax
    _d = setup_inputs()
    print(jax.jit(kernel)(*tuple(_d.values())))

</pallas_src>

<mosaic_0001>
#map = affine_map<(d0, d1) -> (0, 0)>
#map1 = affine_map<(d0, d1) -> (0, 0, 0)>
module attributes {stable_mosaic.version = 14 : i64} {
  func.func @sc_gather(%arg0: i32, %arg1: i32, %arg2: memref<716800x128xf32, #tpu.memory_space<hbm>>, %arg3: memref<6x800x128xi32, #tpu.memory_space<hbm>>, %arg4: memref<102400x128xf32, #tpu.memory_space<hbm>>, %arg5: memref<2x6x128xi32, #tpu.memory_space<vmem>>, %arg6: memref<2x128x128xf32, #tpu.memory_space<vmem>>, %arg7: memref<!tpu.dma_semaphore, #tpu.memory_space<semaphore_mem>>, %arg8: memref<!tpu.dma_semaphore, #tpu.memory_space<semaphore_mem>>, %arg9: memref<!tpu.dma_semaphore, #tpu.memory_space<semaphore_mem>>, %arg10: memref<!tpu.dma_semaphore, #tpu.memory_space<semaphore_mem>>) attributes {dimension_semantics = [#tpu.dimension_semantics<core_parallel>, #tpu.dimension_semantics<subcore_parallel>], iteration_bounds = array<i64: 2, 16>, scalar_prefetch = 0 : i64, scratch_operands = 6 : i64, tpu.core_type = #tpu.core_type<sc_vector_subcore>, window_params = [{transform_indices = #map}, {transform_indices = #map1}, {transform_indices = #map}]} {
    %mul3A = arith.constant 2 : i32
    %mul3A_0 = arith.muli %arg1, %mul3A : i32
    %add3A = arith.addi %mul3A_0, %arg0 : i32
    %mul3A_1 = arith.constant 25 : i32
    %mul3A_2 = arith.muli %add3A, %mul3A_1 : i32
    %mul3A_3 = arith.constant 128 : i32
    %mul3A_4 = arith.muli %mul3A_2, %mul3A_3 : i32
    %add3A_5 = arith.constant 0 : i32
    %add3A_6 = arith.addi %mul3A_4, %add3A_5 : i32
    %jit3A = arith.constant 128 : i32
    %div3A = arith.divsi %add3A_6, %jit3A : i32
    %sign3A = arith.constant 0 : i32
    %sign3A_7 = arith.cmpi sgt, %add3A_6, %sign3A : i32
    %sign3A_8 = arith.extui %sign3A_7 : i1 to i32
    %sign3A_9 = arith.constant 0 : i32
    %sign3A_10 = arith.cmpi slt, %add3A_6, %sign3A_9 : i32
    %sign3A_11 = arith.extui %sign3A_10 : i1 to i32
    %sign3A_12 = arith.subi %sign3A_8, %sign3A_11 : i32
    %sign3A_13 = arith.constant 0 : i32
    %sign3A_14 = arith.cmpi sgt, %jit3A, %sign3A_13 : i32
    %sign3A_15 = arith.extui %sign3A_14 : i1 to i32
    %sign3A_16 = arith.constant 0 : i32
    %sign3A_17 = arith.cmpi slt, %jit3A, %sign3A_16 : i32
    %sign3A_18 = arith.extui %sign3A_17 : i1 to i32
    %sign3A_19 = arith.subi %sign3A_15, %sign3A_18 : i32
    %ne3A = arith.cmpi ne, %sign3A_12, %sign3A_19 : i32
    %rem3A = arith.remsi %add3A_6, %jit3A : i32
    %ne3A_20 = arith.constant 0 : i32
    %ne3A_21 = arith.cmpi ne, %rem3A, %ne3A_20 : i32
    %and3A = arith.andi %ne3A, %ne3A_21 : i1
    %sub3A = arith.constant 1 : i32
    %sub3A_22 = arith.subi %div3A, %sub3A : i32
    %select_n3A = arith.select %and3A, %sub3A_22, %div3A : i32
    %dma_start3A = arith.constant 0 : i32
    %dma_start3A_23 = arith.constant 0 : i32
    %dma_start3A_24 = arith.constant 0 : i32
    %dma_start3A_25 = arith.constant 0 : i32
    %dma_start3A_26 = tpu.memref_slice %arg5[%dma_start3A_23, %dma_start3A_24, %dma_start3A_25] : memref<2x6x128xi32, #tpu.memory_space<vmem>> -> memref<1x1x128xi32, #tpu.memory_space<vmem>>
    %dma_start3A_27 = tpu.memref_squeeze %dma_start3A_26 : memref<1x1x128xi32, #tpu.memory_space<vmem>> -> memref<128xi32, #tpu.memory_space<vmem>>
    %dma_start3A_28 = arith.constant 0 : i32
    %dma_start3A_29 = tpu.memref_slice %arg3[%dma_start3A, %select_n3A, %dma_start3A_28] : memref<6x800x128xi32, #tpu.memory_space<hbm>> -> memref<1x1x128xi32, #tpu.memory_space<hbm>>
    %dma_start3A_30 = tpu.memref_squeeze %dma_start3A_29 : memref<1x1x128xi32, #tpu.memory_space<hbm>> -> memref<128xi32, #tpu.memory_space<hbm>>
    %dma_start3A_31 = arith.constant 0 : i32
    %dma_start3A_32 = tpu.memref_slice %arg5[%dma_start3A_23, %dma_start3A_24, %dma_start3A_31] : memref<2x6x128xi32, #tpu.memory_space<vmem>> -> memref<1x1x128xi32, #tpu.memory_space<vmem>>
    %dma_start3A_33 = tpu.memref_squeeze %dma_start3A_32 : memref<1x1x128xi32, #tpu.memory_space<vmem>> -> memref<128xi32, #tpu.memory_space<vmem>>
    %dma_start3A_34 = arith.constant 0 : i32
    %dma_start3A_35 = tpu.memref_slice %arg3[%dma_start3A, %select_n3A, %dma_start3A_34] : memref<6x800x128xi32, #tpu.memory_space<hbm>> -> memref<1x1x128xi32, #tpu.memory_space<hbm>>
    %dma_start3A_36 = tpu.memref_squeeze %dma_start3A_35 : memref<1x1x128xi32, #tpu.memory_space<hbm>> -> memref<128xi32, #tpu.memory_space<hbm>>
    tpu.enqueue_dma source(%dma_start3A_36 : memref<128xi32, #tpu.memory_space<hbm>>) target(%dma_start3A_33 : memref<128xi32, #tpu.memory_space<vmem>>) target_semaphore(%arg7 : memref<!tpu.dma_semaphore, #tpu.memory_space<semaphore_mem>>)
    %dma_start3A_37 = arith.constant 1 : i32
    %dma_start3A_38 = arith.constant 0 : i32
    %dma_start3A_39 = arith.constant 1 : i32
    %dma_start3A_40 = arith.constant 0 : i32
    %dma_start3A_41 = tpu.memref_slice %arg5[%dma_start3A_38, %dma_start3A_39, %dma_start3A_40] : memref<2x6x128xi32, #tpu.memory_space<vmem>> -> memref<1x1x128xi32, #tpu.memory_space<vmem>>
    %dma_start3A_42 = tpu.memref_squeeze %dma_start3A_41 : memref<1x1x128xi32, #tpu.memory_space<vmem>> -> memref<128xi32, #tpu.memory_space<vmem>>
    %dma_start3A_43 = arith.constant 0 : i32
    %dma_start3A_44 = tpu.memref_slice %arg3[%dma_start3A_37, %select_n3A, %dma_start3A_43] : memref<6x800x128xi32, #tpu.memory_space<hbm>> -> memref<1x1x128xi32, #tpu.memory_space<hbm>>
    %dma_start3A_45 = tpu.memref_squeeze %dma_start3A_44 : memref<1x1x128xi32, #tpu.memory_space<hbm>> -> memref<128xi32, #tpu.memory_space<hbm>>
    %dma_start3A_46 = arith.constant 0 : i32
    %dma_start3A_47 = tpu.memref_slice %arg5[%dma_start3A_38, %dma_start3A_39, %dma_start3A_46] : memref<2x6x128xi32, #tpu.memory_space<vmem>> -> memref<1x1x128xi32, #tpu.memory_space<vmem>>
    %dma_start3A_48 = tpu.memref_squeeze %dma_start3A_47 : memref<1x1x128xi32, #tpu.memory_space<vmem>> -> memref<128xi32, #tpu.memory_space<vmem>>
    %dma_start3A_49 = arith.constant 0 : i32
    %dma_start3A_50 = tpu.memref_slice %arg3[%dma_start3A_37, %select_n3A, %dma_start3A_49] : memref<6x800x128xi32, #tpu.memory_space<hbm>> -> memref<1x1x128xi32, #tpu.memory_space<hbm>>
    %dma_start3A_51 = tpu.memref_squeeze %dma_start3A_50 : memref<1x1x128xi32, #tpu.memory_space<hbm>> -> memref<128xi32, #tpu.memory_space<hbm>>
    tpu.enqueue_dma source(%dma_start3A_51 : memref<128xi32, #tpu.memory_space<hbm>>) target(%dma_start3A_48 : memref<128xi32, #tpu.memory_space<vmem>>) target_semaphore(%arg7 : memref<!tpu.dma_semaphore, #tpu.memory_space<semaphore_mem>>)
    %dma_start3A_52 = arith.constant 2 : i32
    %dma_start3A_53 = arith.constant 0 : i32
    %dma_start3A_54 = arith.constant 2 : i32
    %dma_start3A_55 = arith.constant 0 : i32
    %dma_start3A_56 = tpu.memref_slice %arg5[%dma_start3A_53, %dma_start3A_54, %dma_start3A_55] : memref<2x6x128xi32, #tpu.memory_space<vmem>> -> memref<1x1x128xi32, #tpu.memory_space<vmem>>
    %dma_start3A_57 = tpu.memref_squeeze %dma_start3A_56 : memref<1x1x128xi32, #tpu.memory_space<vmem>> -> memref<128xi32, #tpu.memory_space<vmem>>
    %dma_start3A_58 = arith.constant 0 : i32
    %dma_start3A_59 = tpu.memref_slice %arg3[%dma_start3A_52, %select_n3A, %dma_start3A_58] : memref<6x800x128xi32, #tpu.memory_space<hbm>> -> memref<1x1x128xi32, #tpu.memory_space<hbm>>
    %dma_start3A_60 = tpu.memref_squeeze %dma_start3A_59 : memref<1x1x128xi32, #tpu.memory_space<hbm>> -> memref<128xi32, #tpu.memory_space<hbm>>
    %dma_start3A_61 = arith.constant 0 : i32
    %dma_start3A_62 = tpu.memref_slice %arg5[%dma_start3A_53, %dma_start3A_54, %dma_start3A_61] : memref<2x6x128xi32, #tpu.memory_space<vmem>> -> memref<1x1x128xi32, #tpu.memory_space<vmem>>
    %dma_start3A_63 = tpu.memref_squeeze %dma_start3A_62 : memref<1x1x128xi32, #tpu.memory_space<vmem>> -> memref<128xi32, #tpu.memory_space<vmem>>
    %dma_start3A_64 = arith.constant 0 : i32
    %dma_start3A_65 = tpu.memref_slice %arg3[%dma_start3A_52, %select_n3A, %dma_start3A_64] : memref<6x800x128xi32, #tpu.memory_space<hbm>> -> memref<1x1x128xi32, #tpu.memory_space<hbm>>
    %dma_start3A_66 = tpu.memref_squeeze %dma_start3A_65 : memref<1x1x128xi32, #tpu.memory_space<hbm>> -> memref<128xi32, #tpu.memory_space<hbm>>
    tpu.enqueue_dma source(%dma_start3A_66 : memref<128xi32, #tpu.memory_space<hbm>>) target(%dma_start3A_63 : memref<128xi32, #tpu.memory_space<vmem>>) target_semaphore(%arg7 : memref<!tpu.dma_semaphore, #tpu.memory_space<semaphore_mem>>)
    %dma_start3A_67 = arith.constant 3 : i32
    %dma_start3A_68 = arith.constant 0 : i32
    %dma_start3A_69 = arith.constant 3 : i32
    %dma_start3A_70 = arith.constant 0 : i32
    %dma_start3A_71 = tpu.memref_slice %arg5[%dma_start3A_68, %dma_start3A_69, %dma_start3A_70] : memref<2x6x128xi32, #tpu.memory_space<vmem>> -> memref<1x1x128xi32, #tpu.memory_space<vmem>>
    %dma_start3A_72 = tpu.memref_squeeze %dma_start3A_71 : memref<1x1x128xi32, #tpu.memory_space<vmem>> -> memref<128xi32, #tpu.memory_space<vmem>>
    %dma_start3A_73 = arith.constant 0 : i32
    %dma_start3A_74 = tpu.memref_slice %arg3[%dma_start3A_67, %select_n3A, %dma_start3A_73] : memref<6x800x128xi32, #tpu.memory_space<hbm>> -> memref<1x1x128xi32, #tpu.memory_space<hbm>>
    %dma_start3A_75 = tpu.memref_squeeze %dma_start3A_74 : memref<1x1x128xi32, #tpu.memory_space<hbm>> -> memref<128xi32, #tpu.memory_space<hbm>>
    %dma_start3A_76 = arith.constant 0 : i32
    %dma_start3A_77 = tpu.memref_slice %arg5[%dma_start3A_68, %dma_start3A_69, %dma_start3A_76] : memref<2x6x128xi32, #tpu.memory_space<vmem>> -> memref<1x1x128xi32, #tpu.memory_space<vmem>>
    %dma_start3A_78 = tpu.memref_squeeze %dma_start3A_77 : memref<1x1x128xi32, #tpu.memory_space<vmem>> -> memref<128xi32, #tpu.memory_space<vmem>>
    %dma_start3A_79 = arith.constant 0 : i32
    %dma_start3A_80 = tpu.memref_slice %arg3[%dma_start3A_67, %select_n3A, %dma_start3A_79] : memref<6x800x128xi32, #tpu.memory_space<hbm>> -> memref<1x1x128xi32, #tpu.memory_space<hbm>>
    %dma_start3A_81 = tpu.memref_squeeze %dma_start3A_80 : memref<1x1x128xi32, #tpu.memory_space<hbm>> -> memref<128xi32, #tpu.memory_space<hbm>>
    tpu.enqueue_dma source(%dma_start3A_81 : memref<128xi32, #tpu.memory_space<hbm>>) target(%dma_start3A_78 : memref<128xi32, #tpu.memory_space<vmem>>) target_semaphore(%arg7 : memref<!tpu.dma_semaphore, #tpu.memory_space<semaphore_mem>>)
    %dma_start3A_82 = arith.constant 4 : i32
    %dma_start3A_83 = arith.constant 0 : i32
    %dma_start3A_84 = arith.constant 4 : i32
    %dma_start3A_85 = arith.constant 0 : i32
    %dma_start3A_86 = tpu.memref_slice %arg5[%dma_start3A_83, %dma_start3A_84, %dma_start3A_85] : memref<2x6x128xi32, #tpu.memory_space<vmem>> -> memref<1x1x128xi32, #tpu.memory_space<vmem>>
    %dma_start3A_87 = tpu.memref_squeeze %dma_start3A_86 : memref<1x1x128xi32, #tpu.memory_space<vmem>> -> memref<128xi32, #tpu.memory_space<vmem>>
    %dma_start3A_88 = arith.constant 0 : i32
    %dma_start3A_89 = tpu.memref_slice %arg3[%dma_start3A_82, %select_n3A, %dma_start3A_88] : memref<6x800x128xi32, #tpu.memory_space<hbm>> -> memref<1x1x128xi32, #tpu.memory_space<hbm>>
    %dma_start3A_90 = tpu.memref_squeeze %dma_start3A_89 : memref<1x1x128xi32, #tpu.memory_space<hbm>> -> memref<128xi32, #tpu.memory_space<hbm>>
    %dma_start3A_91 = arith.constant 0 : i32
    %dma_start3A_92 = tpu.memref_slice %arg5[%dma_start3A_83, %dma_start3A_84, %dma_start3A_91] : memref<2x6x128xi32, #tpu.memory_space<vmem>> -> memref<1x1x128xi32, #tpu.memory_space<vmem>>
    %dma_start3A_93 = tpu.memref_squeeze %dma_start3A_92 : memref<1x1x128xi32, #tpu.memory_space<vmem>> -> memref<128xi32, #tpu.memory_space<vmem>>
    %dma_start3A_94 = arith.constant 0 : i32
    %dma_start3A_95 = tpu.memref_slice %arg3[%dma_start3A_82, %select_n3A, %dma_start3A_94] : memref<6x800x128xi32, #tpu.memory_space<hbm>> -> memref<1x1x128xi32, #tpu.memory_space<hbm>>
    %dma_start3A_96 = tpu.memref_squeeze %dma_start3A_95 : memref<1x1x128xi32, #tpu.memory_space<hbm>> -> memref<128xi32, #tpu.memory_space<hbm>>
    tpu.enqueue_dma source(%dma_start3A_96 : memref<128xi32, #tpu.memory_space<hbm>>) target(%dma_start3A_93 : memref<128xi32, #tpu.memory_space<vmem>>) target_semaphore(%arg7 : memref<!tpu.dma_semaphore, #tpu.memory_space<semaphore_mem>>)
    %dma_start3A_97 = arith.constant 5 : i32
    %dma_start3A_98 = arith.constant 0 : i32
    %dma_start3A_99 = arith.constant 5 : i32
    %dma_start3A_100 = arith.constant 0 : i32
    %dma_start3A_101 = tpu.memref_slice %arg5[%dma_start3A_98, %dma_start3A_99, %dma_start3A_100] : memref<2x6x128xi32, #tpu.memory_space<vmem>> -> memref<1x1x128xi32, #tpu.memory_space<vmem>>
    %dma_start3A_102 = tpu.memref_squeeze %dma_start3A_101 : memref<1x1x128xi32, #tpu.memory_space<vmem>> -> memref<128xi32, #tpu.memory_space<vmem>>
    %dma_start3A_103 = arith.constant 0 : i32
    %dma_start3A_104 = tpu.memref_slice %arg3[%dma_start3A_97, %select_n3A, %dma_start3A_103] : memref<6x800x128xi32, #tpu.memory_space<hbm>> -> memref<1x1x128xi32, #tpu.memory_space<hbm>>
    %dma_start3A_105 = tpu.memref_squeeze %dma_start3A_104 : memref<1x1x128xi32, #tpu.memory_space<hbm>> -> memref<128xi32, #tpu.memory_space<hbm>>
    %dma_start3A_106 = arith.constant 0 : i32
    %dma_start3A_107 = tpu.memref_slice %arg5[%dma_start3A_98, %dma_start3A_99, %dma_start3A_106] : memref<2x6x128xi32, #tpu.memory_space<vmem>> -> memref<1x1x128xi32, #tpu.memory_space<vmem>>
    %dma_start3A_108 = tpu.memref_squeeze %dma_start3A_107 : memref<1x1x128xi32, #tpu.memory_space<vmem>> -> memref<128xi32, #tpu.memory_space<vmem>>
    %dma_start3A_109 = arith.constant 0 : i32
    %dma_start3A_110 = tpu.memref_slice %arg3[%dma_start3A_97, %select_n3A, %dma_start3A_109] : memref<6x800x128xi32, #tpu.memory_space<hbm>> -> memref<1x1x128xi32, #tpu.memory_space<hbm>>
    %dma_start3A_111 = tpu.memref_squeeze %dma_start3A_110 : memref<1x1x128xi32, #tpu.memory_space<hbm>> -> memref<128xi32, #tpu.memory_space<hbm>>
    tpu.enqueue_dma source(%dma_start3A_111 : memref<128xi32, #tpu.memory_space<hbm>>) target(%dma_start3A_108 : memref<128xi32, #tpu.memory_space<vmem>>) target_semaphore(%arg7 : memref<!tpu.dma_semaphore, #tpu.memory_space<semaphore_mem>>)
    %scan3A = arith.constant 0 : i32
    %scan3A_112 = arith.constant 0 : i32
    %scan3A_113 = arith.constant 13 : i32
    %scan3A_114 = arith.addi %scan3A_112, %scan3A_113 : i32
    %scan3A_115 = arith.constant 1 : i32
    scf.for %scan3A_251 = %scan3A_112 to %scan3A_114 step %scan3A_115  : i32 {
      %mul3A_252 = arith.constant 2 : i32
      %mul3A_253 = arith.muli %scan3A_251, %mul3A_252 : i32
      %add3A_254 = arith.constant 0 : i32
      %add3A_255 = arith.addi %mul3A_253, %add3A_254 : i32
      %lt3A = arith.constant 25 : i32
      %lt3A_256 = arith.cmpi slt, %add3A_255, %lt3A : i32
      %convert_element_type3A = arith.extui %lt3A_256 : i1 to i32
      %cond3A = arith.constant 0 : i32
      %cond3A_257 = arith.cmpi ne, %convert_element_type3A, %cond3A : i32
      scf.if %cond3A_257 {
        %mul3A_267 = arith.constant 128 : i32
        %mul3A_268 = arith.muli %add3A_255, %mul3A_267 : i32
        %add3A_269 = arith.addi %mul3A_4, %mul3A_268 : i32
        %dma_wait3A_270 = arith.constant 0 : i32
        %dma_wait3A_271 = arith.constant 0 : i32
        %dma_wait3A_272 = arith.constant 0 : i32
        %dma_wait3A_273 = arith.constant 0 : i32
        %dma_wait3A_274 = arith.constant 0 : i32
        %dma_wait3A_275 = tpu.memref_slice %arg5[%dma_wait3A_272, %dma_wait3A_273, %dma_wait3A_274] : memref<2x6x128xi32, #tpu.memory_space<vmem>> -> memref<1x1x128xi32, #tpu.memory_space<vmem>>
        %dma_wait3A_276 = tpu.memref_squeeze %dma_wait3A_275 : memref<1x1x128xi32, #tpu.memory_space<vmem>> -> memref<128xi32, #tpu.memory_space<vmem>>
        %dma_wait3A_277 = arith.constant 0 : i32
        %dma_wait3A_278 = tpu.memref_slice %arg3[%dma_wait3A_270, %dma_wait3A_271, %dma_wait3A_277] : memref<6x800x128xi32, #tpu.memory_space<hbm>> -> memref<1x1x128xi32, #tpu.memory_space<hbm>>
        %dma_wait3A_279 = tpu.memref_squeeze %dma_wait3A_278 : memref<1x1x128xi32, #tpu.memory_space<hbm>> -> memref<128xi32, #tpu.memory_space<hbm>>
        %dma_wait3A_280 = arith.constant 0 : i32
        %dma_wait3A_281 = tpu.memref_slice %arg5[%dma_wait3A_272, %dma_wait3A_273, %dma_wait3A_280] : memref<2x6x128xi32, #tpu.memory_space<vmem>> -> memref<1x1x128xi32, #tpu.memory_space<vmem>>
        %dma_wait3A_282 = tpu.memref_squeeze %dma_wait3A_281 : memref<1x1x128xi32, #tpu.memory_space<vmem>> -> memref<128xi32, #tpu.memory_space<vmem>>
        %dma_wait3A_283 = arith.constant 0 : i32
        %dma_wait3A_284 = tpu.memref_slice %arg3[%dma_wait3A_270, %dma_wait3A_271, %dma_wait3A_283] : memref<6x800x128xi32, #tpu.memory_space<hbm>> -> memref<1x1x128xi32, #tpu.memory_space<hbm>>
        %dma_wait3A_285 = tpu.memref_squeeze %dma_wait3A_284 : memref<1x1x128xi32, #tpu.memory_space<hbm>> -> memref<128xi32, #tpu.memory_space<hbm>>
        tpu.wait_dma2 semaphore(%arg7 : memref<!tpu.dma_semaphore, #tpu.memory_space<semaphore_mem>>) src(%dma_wait3A_285 : memref<128xi32, #tpu.memory_space<hbm>>) dst(%dma_wait3A_282 : memref<128xi32, #tpu.memory_space<vmem>>)
        %dma_wait3A_286 = arith.constant 1 : i32
        %dma_wait3A_287 = arith.constant 0 : i32
        %dma_wait3A_288 = arith.constant 0 : i32
        %dma_wait3A_289 = arith.constant 1 : i32
        %dma_wait3A_290 = arith.constant 0 : i32
        %dma_wait3A_291 = tpu.memref_slice %arg5[%dma_wait3A_288, %dma_wait3A_289, %dma_wait3A_290] : memref<2x6x128xi32, #tpu.memory_space<vmem>> -> memref<1x1x128xi32, #tpu.memory_space<vmem>>
        %dma_wait3A_292 = tpu.memref_squeeze %dma_wait3A_291 : memref<1x1x128xi32, #tpu.memory_space<vmem>> -> memref<128xi32, #tpu.memory_space<vmem>>
        %dma_wait3A_293 = arith.constant 0 : i32
        %dma_wait3A_294 = tpu.memref_slice %arg3[%dma_wait3A_286, %dma_wait3A_287, %dma_wait3A_293] : memref<6x800x128xi32, #tpu.memory_space<hbm>> -> memref<1x1x128xi32, #tpu.memory_space<hbm>>
        %dma_wait3A_295 = tpu.memref_squeeze %dma_wait3A_294 : memref<1x1x128xi32, #tpu.memory_space<hbm>> -> memref<128xi32, #tpu.memory_space<hbm>>
        %dma_wait3A_296 = arith.constant 0 : i32
        %dma_wait3A_297 = tpu.memref_slice %arg5[%dma_wait3A_288, %dma_wait3A_289, %dma_wait3A_296] : memref<2x6x128xi32, #tpu.memory_space<vmem>> -> memref<1x1x128xi32, #tpu.memory_space<vmem>>
        %dma_wait3A_298 = tpu.memref_squeeze %dma_wait3A_297 : memref<1x1x128xi32, #tpu.memory_space<vmem>> -> memref<128xi32, #tpu.memory_space<vmem>>
        %dma_wait3A_299 = arith.constant 0 : i32
        %dma_wait3A_300 = tpu.memref_slice %arg3[%dma_wait3A_286, %dma_wait3A_287, %dma_wait3A_299] : memref<6x800x128xi32, #tpu.memory_space<hbm>> -> memref<1x1x128xi32, #tpu.memory_space<hbm>>
        %dma_wait3A_301 = tpu.memref_squeeze %dma_wait3A_300 : memref<1x1x128xi32, #tpu.memory_space<hbm>> -> memref<128xi32, #tpu.memory_space<hbm>>
        tpu.wait_dma2 semaphore(%arg7 : memref<!tpu.dma_semaphore, #tpu.memory_space<semaphore_mem>>) src(%dma_wait3A_301 : memref<128xi32, #tpu.memory_space<hbm>>) dst(%dma_wait3A_298 : memref<128xi32, #tpu.memory_space<vmem>>)
        %dma_wait3A_302 = arith.constant 2 : i32
        %dma_wait3A_303 = arith.constant 0 : i32
        %dma_wait3A_304 = arith.constant 0 : i32
        %dma_wait3A_305 = arith.constant 2 : i32
        %dma_wait3A_306 = arith.constant 0 : i32
        %dma_wait3A_307 = tpu.memref_slice %arg5[%dma_wait3A_304, %dma_wait3A_305, %dma_wait3A_306] : memref<2x6x128xi32, #tpu.memory_space<vmem>> -> memref<1x1x128xi32, #tpu.memory_space<vmem>>
        %dma_wait3A_308 = tpu.memref_squeeze %dma_wait3A_307 : memref<1x1x128xi32, #tpu.memory_space<vmem>> -> memref<128xi32, #tpu.memory_space<vmem>>
        %dma_wait3A_309 = arith.constant 0 : i32
        %dma_wait3A_310 = tpu.memref_slice %arg3[%dma_wait3A_302, %dma_wait3A_303, %dma_wait3A_309] : memref<6x800x128xi32, #tpu.memory_space<hbm>> -> memref<1x1x128xi32, #tpu.memory_space<hbm>>
        %dma_wait3A_311 = tpu.memref_squeeze %dma_wait3A_310 : memref<1x1x128xi32, #tpu.memory_space<hbm>> -> memref<128xi32, #tpu.memory_space<hbm>>
        %dma_wait3A_312 = arith.constant 0 : i32
        %dma_wait3A_313 = tpu.memref_slice %arg5[%dma_wait3A_304, %dma_wait3A_305, %dma_wait3A_312] : memref<2x6x128xi32, #tpu.memory_space<vmem>> -> memref<1x1x128xi32, #tpu.memory_space<vmem>>
        %dma_wait3A_314 = tpu.memref_squeeze %dma_wait3A_313 : memref<1x1x128xi32, #tpu.memory_space<vmem>> -> memref<128xi32, #tpu.memory_space<vmem>>
        %dma_wait3A_315 = arith.constant 0 : i32
        %dma_wait3A_316 = tpu.memref_slice %arg3[%dma_wait3A_302, %dma_wait3A_303, %dma_wait3A_315] : memref<6x800x128xi32, #tpu.memory_space<hbm>> -> memref<1x1x128xi32, #tpu.memory_space<hbm>>
        %dma_wait3A_317 = tpu.memref_squeeze %dma_wait3A_316 : memref<1x1x128xi32, #tpu.memory_space<hbm>> -> memref<128xi32, #tpu.memory_space<hbm>>
        tpu.wait_dma2 semaphore(%arg7 : memref<!tpu.dma_semaphore, #tpu.memory_space<semaphore_mem>>) src(%dma_wait3A_317 : memref<128xi32, #tpu.memory_space<hbm>>) dst(%dma_wait3A_314 : memref<128xi32, #tpu.memory_space<vmem>>)
        %dma_wait3A_318 = arith.constant 3 : i32
        %dma_wait3A_319 = arith.constant 0 : i32
        %dma_wait3A_320 = arith.constant 0 : i32
        %dma_wait3A_321 = arith.constant 3 : i32
        %dma_wait3A_322 = arith.constant 0 : i32
        %dma_wait3A_323 = tpu.memref_slice %arg5[%dma_wait3A_320, %dma_wait3A_321, %dma_wait3A_322] : memref<2x6x128xi32, #tpu.memory_space<vmem>> -> memref<1x1x128xi32, #tpu.memory_space<vmem>>
        %dma_wait3A_324 = tpu.memref_squeeze %dma_wait3A_323 : memref<1x1x128xi32, #tpu.memory_space<vmem>> -> memref<128xi32, #tpu.memory_space<vmem>>
        %dma_wait3A_325 = arith.constant 0 : i32
        %dma_wait3A_326 = tpu.memref_slice %arg3[%dma_wait3A_318, %dma_wait3A_319, %dma_wait3A_325] : memref<6x800x128xi32, #tpu.memory_space<hbm>> -> memref<1x1x128xi32, #tpu.memory_space<hbm>>
        %dma_wait3A_327 = tpu.memref_squeeze %dma_wait3A_326 : memref<1x1x128xi32, #tpu.memory_space<hbm>> -> memref<128xi32, #tpu.memory_space<hbm>>
        %dma_wait3A_328 = arith.constant 0 : i32
        %dma_wait3A_329 = tpu.memref_slice %arg5[%dma_wait3A_320, %dma_wait3A_321, %dma_wait3A_328] : memref<2x6x128xi32, #tpu.memory_space<vmem>> -> memref<1x1x128xi32, #tpu.memory_space<vmem>>
        %dma_wait3A_330 = tpu.memref_squeeze %dma_wait3A_329 : memref<1x1x128xi32, #tpu.memory_space<vmem>> -> memref<128xi32, #tpu.memory_space<vmem>>
        %dma_wait3A_331 = arith.constant 0 : i32
        %dma_wait3A_332 = tpu.memref_slice %arg3[%dma_wait3A_318, %dma_wait3A_319, %dma_wait3A_331] : memref<6x800x128xi32, #tpu.memory_space<hbm>> -> memref<1x1x128xi32, #tpu.memory_space<hbm>>
        %dma_wait3A_333 = tpu.memref_squeeze %dma_wait3A_332 : memref<1x1x128xi32, #tpu.memory_space<hbm>> -> memref<128xi32, #tpu.memory_space<hbm>>
        tpu.wait_dma2 semaphore(%arg7 : memref<!tpu.dma_semaphore, #tpu.memory_space<semaphore_mem>>) src(%dma_wait3A_333 : memref<128xi32, #tpu.memory_space<hbm>>) dst(%dma_wait3A_330 : memref<128xi32, #tpu.memory_space<vmem>>)
        %dma_wait3A_334 = arith.constant 4 : i32
        %dma_wait3A_335 = arith.constant 0 : i32
        %dma_wait3A_336 = arith.constant 0 : i32
        %dma_wait3A_337 = arith.constant 4 : i32
        %dma_wait3A_338 = arith.constant 0 : i32
        %dma_wait3A_339 = tpu.memref_slice %arg5[%dma_wait3A_336, %dma_wait3A_337, %dma_wait3A_338] : memref<2x6x128xi32, #tpu.memory_space<vmem>> -> memref<1x1x128xi32, #tpu.memory_space<vmem>>
        %dma_wait3A_340 = tpu.memref_squeeze %dma_wait3A_339 : memref<1x1x128xi32, #tpu.memory_space<vmem>> -> memref<128xi32, #tpu.memory_space<vmem>>
        %dma_wait3A_341 = arith.constant 0 : i32
        %dma_wait3A_342 = tpu.memref_slice %arg3[%dma_wait3A_334, %dma_wait3A_335, %dma_wait3A_341] : memref<6x800x128xi32, #tpu.memory_space<hbm>> -> memref<1x1x128xi32, #tpu.memory_space<hbm>>
        %dma_wait3A_343 = tpu.memref_squeeze %dma_wait3A_342 : memref<1x1x128xi32, #tpu.memory_space<hbm>> -> memref<128xi32, #tpu.memory_space<hbm>>
        %dma_wait3A_344 = arith.constant 0 : i32
        %dma_wait3A_345 = tpu.memref_slice %arg5[%dma_wait3A_336, %dma_wait3A_337, %dma_wait3A_344] : memref<2x6x128xi32, #tpu.memory_space<vmem>> -> memref<1x1x128xi32, #tpu.memory_space<vmem>>
        %dma_wait3A_346 = tpu.memref_squeeze %dma_wait3A_345 : memref<1x1x128xi32, #tpu.memory_space<vmem>> -> memref<128xi32, #tpu.memory_space<vmem>>
        %dma_wait3A_347 = arith.constant 0 : i32
        %dma_wait3A_348 = tpu.memref_slice %arg3[%dma_wait3A_334, %dma_wait3A_335, %dma_wait3A_347] : memref<6x800x128xi32, #tpu.memory_space<hbm>> -> memref<1x1x128xi32, #tpu.memory_space<hbm>>
        %dma_wait3A_349 = tpu.memref_squeeze %dma_wait3A_348 : memref<1x1x128xi32, #tpu.memory_space<hbm>> -> memref<128xi32, #tpu.memory_space<hbm>>
        tpu.wait_dma2 semaphore(%arg7 : memref<!tpu.dma_semaphore, #tpu.memory_space<semaphore_mem>>) src(%dma_wait3A_349 : memref<128xi32, #tpu.memory_space<hbm>>) dst(%dma_wait3A_346 : memref<128xi32, #tpu.memory_space<vmem>>)
        %dma_wait3A_350 = arith.constant 5 : i32
        %dma_wait3A_351 = arith.constant 0 : i32
        %dma_wait3A_352 = arith.constant 0 : i32
        %dma_wait3A_353 = arith.constant 5 : i32
        %dma_wait3A_354 = arith.constant 0 : i32
        %dma_wait3A_355 = tpu.memref_slice %arg5[%dma_wait3A_352, %dma_wait3A_353, %dma_wait3A_354] : memref<2x6x128xi32, #tpu.memory_space<vmem>> -> memref<1x1x128xi32, #tpu.memory_space<vmem>>
        %dma_wait3A_356 = tpu.memref_squeeze %dma_wait3A_355 : memref<1x1x128xi32, #tpu.memory_space<vmem>> -> memref<128xi32, #tpu.memory_space<vmem>>
        %dma_wait3A_357 = arith.constant 0 : i32
        %dma_wait3A_358 = tpu.memref_slice %arg3[%dma_wait3A_350, %dma_wait3A_351, %dma_wait3A_357] : memref<6x800x128xi32, #tpu.memory_space<hbm>> -> memref<1x1x128xi32, #tpu.memory_space<hbm>>
        %dma_wait3A_359 = tpu.memref_squeeze %dma_wait3A_358 : memref<1x1x128xi32, #tpu.memory_space<hbm>> -> memref<128xi32, #tpu.memory_space<hbm>>
        %dma_wait3A_360 = arith.constant 0 : i32
        %dma_wait3A_361 = tpu.memref_slice %arg5[%dma_wait3A_352, %dma_wait3A_353, %dma_wait3A_360] : memref<2x6x128xi32, #tpu.memory_space<vmem>> -> memref<1x1x128xi32, #tpu.memory_space<vmem>>
        %dma_wait3A_362 = tpu.memref_squeeze %dma_wait3A_361 : memref<1x1x128xi32, #tpu.memory_space<vmem>> -> memref<128xi32, #tpu.memory_space<vmem>>
        %dma_wait3A_363 = arith.constant 0 : i32
        %dma_wait3A_364 = tpu.memref_slice %arg3[%dma_wait3A_350, %dma_wait3A_351, %dma_wait3A_363] : memref<6x800x128xi32, #tpu.memory_space<hbm>> -> memref<1x1x128xi32, #tpu.memory_space<hbm>>
        %dma_wait3A_365 = tpu.memref_squeeze %dma_wait3A_364 : memref<1x1x128xi32, #tpu.memory_space<hbm>> -> memref<128xi32, #tpu.memory_space<hbm>>
        tpu.wait_dma2 semaphore(%arg7 : memref<!tpu.dma_semaphore, #tpu.memory_space<semaphore_mem>>) src(%dma_wait3A_365 : memref<128xi32, #tpu.memory_space<hbm>>) dst(%dma_wait3A_362 : memref<128xi32, #tpu.memory_space<vmem>>)
        %ge3A = arith.constant 2 : i32
        %ge3A_366 = arith.cmpi sge, %add3A_255, %ge3A : i32
        %convert_element_type3A_367 = arith.extui %ge3A_366 : i1 to i32
        %cond3A_368 = arith.constant 0 : i32
        %cond3A_369 = arith.cmpi ne, %convert_element_type3A_367, %cond3A_368 : i32
        scf.if %cond3A_369 {
          %dma_wait3A_467 = arith.constant 0 : i32
          %dma_wait3A_468 = arith.constant 0 : i32
          %dma_wait3A_469 = arith.constant 0 : i32
          %dma_wait3A_470 = tpu.memref_slice %arg6[%dma_wait3A_467, %dma_wait3A_468, %dma_wait3A_469] : memref<2x128x128xf32, #tpu.memory_space<vmem>> -> memref<1x128x128xf32, #tpu.memory_space<vmem>>
          %dma_wait3A_471 = tpu.memref_squeeze %dma_wait3A_470 : memref<1x128x128xf32, #tpu.memory_space<vmem>> -> memref<128x128xf32, #tpu.memory_space<vmem>>
          %dma_wait3A_472 = arith.constant 0 : i32
          %dma_wait3A_473 = arith.constant 0 : i32
          %dma_wait3A_474 = tpu.memref_slice %arg4[%dma_wait3A_472, %dma_wait3A_473] : memref<102400x128xf32, #tpu.memory_space<hbm>> -> memref<128x128xf32, #tpu.memory_space<hbm>>
          %dma_wait3A_475 = arith.constant 0 : i32
          %dma_wait3A_476 = arith.constant 0 : i32
          %dma_wait3A_477 = tpu.memref_slice %arg4[%dma_wait3A_475, %dma_wait3A_476] : memref<102400x128xf32, #tpu.memory_space<hbm>> -> memref<128x128xf32, #tpu.memory_space<hbm>>
          %dma_wait3A_478 = arith.constant 0 : i32
          %dma_wait3A_479 = arith.constant 0 : i32
          %dma_wait3A_480 = tpu.memref_slice %arg6[%dma_wait3A_467, %dma_wait3A_478, %dma_wait3A_479] : memref<2x128x128xf32, #tpu.memory_space<vmem>> -> memref<1x128x128xf32, #tpu.memory_space<vmem>>
          %dma_wait3A_481 = tpu.memref_squeeze %dma_wait3A_480 : memref<1x128x128xf32, #tpu.memory_space<vmem>> -> memref<128x128xf32, #tpu.memory_space<vmem>>
          tpu.wait_dma2 semaphore(%arg10 : memref<!tpu.dma_semaphore, #tpu.memory_space<semaphore_mem>>) src(%dma_wait3A_481 : memref<128x128xf32, #tpu.memory_space<vmem>>) dst(%dma_wait3A_477 : memref<128x128xf32, #tpu.memory_space<hbm>>)
        } else {
        }
        %broadcast_in_dim3A = arith.constant 0.000000e+00 : f32
        %broadcast_in_dim3A_370 = vector.broadcast %broadcast_in_dim3A : f32 to vector<16xf32>
        %scan3A_371 = arith.constant 0 : i32
        %scan3A_372 = arith.constant 0 : i32
        %scan3A_373 = arith.constant 128 : i32
        %scan3A_374 = arith.addi %scan3A_372, %scan3A_373 : i32
        %scan3A_375 = arith.constant 1 : i32
        scf.for %scan3A_467 = %scan3A_372 to %scan3A_374 step %scan3A_375  : i32 {
          %swap3A = arith.constant 0 : i32
          %swap3A_468 = arith.index_cast %swap3A : i32 to index
          %swap3A_469 = arith.index_cast %scan3A_467 : i32 to index
          %swap3A_470 = arith.constant 0 : index
          %swap3A_471 = tpu.vector_load %arg6[%swap3A_468, %swap3A_469, %swap3A_470] {strides = array<i32>} : memref<2x128x128xf32, #tpu.memory_space<vmem>>, vector<1x1x16xf32>,
          %swap3A_472 = vector.shape_cast %swap3A_471 : vector<1x1x16xf32> to vector<16xf32>
          %swap3A_473 = vector.shape_cast %broadcast_in_dim3A_370 : vector<16xf32> to vector<1x1x16xf32>
          tpu.vector_store %arg6[%swap3A_468, %swap3A_469, %swap3A_470], %swap3A_473 {strides = array<i32>} : memref<2x128x128xf32, #tpu.memory_space<vmem>>, vector<1x1x16xf32>,
          %swap3A_474 = arith.constant 0 : i32
          %swap3A_475 = arith.index_cast %swap3A_474 : i32 to index
          %swap3A_476 = arith.index_cast %scan3A_467 : i32 to index
          %swap3A_477 = arith.constant 16 : index
          %swap3A_478 = tpu.vector_load %arg6[%swap3A_475, %swap3A_476, %swap3A_477] {strides = array<i32>} : memref<2x128x128xf32, #tpu.memory_space<vmem>>, vector<1x1x16xf32>,
          %swap3A_479 = vector.shape_cast %swap3A_478 : vector<1x1x16xf32> to vector<16xf32>
          %swap3A_480 = vector.shape_cast %broadcast_in_dim3A_370 : vector<16xf32> to vector<1x1x16xf32>
          tpu.vector_store %arg6[%swap3A_475, %swap3A_476, %swap3A_477], %swap3A_480 {strides = array<i32>} : memref<2x128x128xf32, #tpu.memory_space<vmem>>, vector<1x1x16xf32>,
          %swap3A_481 = arith.constant 0 : i32
          %swap3A_482 = arith.index_cast %swap3A_481 : i32 to index
          %swap3A_483 = arith.index_cast %scan3A_467 : i32 to index
          %swap3A_484 = arith.constant 32 : index
          %swap3A_485 = tpu.vector_load %arg6[%swap3A_482, %swap3A_483, %swap3A_484] {strides = array<i32>} : memref<2x128x128xf32, #tpu.memory_space<vmem>>, vector<1x1x16xf32>,
          %swap3A_486 = vector.shape_cast %swap3A_485 : vector<1x1x16xf32> to vector<16xf32>
          %swap3A_487 = vector.shape_cast %broadcast_in_dim3A_370 : vector<16xf32> to vector<1x1x16xf32>
          tpu.vector_store %arg6[%swap3A_482, %swap3A_483, %swap3A_484], %swap3A_487 {strides = array<i32>} : memref<2x128x128xf32, #tpu.memory_space<vmem>>, vector<1x1x16xf32>,
          %swap3A_488 = arith.constant 0 : i32
          %swap3A_489 = arith.index_cast %swap3A_488 : i32 to index
          %swap3A_490 = arith.index_cast %scan3A_467 : i32 to index
          %swap3A_491 = arith.constant 48 : index
          %swap3A_492 = tpu.vector_load %arg6[%swap3A_489, %swap3A_490, %swap3A_491] {strides = array<i32>} : memref<2x128x128xf32, #tpu.memory_space<vmem>>, vector<1x1x16xf32>,
          %swap3A_493 = vector.shape_cast %swap3A_492 : vector<1x1x16xf32> to vector<16xf32>
          %swap3A_494 = vector.shape_cast %broadcast_in_dim3A_370 : vector<16xf32> to vector<1x1x16xf32>
          tpu.vector_store %arg6[%swap3A_489, %swap3A_490, %swap3A_491], %swap3A_494 {strides = array<i32>} : memref<2x128x128xf32, #tpu.memory_space<vmem>>, vector<1x1x16xf32>,
          %swap3A_495 = arith.constant 0 : i32
          %swap3A_496 = arith.index_cast %swap3A_495 : i32 to index
          %swap3A_497 = arith.index_cast %scan3A_467 : i32 to index
          %swap3A_498 = arith.constant 64 : index
          %swap3A_499 = tpu.vector_load %arg6[%swap3A_496, %swap3A_497, %swap3A_498] {strides = array<i32>} : memref<2x128x128xf32, #tpu.memory_space<vmem>>, vector<1x1x16xf32>,
          %swap3A_500 = vector.shape_cast %swap3A_499 : vector<1x1x16xf32> to vector<16xf32>
          %swap3A_501 = vector.shape_cast %broadcast_in_dim3A_370 : vector<16xf32> to vector<1x1x16xf32>
          tpu.vector_store %arg6[%swap3A_496, %swap3A_497, %swap3A_498], %swap3A_501 {strides = array<i32>} : memref<2x128x128xf32, #tpu.memory_space<vmem>>, vector<1x1x16xf32>,
          %swap3A_502 = arith.constant 0 : i32
          %swap3A_503 = arith.index_cast %swap3A_502 : i32 to index
          %swap3A_504 = arith.index_cast %scan3A_467 : i32 to index
          %swap3A_505 = arith.constant 80 : index
          %swap3A_506 = tpu.vector_load %arg6[%swap3A_503, %swap3A_504, %swap3A_505] {strides = array<i32>} : memref<2x128x128xf32, #tpu.memory_space<vmem>>, vector<1x1x16xf32>,
          %swap3A_507 = vector.shape_cast %swap3A_506 : vector<1x1x16xf32> to vector<16xf32>
          %swap3A_508 = vector.shape_cast %broadcast_in_dim3A_370 : vector<16xf32> to vector<1x1x16xf32>
          tpu.vector_store %arg6[%swap3A_503, %swap3A_504, %swap3A_505], %swap3A_508 {strides = array<i32>} : memref<2x128x128xf32, #tpu.memory_space<vmem>>, vector<1x1x16xf32>,
          %swap3A_509 = arith.constant 0 : i32
          %swap3A_510 = arith.index_cast %swap3A_509 : i32 to index
          %swap3A_511 = arith.index_cast %scan3A_467 : i32 to index
          %swap3A_512 = arith.constant 96 : index
          %swap3A_513 = tpu.vector_load %arg6[%swap3A_510, %swap3A_511, %swap3A_512] {strides = array<i32>} : memref<2x128x128xf32, #tpu.memory_space<vmem>>, vector<1x1x16xf32>,
          %swap3A_514 = vector.shape_cast %swap3A_513 : vector<1x1x16xf32> to vector<16xf32>
          %swap3A_515 = vector.shape_cast %broadcast_in_dim3A_370 : vector<16xf32> to vector<1x1x16xf32>
          tpu.vector_store %arg6[%swap3A_510, %swap3A_511, %swap3A_512], %swap3A_515 {strides = array<i32>} : memref<2x128x128xf32, #tpu.memory_space<vmem>>, vector<1x1x16xf32>,
          %swap3A_516 = arith.constant 0 : i32
          %swap3A_517 = arith.index_cast %swap3A_516 : i32 to index
          %swap3A_518 = arith.index_cast %scan3A_467 : i32 to index
          %swap3A_519 = arith.constant 112 : index
          %swap3A_520 = tpu.vector_load %arg6[%swap3A_517, %swap3A_518, %swap3A_519] {strides = array<i32>} : memref<2x128x128xf32, #tpu.memory_space<vmem>>, vector<1x1x16xf32>,
          %swap3A_521 = vector.shape_cast %swap3A_520 : vector<1x1x16xf32> to vector<16xf32>
          %swap3A_522 = vector.shape_cast %broadcast_in_dim3A_370 : vector<16xf32> to vector<1x1x16xf32>
          tpu.vector_store %arg6[%swap3A_517, %swap3A_518, %swap3A_519], %swap3A_522 {strides = array<i32>} : memref<2x128x128xf32, #tpu.memory_space<vmem>>, vector<1x1x16xf32>,
        }
        %scan3A_376 = arith.constant 128 : i32
        %dma_start3A_377 = arith.constant 0 : i32
        %dma_start3A_378 = arith.constant 0 : i32
        %dma_start3A_379 = arith.constant 0 : i32
        %dma_start3A_380 = arith.constant 0 : i32
        %dma_start3A_381 = arith.constant 0 : i32
        %dma_start3A_382 = tpu.memref_slice %arg6[%dma_start3A_379, %dma_start3A_380, %dma_start3A_381] : memref<2x128x128xf32, #tpu.memory_space<vmem>> -> memref<1x128x128xf32, #tpu.memory_space<vmem>>
        %dma_start3A_383 = tpu.memref_squeeze %dma_start3A_382 : memref<1x128x128xf32, #tpu.memory_space<vmem>> -> memref<128x128xf32, #tpu.memory_space<vmem>>
        %dma_start3A_384 = arith.constant 0 : i32
        %dma_start3A_385 = tpu.memref_slice %arg5[%dma_start3A_377, %dma_start3A_378, %dma_start3A_384] : memref<2x6x128xi32, #tpu.memory_space<vmem>> -> memref<1x1x128xi32, #tpu.memory_space<vmem>>
        %dma_start3A_386 = tpu.memref_squeeze %dma_start3A_385 : memref<1x1x128xi32, #tpu.memory_space<vmem>> -> memref<128xi32, #tpu.memory_space<vmem>>
        %dma_start3A_387 = arith.constant 0 : i32
        %dma_start3A_388 = arith.constant 0 : i32
        %dma_start3A_389 = tpu.memref_slice %arg2[%dma_start3A_387, %dma_start3A_388] : memref<716800x128xf32, #tpu.memory_space<hbm>> -> memref<716800x128xf32, #tpu.memory_space<hbm>>
        tpu.enqueue_indirect_dma source(%dma_start3A_389 : memref<716800x128xf32, #tpu.memory_space<hbm>>) target(%dma_start3A_383 : memref<128x128xf32, #tpu.memory_space<vmem>>) offsets(%dma_start3A_386 : memref<128xi32, #tpu.memory_space<vmem>>) semaphore(%arg8 : memref<!tpu.dma_semaphore, #tpu.memory_space<semaphore_mem>>) {add = true}
        %dma_start3A_390 = arith.constant 0 : i32
        %dma_start3A_391 = arith.constant 1 : i32
        %dma_start3A_392 = arith.constant 0 : i32
        %dma_start3A_393 = arith.constant 0 : i32
        %dma_start3A_394 = arith.constant 0 : i32
        %dma_start3A_395 = tpu.memref_slice %arg6[%dma_start3A_392, %dma_start3A_393, %dma_start3A_394] : memref<2x128x128xf32, #tpu.memory_space<vmem>> -> memref<1x128x128xf32, #tpu.memory_space<vmem>>
        %dma_start3A_396 = tpu.memref_squeeze %dma_start3A_395 : memref<1x128x128xf32, #tpu.memory_space<vmem>> -> memref<128x128xf32, #tpu.memory_space<vmem>>
        %dma_start3A_397 = arith.constant 0 : i32
        %dma_start3A_398 = tpu.memref_slice %arg5[%dma_start3A_390, %dma_start3A_391, %dma_start3A_397] : memref<2x6x128xi32, #tpu.memory_space<vmem>> -> memref<1x1x128xi32, #tpu.memory_space<vmem>>
        %dma_start3A_399 = tpu.memref_squeeze %dma_start3A_398 : memref<1x1x128xi32, #tpu.memory_space<vmem>> -> memref<128xi32, #tpu.memory_space<vmem>>
        %dma_start3A_400 = arith.constant 0 : i32
        %dma_start3A_401 = arith.constant 0 : i32
        %dma_start3A_402 = tpu.memref_slice %arg2[%dma_start3A_400, %dma_start3A_401] : memref<716800x128xf32, #tpu.memory_space<hbm>> -> memref<716800x128xf32, #tpu.memory_space<hbm>>
        tpu.enqueue_indirect_dma source(%dma_start3A_402 : memref<716800x128xf32, #tpu.memory_space<hbm>>) target(%dma_start3A_396 : memref<128x128xf32, #tpu.memory_space<vmem>>) offsets(%dma_start3A_399 : memref<128xi32, #tpu.memory_space<vmem>>) semaphore(%arg8 : memref<!tpu.dma_semaphore, #tpu.memory_space<semaphore_mem>>) {add = true}
        %dma_start3A_403 = arith.constant 0 : i32
        %dma_start3A_404 = arith.constant 2 : i32
        %dma_start3A_405 = arith.constant 0 : i32
        %dma_start3A_406 = arith.constant 0 : i32
        %dma_start3A_407 = arith.constant 0 : i32
        %dma_start3A_408 = tpu.memref_slice %arg6[%dma_start3A_405, %dma_start3A_406, %dma_start3A_407] : memref<2x128x128xf32, #tpu.memory_space<vmem>> -> memref<1x128x128xf32, #tpu.memory_space<vmem>>
        %dma_start3A_409 = tpu.memref_squeeze %dma_start3A_408 : memref<1x128x128xf32, #tpu.memory_space<vmem>> -> memref<128x128xf32, #tpu.memory_space<vmem>>
        %dma_start3A_410 = arith.constant 0 : i32
        %dma_start3A_411 = tpu.memref_slice %arg5[%dma_start3A_403, %dma_start3A_404, %dma_start3A_410] : memref<2x6x128xi32, #tpu.memory_space<vmem>> -> memref<1x1x128xi32, #tpu.memory_space<vmem>>
        %dma_start3A_412 = tpu.memref_squeeze %dma_start3A_411 : memref<1x1x128xi32, #tpu.memory_space<vmem>> -> memref<128xi32, #tpu.memory_space<vmem>>
        %dma_start3A_413 = arith.constant 0 : i32
        %dma_start3A_414 = arith.constant 0 : i32
        %dma_start3A_415 = tpu.memref_slice %arg2[%dma_start3A_413, %dma_start3A_414] : memref<716800x128xf32, #tpu.memory_space<hbm>> -> memref<716800x128xf32, #tpu.memory_space<hbm>>
        tpu.enqueue_indirect_dma source(%dma_start3A_415 : memref<716800x128xf32, #tpu.memory_space<hbm>>) target(%dma_start3A_409 : memref<128x128xf32, #tpu.memory_space<vmem>>) offsets(%dma_start3A_412 : memref<128xi32, #tpu.memory_space<vmem>>) semaphore(%arg8 : memref<!tpu.dma_semaphore, #tpu.memory_space<semaphore_mem>>) {add = true}
        %dma_start3A_416 = arith.constant 0 : i32
        %dma_start3A_417 = arith.constant 3 : i32
        %dma_start3A_418 = arith.constant 0 : i32
        %dma_start3A_419 = arith.constant 0 : i32
        %dma_start3A_420 = arith.constant 0 : i32
        %dma_start3A_421 = tpu.memref_slice %arg6[%dma_start3A_418, %dma_start3A_419, %dma_start3A_420] : memref<2x128x128xf32, #tpu.memory_space<vmem>> -> memref<1x128x128xf32, #tpu.memory_space<vmem>>
        %dma_start3A_422 = tpu.memref_squeeze %dma_start3A_421 : memref<1x128x128xf32, #tpu.memory_space<vmem>> -> memref<128x128xf32, #tpu.memory_space<vmem>>
        %dma_start3A_423 = arith.constant 0 : i32
        %dma_start3A_424 = tpu.memref_slice %arg5[%dma_start3A_416, %dma_start3A_417, %dma_start3A_423] : memref<2x6x128xi32, #tpu.memory_space<vmem>> -> memref<1x1x128xi32, #tpu.memory_space<vmem>>
        %dma_start3A_425 = tpu.memref_squeeze %dma_start3A_424 : memref<1x1x128xi32, #tpu.memory_space<vmem>> -> memref<128xi32, #tpu.memory_space<vmem>>
        %dma_start3A_426 = arith.constant 0 : i32
        %dma_start3A_427 = arith.constant 0 : i32
        %dma_start3A_428 = tpu.memref_slice %arg2[%dma_start3A_426, %dma_start3A_427] : memref<716800x128xf32, #tpu.memory_space<hbm>> -> memref<716800x128xf32, #tpu.memory_space<hbm>>
        tpu.enqueue_indirect_dma source(%dma_start3A_428 : memref<716800x128xf32, #tpu.memory_space<hbm>>) target(%dma_start3A_422 : memref<128x128xf32, #tpu.memory_space<vmem>>) offsets(%dma_start3A_425 : memref<128xi32, #tpu.memory_space<vmem>>) semaphore(%arg8 : memref<!tpu.dma_semaphore, #tpu.memory_space<semaphore_mem>>) {add = true}
        %dma_start3A_429 = arith.constant 0 : i32
        %dma_start3A_430 = arith.constant 4 : i32
        %dma_start3A_431 = arith.constant 0 : i32
        %dma_start3A_432 = arith.constant 0 : i32
        %dma_start3A_433 = arith.constant 0 : i32
        %dma_start3A_434 = tpu.memref_slice %arg6[%dma_start3A_431, %dma_start3A_432, %dma_start3A_433] : memref<2x128x128xf32, #tpu.memory_space<vmem>> -> memref<1x128x128xf32, #tpu.memory_space<vmem>>
        %dma_start3A_435 = tpu.memref_squeeze %dma_start3A_434 : memref<1x128x128xf32, #tpu.memory_space<vmem>> -> memref<128x128xf32, #tpu.memory_space<vmem>>
        %dma_start3A_436 = arith.constant 0 : i32
        %dma_start3A_437 = tpu.memref_slice %arg5[%dma_start3A_429, %dma_start3A_430, %dma_start3A_436] : memref<2x6x128xi32, #tpu.memory_space<vmem>> -> memref<1x1x128xi32, #tpu.memory_space<vmem>>
        %dma_start3A_438 = tpu.memref_squeeze %dma_start3A_437 : memref<1x1x128xi32, #tpu.memory_space<vmem>> -> memref<128xi32, #tpu.memory_space<vmem>>
        %dma_start3A_439 = arith.constant 0 : i32
        %dma_start3A_440 = arith.constant 0 : i32
        %dma_start3A_441 = tpu.memref_slice %arg2[%dma_start3A_439, %dma_start3A_440] : memref<716800x128xf32, #tpu.memory_space<hbm>> -> memref<716800x128xf32, #tpu.memory_space<hbm>>
        tpu.enqueue_indirect_dma source(%dma_start3A_441 : memref<716800x128xf32, #tpu.memory_space<hbm>>) target(%dma_start3A_435 : memref<128x128xf32, #tpu.memory_space<vmem>>) offsets(%dma_start3A_438 : memref<128xi32, #tpu.memory_space<vmem>>) semaphore(%arg8 : memref<!tpu.dma_semaphore, #tpu.memory_space<semaphore_mem>>) {add = true}
        %dma_start3A_442 = arith.constant 0 : i32
        %dma_start3A_443 = arith.constant 5 : i32
        %dma_start3A_444 = arith.constant 0 : i32
        %dma_start3A_445 = arith.constant 0 : i32
        %dma_start3A_446 = arith.constant 0 : i32
        %dma_start3A_447 = tpu.memref_slice %arg6[%dma_start3A_444, %dma_start3A_445, %dma_start3A_446] : memref<2x128x128xf32, #tpu.memory_space<vmem>> -> memref<1x128x128xf32, #tpu.memory_space<vmem>>
        %dma_start3A_448 = tpu.memref_squeeze %dma_start3A_447 : memref<1x128x128xf32, #tpu.memory_space<vmem>> -> memref<128x128xf32, #tpu.memory_space<vmem>>
        %dma_start3A_449 = arith.constant 0 : i32
        %dma_start3A_450 = tpu.memref_slice %arg5[%dma_start3A_442, %dma_start3A_443, %dma_start3A_449] : memref<2x6x128xi32, #tpu.memory_space<vmem>> -> memref<1x1x128xi32, #tpu.memory_space<vmem>>
        %dma_start3A_451 = tpu.memref_squeeze %dma_start3A_450 : memref<1x1x128xi32, #tpu.memory_space<vmem>> -> memref<128xi32, #tpu.memory_space<vmem>>
        %dma_start3A_452 = arith.constant 0 : i32
        %dma_start3A_453 = arith.constant 0 : i32
        %dma_start3A_454 = tpu.memref_slice %arg2[%dma_start3A_452, %dma_start3A_453] : memref<716800x128xf32, #tpu.memory_space<hbm>> -> memref<716800x128xf32, #tpu.memory_space<hbm>>
        tpu.enqueue_indirect_dma source(%dma_start3A_454 : memref<716800x128xf32, #tpu.memory_space<hbm>>) target(%dma_start3A_448 : memref<128x128xf32, #tpu.memory_space<vmem>>) offsets(%dma_start3A_451 : memref<128xi32, #tpu.memory_space<vmem>>) semaphore(%arg8 : memref<!tpu.dma_semaphore, #tpu.memory_space<semaphore_mem>>) {add = true}
        %ge3A_455 = arith.constant 1 : i32
        %ge3A_456 = arith.cmpi sge, %add3A_255, %ge3A_455 : i32
        %convert_element_type3A_457 = arith.extui %ge3A_456 : i1 to i32
        %cond3A_458 = arith.constant 0 : i32
        %cond3A_459 = arith.cmpi ne, %convert_element_type3A_457, %cond3A_458 : i32
        scf.if %cond3A_459 {
          %dma_wait3A_467 = arith.constant 1 : i32
          %dma_wait3A_468 = arith.constant 0 : i32
          %dma_wait3A_469 = arith.constant 0 : i32
          %dma_wait3A_470 = tpu.memref_slice %arg6[%dma_wait3A_467, %dma_wait3A_468, %dma_wait3A_469] : memref<2x128x128xf32, #tpu.memory_space<vmem>> -> memref<1x128x128xf32, #tpu.memory_space<vmem>>
          %dma_wait3A_471 = tpu.memref_squeeze %dma_wait3A_470 : memref<1x128x128xf32, #tpu.memory_space<vmem>> -> memref<128x128xf32, #tpu.memory_space<vmem>>
          %dma_wait3A_472 = arith.constant 0 : i32
          %dma_wait3A_473 = arith.constant 0 : i32
          %dma_wait3A_474 = tpu.memref_slice %arg2[%dma_wait3A_472, %dma_wait3A_473] : memref<716800x128xf32, #tpu.memory_space<hbm>> -> memref<128x128xf32, #tpu.memory_space<hbm>>
          %dma_wait3A_475 = arith.constant 0 : i32
          %dma_wait3A_476 = arith.constant 0 : i32
          %dma_wait3A_477 = tpu.memref_slice %arg6[%dma_wait3A_467, %dma_wait3A_475, %dma_wait3A_476] : memref<2x128x128xf32, #tpu.memory_space<vmem>> -> memref<1x128x128xf32, #tpu.memory_space<vmem>>
          %dma_wait3A_478 = tpu.memref_squeeze %dma_wait3A_477 : memref<1x128x128xf32, #tpu.memory_space<vmem>> -> memref<128x128xf32, #tpu.memory_space<vmem>>
          %dma_wait3A_479 = arith.constant 0 : i32
          %dma_wait3A_480 = arith.constant 0 : i32
          %dma_wait3A_481 = tpu.memref_slice %arg2[%dma_wait3A_479, %dma_wait3A_480] : memref<716800x128xf32, #tpu.memory_space<hbm>> -> memref<128x128xf32, #tpu.memory_space<hbm>>
          tpu.wait_dma2 semaphore(%arg9 : memref<!tpu.dma_semaphore, #tpu.memory_space<semaphore_mem>>) src(%dma_wait3A_481 : memref<128x128xf32, #tpu.memory_space<hbm>>) dst(%dma_wait3A_478 : memref<128x128xf32, #tpu.memory_space<vmem>>)
          %dma_wait3A_482 = arith.constant 1 : i32
          %dma_wait3A_483 = arith.constant 0 : i32
          %dma_wait3A_484 = arith.constant 0 : i32
          %dma_wait3A_485 = tpu.memref_slice %arg6[%dma_wait3A_482, %dma_wait3A_483, %dma_wait3A_484] : memref<2x128x128xf32, #tpu.memory_space<vmem>> -> memref<1x128x128xf32, #tpu.memory_space<vmem>>
          %dma_wait3A_486 = tpu.memref_squeeze %dma_wait3A_485 : memref<1x128x128xf32, #tpu.memory_space<vmem>> -> memref<128x128xf32, #tpu.memory_space<vmem>>
          %dma_wait3A_487 = arith.constant 0 : i32
          %dma_wait3A_488 = arith.constant 0 : i32
          %dma_wait3A_489 = tpu.memref_slice %arg2[%dma_wait3A_487, %dma_wait3A_488] : memref<716800x128xf32, #tpu.memory_space<hbm>> -> memref<128x128xf32, #tpu.memory_space<hbm>>
          %dma_wait3A_490 = arith.constant 0 : i32
          %dma_wait3A_491 = arith.constant 0 : i32
          %dma_wait3A_492 = tpu.memref_slice %arg6[%dma_wait3A_482, %dma_wait3A_490, %dma_wait3A_491] : memref<2x128x128xf32, #tpu.memory_space<vmem>> -> memref<1x128x128xf32, #tpu.memory_space<vmem>>
          %dma_wait3A_493 = tpu.memref_squeeze %dma_wait3A_492 : memref<1x128x128xf32, #tpu.memory_space<vmem>> -> memref<128x128xf32, #tpu.memory_space<vmem>>
          %dma_wait3A_494 = arith.constant 0 : i32
          %dma_wait3A_495 = arith.constant 0 : i32
          %dma_wait3A_496 = tpu.memref_slice %arg2[%dma_wait3A_494, %dma_wait3A_495] : memref<716800x128xf32, #tpu.memory_space<hbm>> -> memref<128x128xf32, #tpu.memory_space<hbm>>
          tpu.wait_dma2 semaphore(%arg9 : memref<!tpu.dma_semaphore, #tpu.memory_space<semaphore_mem>>) src(%dma_wait3A_496 : memref<128x128xf32, #tpu.memory_space<hbm>>) dst(%dma_wait3A_493 : memref<128x128xf32, #tpu.memory_space<vmem>>)
          %dma_wait3A_497 = arith.constant 1 : i32
          %dma_wait3A_498 = arith.constant 0 : i32
          %dma_wait3A_499 = arith.constant 0 : i32
          %dma_wait3A_500 = tpu.memref_slice %arg6[%dma_wait3A_497, %dma_wait3A_498, %dma_wait3A_499] : memref<2x128x128xf32, #tpu.memory_space<vmem>> -> memref<1x128x128xf32, #tpu.memory_space<vmem>>
          %dma_wait3A_501 = tpu.memref_squeeze %dma_wait3A_500 : memref<1x128x128xf32, #tpu.memory_space<vmem>> -> memref<128x128xf32, #tpu.memory_space<vmem>>
          %dma_wait3A_502 = arith.constant 0 : i32
          %dma_wait3A_503 = arith.constant 0 : i32
          %dma_wait3A_504 = tpu.memref_slice %arg2[%dma_wait3A_502, %dma_wait3A_503] : memref<716800x128xf32, #tpu.memory_space<hbm>> -> memref<128x128xf32, #tpu.memory_space<hbm>>
          %dma_wait3A_505 = arith.constant 0 : i32
          %dma_wait3A_506 = arith.constant 0 : i32
          %dma_wait3A_507 = tpu.memref_slice %arg6[%dma_wait3A_497, %dma_wait3A_505, %dma_wait3A_506] : memref<2x128x128xf32, #tpu.memory_space<vmem>> -> memref<1x128x128xf32, #tpu.memory_space<vmem>>
          %dma_wait3A_508 = tpu.memref_squeeze %dma_wait3A_507 : memref<1x128x128xf32, #tpu.memory_space<vmem>> -> memref<128x128xf32, #tpu.memory_space<vmem>>
          %dma_wait3A_509 = arith.constant 0 : i32
          %dma_wait3A_510 = arith.constant 0 : i32
          %dma_wait3A_511 = tpu.memref_slice %arg2[%dma_wait3A_509, %dma_wait3A_510] : memref<716800x128xf32, #tpu.memory_space<hbm>> -> memref<128x128xf32, #tpu.memory_space<hbm>>
          tpu.wait_dma2 semaphore(%arg9 : memref<!tpu.dma_semaphore, #tpu.memory_space<semaphore_mem>>) src(%dma_wait3A_511 : memref<128x128xf32, #tpu.memory_space<hbm>>) dst(%dma_wait3A_508 : memref<128x128xf32, #tpu.memory_space<vmem>>)
          %dma_wait3A_512 = arith.constant 1 : i32
          %dma_wait3A_513 = arith.constant 0 : i32
          %dma_wait3A_514 = arith.constant 0 : i32
          %dma_wait3A_515 = tpu.memref_slice %arg6[%dma_wait3A_512, %dma_wait3A_513, %dma_wait3A_514] : memref<2x128x128xf32, #tpu.memory_space<vmem>> -> memref<1x128x128xf32, #tpu.memory_space<vmem>>
          %dma_wait3A_516 = tpu.memref_squeeze %dma_wait3A_515 : memref<1x128x128xf32, #tpu.memory_space<vmem>> -> memref<128x128xf32, #tpu.memory_space<vmem>>
          %dma_wait3A_517 = arith.constant 0 : i32
          %dma_wait3A_518 = arith.constant 0 : i32
          %dma_wait3A_519 = tpu.memref_slice %arg2[%dma_wait3A_517, %dma_wait3A_518] : memref<716800x128xf32, #tpu.memory_space<hbm>> -> memref<128x128xf32, #tpu.memory_space<hbm>>
          %dma_wait3A_520 = arith.constant 0 : i32
          %dma_wait3A_521 = arith.constant 0 : i32
          %dma_wait3A_522 = tpu.memref_slice %arg6[%dma_wait3A_512, %dma_wait3A_520, %dma_wait3A_521] : memref<2x128x128xf32, #tpu.memory_space<vmem>> -> memref<1x128x128xf32, #tpu.memory_space<vmem>>
          %dma_wait3A_523 = tpu.memref_squeeze %dma_wait3A_522 : memref<1x128x128xf32, #tpu.memory_space<vmem>> -> memref<128x128xf32, #tpu.memory_space<vmem>>
          %dma_wait3A_524 = arith.constant 0 : i32
          %dma_wait3A_525 = arith.constant 0 : i32
          %dma_wait3A_526 = tpu.memref_slice %arg2[%dma_wait3A_524, %dma_wait3A_525] : memref<716800x128xf32, #tpu.memory_space<hbm>> -> memref<128x128xf32, #tpu.memory_space<hbm>>
          tpu.wait_dma2 semaphore(%arg9 : memref<!tpu.dma_semaphore, #tpu.memory_space<semaphore_mem>>) src(%dma_wait3A_526 : memref<128x128xf32, #tpu.memory_space<hbm>>) dst(%dma_wait3A_523 : memref<128x128xf32, #tpu.memory_space<vmem>>)
          %dma_wait3A_527 = arith.constant 1 : i32
          %dma_wait3A_528 = arith.constant 0 : i32
          %dma_wait3A_529 = arith.constant 0 : i32
          %dma_wait3A_530 = tpu.memref_slice %arg6[%dma_wait3A_527, %dma_wait3A_528, %dma_wait3A_529] : memref<2x128x128xf32, #tpu.memory_space<vmem>> -> memref<1x128x128xf32, #tpu.memory_space<vmem>>
          %dma_wait3A_531 = tpu.memref_squeeze %dma_wait3A_530 : memref<1x128x128xf32, #tpu.memory_space<vmem>> -> memref<128x128xf32, #tpu.memory_space<vmem>>
          %dma_wait3A_532 = arith.constant 0 : i32
          %dma_wait3A_533 = arith.constant 0 : i32
          %dma_wait3A_534 = tpu.memref_slice %arg2[%dma_wait3A_532, %dma_wait3A_533] : memref<716800x128xf32, #tpu.memory_space<hbm>> -> memref<128x128xf32, #tpu.memory_space<hbm>>
          %dma_wait3A_535 = arith.constant 0 : i32
          %dma_wait3A_536 = arith.constant 0 : i32
          %dma_wait3A_537 = tpu.memref_slice %arg6[%dma_wait3A_527, %dma_wait3A_535, %dma_wait3A_536] : memref<2x128x128xf32, #tpu.memory_space<vmem>> -> memref<1x128x128xf32, #tpu.memory_space<vmem>>
          %dma_wait3A_538 = tpu.memref_squeeze %dma_wait3A_537 : memref<1x128x128xf32, #tpu.memory_space<vmem>> -> memref<128x128xf32, #tpu.memory_space<vmem>>
          %dma_wait3A_539 = arith.constant 0 : i32
          %dma_wait3A_540 = arith.constant 0 : i32
          %dma_wait3A_541 = tpu.memref_slice %arg2[%dma_wait3A_539, %dma_wait3A_540] : memref<716800x128xf32, #tpu.memory_space<hbm>> -> memref<128x128xf32, #tpu.memory_space<hbm>>
          tpu.wait_dma2 semaphore(%arg9 : memref<!tpu.dma_semaphore, #tpu.memory_space<semaphore_mem>>) src(%dma_wait3A_541 : memref<128x128xf32, #tpu.memory_space<hbm>>) dst(%dma_wait3A_538 : memref<128x128xf32, #tpu.memory_space<vmem>>)
          %dma_wait3A_542 = arith.constant 1 : i32
          %dma_wait3A_543 = arith.constant 0 : i32
          %dma_wait3A_544 = arith.constant 0 : i32
          %dma_wait3A_545 = tpu.memref_slice %arg6[%dma_wait3A_542, %dma_wait3A_543, %dma_wait3A_544] : memref<2x128x128xf32, #tpu.memory_space<vmem>> -> memref<1x128x128xf32, #tpu.memory_space<vmem>>
          %dma_wait3A_546 = tpu.memref_squeeze %dma_wait3A_545 : memref<1x128x128xf32, #tpu.memory_space<vmem>> -> memref<128x128xf32, #tpu.memory_space<vmem>>
          %dma_wait3A_547 = arith.constant 0 : i32
          %dma_wait3A_548 = arith.constant 0 : i32
          %dma_wait3A_549 = tpu.memref_slice %arg2[%dma_wait3A_547, %dma_wait3A_548] : memref<716800x128xf32, #tpu.memory_space<hbm>> -> memref<128x128xf32, #tpu.memory_space<hbm>>
          %dma_wait3A_550 = arith.constant 0 : i32
          %dma_wait3A_551 = arith.constant 0 : i32
          %dma_wait3A_552 = tpu.memref_slice %arg6[%dma_wait3A_542, %dma_wait3A_550, %dma_wait3A_551] : memref<2x128x128xf32, #tpu.memory_space<vmem>> -> memref<1x128x128xf32, #tpu.memory_space<vmem>>
          %dma_wait3A_553 = tpu.memref_squeeze %dma_wait3A_552 : memref<1x128x128xf32, #tpu.memory_space<vmem>> -> memref<128x128xf32, #tpu.memory_space<vmem>>
          %dma_wait3A_554 = arith.constant 0 : i32
          %dma_wait3A_555 = arith.constant 0 : i32
          %dma_wait3A_556 = tpu.memref_slice %arg2[%dma_wait3A_554, %dma_wait3A_555] : memref<716800x128xf32, #tpu.memory_space<hbm>> -> memref<128x128xf32, #tpu.memory_space<hbm>>
          tpu.wait_dma2 semaphore(%arg9 : memref<!tpu.dma_semaphore, #tpu.memory_space<semaphore_mem>>) src(%dma_wait3A_556 : memref<128x128xf32, #tpu.memory_space<hbm>>) dst(%dma_wait3A_553 : memref<128x128xf32, #tpu.memory_space<vmem>>)
          %sub3A_557 = arith.constant 128 : i32
          %sub3A_558 = arith.subi %add3A_269, %sub3A_557 : i32
          %dma_start3A_559 = arith.constant 1 : i32
          %dma_start3A_560 = arith.constant 0 : i32
          %dma_start3A_561 = arith.constant 0 : i32
          %dma_start3A_562 = tpu.memref_slice %arg6[%dma_start3A_559, %dma_start3A_560, %dma_start3A_561] : memref<2x128x128xf32, #tpu.memory_space<vmem>> -> memref<1x128x128xf32, #tpu.memory_space<vmem>>
          %dma_start3A_563 = tpu.memref_squeeze %dma_start3A_562 : memref<1x128x128xf32, #tpu.memory_space<vmem>> -> memref<128x128xf32, #tpu.memory_space<vmem>>
          %dma_start3A_564 = arith.constant 0 : i32
          %dma_start3A_565 = tpu.memref_slice %arg4[%sub3A_558, %dma_start3A_564] : memref<102400x128xf32, #tpu.memory_space<hbm>> -> memref<128x128xf32, #tpu.memory_space<hbm>>
          %dma_start3A_566 = arith.constant 0 : i32
          %dma_start3A_567 = tpu.memref_slice %arg4[%sub3A_558, %dma_start3A_566] : memref<102400x128xf32, #tpu.memory_space<hbm>> -> memref<128x128xf32, #tpu.memory_space<hbm>>
          %dma_start3A_568 = arith.constant 0 : i32
          %dma_start3A_569 = arith.constant 0 : i32
          %dma_start3A_570 = tpu.memref_slice %arg6[%dma_start3A_559, %dma_start3A_568, %dma_start3A_569] : memref<2x128x128xf32, #tpu.memory_space<vmem>> -> memref<1x128x128xf32, #tpu.memory_space<vmem>>
          %dma_start3A_571 = tpu.memref_squeeze %dma_start3A_570 : memref<1x128x128xf32, #tpu.memory_space<vmem>> -> memref<128x128xf32, #tpu.memory_space<vmem>>
          tpu.enqueue_dma source(%dma_start3A_571 : memref<128x128xf32, #tpu.memory_space<vmem>>) target(%dma_start3A_567 : memref<128x128xf32, #tpu.memory_space<hbm>>) target_semaphore(%arg10 : memref<!tpu.dma_semaphore, #tpu.memory_space<semaphore_mem>>)
        } else {
        }
        %add3A_460 = arith.constant 1 : i32
        %add3A_461 = arith.addi %add3A_255, %add3A_460 : i32
        %lt3A_462 = arith.constant 25 : i32
        %lt3A_463 = arith.cmpi slt, %add3A_461, %lt3A_462 : i32
        %convert_element_type3A_464 = arith.extui %lt3A_463 : i1 to i32
        %cond3A_465 = arith.constant 0 : i32
        %cond3A_466 = arith.cmpi ne, %convert_element_type3A_464, %cond3A_465 : i32
        scf.if %cond3A_466 {
          %add3A_467 = arith.constant 1 : i32
          %add3A_468 = arith.addi %add3A_255, %add3A_467 : i32
          %mul3A_469 = arith.constant 128 : i32
          %mul3A_470 = arith.muli %add3A_468, %mul3A_469 : i32
          %add3A_471 = arith.addi %mul3A_4, %mul3A_470 : i32
          %jit3A_472 = arith.constant 128 : i32
          %div3A_473 = arith.divsi %add3A_471, %jit3A_472 : i32
          %sign3A_474 = arith.constant 0 : i32
          %sign3A_475 = arith.cmpi sgt, %add3A_471, %sign3A_474 : i32
          %sign3A_476 = arith.extui %sign3A_475 : i1 to i32
          %sign3A_477 = arith.constant 0 : i32
          %sign3A_478 = arith.cmpi slt, %add3A_471, %sign3A_477 : i32
          %sign3A_479 = arith.extui %sign3A_478 : i1 to i32
          %sign3A_480 = arith.subi %sign3A_476, %sign3A_479 : i32
          %sign3A_481 = arith.constant 0 : i32
          %sign3A_482 = arith.cmpi sgt, %jit3A_472, %sign3A_481 : i32
          %sign3A_483 = arith.extui %sign3A_482 : i1 to i32
          %sign3A_484 = arith.constant 0 : i32
          %sign3A_485 = arith.cmpi slt, %jit3A_472, %sign3A_484 : i32
          %sign3A_486 = arith.extui %sign3A_485 : i1 to i32
          %sign3A_487 = arith.subi %sign3A_483, %sign3A_486 : i32
          %ne3A_488 = arith.cmpi ne, %sign3A_480, %sign3A_487 : i32
          %rem3A_489 = arith.remsi %add3A_471, %jit3A_472 : i32
          %ne3A_490 = arith.constant 0 : i32
          %ne3A_491 = arith.cmpi ne, %rem3A_489, %ne3A_490 : i32
          %and3A_492 = arith.andi %ne3A_488, %ne3A_491 : i1
          %sub3A_493 = arith.constant 1 : i32
          %sub3A_494 = arith.subi %div3A_473, %sub3A_493 : i32
          %select_n3A_495 = arith.select %and3A_492, %sub3A_494, %div3A_473 : i32
          %dma_start3A_496 = arith.constant 0 : i32
          %dma_start3A_497 = arith.constant 1 : i32
          %dma_start3A_498 = arith.constant 0 : i32
          %dma_start3A_499 = arith.constant 0 : i32
          %dma_start3A_500 = tpu.memref_slice %arg5[%dma_start3A_497, %dma_start3A_498, %dma_start3A_499] : memref<2x6x128xi32, #tpu.memory_space<vmem>> -> memref<1x1x128xi32, #tpu.memory_space<vmem>>
          %dma_start3A_501 = tpu.memref_squeeze %dma_start3A_500 : memref<1x1x128xi32, #tpu.memory_space<vmem>> -> memref<128xi32, #tpu.memory_space<vmem>>
          %dma_start3A_502 = arith.constant 0 : i32
          %dma_start3A_503 = tpu.memref_slice %arg3[%dma_start3A_496, %select_n3A_495, %dma_start3A_502] : memref<6x800x128xi32, #tpu.memory_space<hbm>> -> memref<1x1x128xi32, #tpu.memory_space<hbm>>
          %dma_start3A_504 = tpu.memref_squeeze %dma_start3A_503 : memref<1x1x128xi32, #tpu.memory_space<hbm>> -> memref<128xi32, #tpu.memory_space<hbm>>
          %dma_start3A_505 = arith.constant 0 : i32
          %dma_start3A_506 = tpu.memref_slice %arg5[%dma_start3A_497, %dma_start3A_498, %dma_start3A_505] : memref<2x6x128xi32, #tpu.memory_space<vmem>> -> memref<1x1x128xi32, #tpu.memory_space<vmem>>
          %dma_start3A_507 = tpu.memref_squeeze %dma_start3A_506 : memref<1x1x128xi32, #tpu.memory_space<vmem>> -> memref<128xi32, #tpu.memory_space<vmem>>
          %dma_start3A_508 = arith.constant 0 : i32
          %dma_start3A_509 = tpu.memref_slice %arg3[%dma_start3A_496, %select_n3A_495, %dma_start3A_508] : memref<6x800x128xi32, #tpu.memory_space<hbm>> -> memref<1x1x128xi32, #tpu.memory_space<hbm>>
          %dma_start3A_510 = tpu.memref_squeeze %dma_start3A_509 : memref<1x1x128xi32, #tpu.memory_space<hbm>> -> memref<128xi32, #tpu.memory_space<hbm>>
          tpu.enqueue_dma source(%dma_start3A_510 : memref<128xi32, #tpu.memory_space<hbm>>) target(%dma_start3A_507 : memref<128xi32, #tpu.memory_space<vmem>>) target_semaphore(%arg7 : memref<!tpu.dma_semaphore, #tpu.memory_space<semaphore_mem>>)
          %dma_start3A_511 = arith.constant 1 : i32
          %dma_start3A_512 = arith.constant 1 : i32
          %dma_start3A_513 = arith.constant 1 : i32
          %dma_start3A_514 = arith.constant 0 : i32
          %dma_start3A_515 = tpu.memref_slice %arg5[%dma_start3A_512, %dma_start3A_513, %dma_start3A_514] : memref<2x6x128xi32, #tpu.memory_space<vmem>> -> memref<1x1x128xi32, #tpu.memory_space<vmem>>
          %dma_start3A_516 = tpu.memref_squeeze %dma_start3A_515 : memref<1x1x128xi32, #tpu.memory_space<vmem>> -> memref<128xi32, #tpu.memory_space<vmem>>
          %dma_start3A_517 = arith.constant 0 : i32
          %dma_start3A_518 = tpu.memref_slice %arg3[%dma_start3A_511, %select_n3A_495, %dma_start3A_517] : memref<6x800x128xi32, #tpu.memory_space<hbm>> -> memref<1x1x128xi32, #tpu.memory_space<hbm>>
          %dma_start3A_519 = tpu.memref_squeeze %dma_start3A_518 : memref<1x1x128xi32, #tpu.memory_space<hbm>> -> memref<128xi32, #tpu.memory_space<hbm>>
          %dma_start3A_520 = arith.constant 0 : i32
          %dma_start3A_521 = tpu.memref_slice %arg5[%dma_start3A_512, %dma_start3A_513, %dma_start3A_520] : memref<2x6x128xi32, #tpu.memory_space<vmem>> -> memref<1x1x128xi32, #tpu.memory_space<vmem>>
          %dma_start3A_522 = tpu.memref_squeeze %dma_start3A_521 : memref<1x1x128xi32, #tpu.memory_space<vmem>> -> memref<128xi32, #tpu.memory_space<vmem>>
          %dma_start3A_523 = arith.constant 0 : i32
          %dma_start3A_524 = tpu.memref_slice %arg3[%dma_start3A_511, %select_n3A_495, %dma_start3A_523] : memref<6x800x128xi32, #tpu.memory_space<hbm>> -> memref<1x1x128xi32, #tpu.memory_space<hbm>>
          %dma_start3A_525 = tpu.memref_squeeze %dma_start3A_524 : memref<1x1x128xi32, #tpu.memory_space<hbm>> -> memref<128xi32, #tpu.memory_space<hbm>>
          tpu.enqueue_dma source(%dma_start3A_525 : memref<128xi32, #tpu.memory_space<hbm>>) target(%dma_start3A_522 : memref<128xi32, #tpu.memory_space<vmem>>) target_semaphore(%arg7 : memref<!tpu.dma_semaphore, #tpu.memory_space<semaphore_mem>>)
          %dma_start3A_526 = arith.constant 2 : i32
          %dma_start3A_527 = arith.constant 1 : i32
          %dma_start3A_528 = arith.constant 2 : i32
          %dma_start3A_529 = arith.constant 0 : i32
          %dma_start3A_530 = tpu.memref_slice %arg5[%dma_start3A_527, %dma_start3A_528, %dma_start3A_529] : memref<2x6x128xi32, #tpu.memory_space<vmem>> -> memref<1x1x128xi32, #tpu.memory_space<vmem>>
          %dma_start3A_531 = tpu.memref_squeeze %dma_start3A_530 : memref<1x1x128xi32, #tpu.memory_space<vmem>> -> memref<128xi32, #tpu.memory_space<vmem>>
          %dma_start3A_532 = arith.constant 0 : i32
          %dma_start3A_533 = tpu.memref_slice %arg3[%dma_start3A_526, %select_n3A_495, %dma_start3A_532] : memref<6x800x128xi32, #tpu.memory_space<hbm>> -> memref<1x1x128xi32, #tpu.memory_space<hbm>>
          %dma_start3A_534 = tpu.memref_squeeze %dma_start3A_533 : memref<1x1x128xi32, #tpu.memory_space<hbm>> -> memref<128xi32, #tpu.memory_space<hbm>>
          %dma_start3A_535 = arith.constant 0 : i32
          %dma_start3A_536 = tpu.memref_slice %arg5[%dma_start3A_527, %dma_start3A_528, %dma_start3A_535] : memref<2x6x128xi32, #tpu.memory_space<vmem>> -> memref<1x1x128xi32, #tpu.memory_space<vmem>>
          %dma_start3A_537 = tpu.memref_squeeze %dma_start3A_536 : memref<1x1x128xi32, #tpu.memory_space<vmem>> -> memref<128xi32, #tpu.memory_space<vmem>>
          %dma_start3A_538 = arith.constant 0 : i32
          %dma_start3A_539 = tpu.memref_slice %arg3[%dma_start3A_526, %select_n3A_495, %dma_start3A_538] : memref<6x800x128xi32, #tpu.memory_space<hbm>> -> memref<1x1x128xi32, #tpu.memory_space<hbm>>
          %dma_start3A_540 = tpu.memref_squeeze %dma_start3A_539 : memref<1x1x128xi32, #tpu.memory_space<hbm>> -> memref<128xi32, #tpu.memory_space<hbm>>
          tpu.enqueue_dma source(%dma_start3A_540 : memref<128xi32, #tpu.memory_space<hbm>>) target(%dma_start3A_537 : memref<128xi32, #tpu.memory_space<vmem>>) target_semaphore(%arg7 : memref<!tpu.dma_semaphore, #tpu.memory_space<semaphore_mem>>)
          %dma_start3A_541 = arith.constant 3 : i32
          %dma_start3A_542 = arith.constant 1 : i32
          %dma_start3A_543 = arith.constant 3 : i32
          %dma_start3A_544 = arith.constant 0 : i32
          %dma_start3A_545 = tpu.memref_slice %arg5[%dma_start3A_542, %dma_start3A_543, %dma_start3A_544] : memref<2x6x128xi32, #tpu.memory_space<vmem>> -> memref<1x1x128xi32, #tpu.memory_space<vmem>>
          %dma_start3A_546 = tpu.memref_squeeze %dma_start3A_545 : memref<1x1x128xi32, #tpu.memory_space<vmem>> -> memref<128xi32, #tpu.memory_space<vmem>>
          %dma_start3A_547 = arith.constant 0 : i32
          %dma_start3A_548 = tpu.memref_slice %arg3[%dma_start3A_541, %select_n3A_495, %dma_start3A_547] : memref<6x800x128xi32, #tpu.memory_space<hbm>> -> memref<1x1x128xi32, #tpu.memory_space<hbm>>
          %dma_start3A_549 = tpu.memref_squeeze %dma_start3A_548 : memref<1x1x128xi32, #tpu.memory_space<hbm>> -> memref<128xi32, #tpu.memory_space<hbm>>
          %dma_start3A_550 = arith.constant 0 : i32
          %dma_start3A_551 = tpu.memref_slice %arg5[%dma_start3A_542, %dma_start3A_543, %dma_start3A_550] : memref<2x6x128xi32, #tpu.memory_space<vmem>> -> memref<1x1x128xi32, #tpu.memory_space<vmem>>
          %dma_start3A_552 = tpu.memref_squeeze %dma_start3A_551 : memref<1x1x128xi32, #tpu.memory_space<vmem>> -> memref<128xi32, #tpu.memory_space<vmem>>
          %dma_start3A_553 = arith.constant 0 : i32
          %dma_start3A_554 = tpu.memref_slice %arg3[%dma_start3A_541, %select_n3A_495, %dma_start3A_553] : memref<6x800x128xi32, #tpu.memory_space<hbm>> -> memref<1x1x128xi32, #tpu.memory_space<hbm>>
          %dma_start3A_555 = tpu.memref_squeeze %dma_start3A_554 : memref<1x1x128xi32, #tpu.memory_space<hbm>> -> memref<128xi32, #tpu.memory_space<hbm>>
          tpu.enqueue_dma source(%dma_start3A_555 : memref<128xi32, #tpu.memory_space<hbm>>) target(%dma_start3A_552 : memref<128xi32, #tpu.memory_space<vmem>>) target_semaphore(%arg7 : memref<!tpu.dma_semaphore, #tpu.memory_space<semaphore_mem>>)
          %dma_start3A_556 = arith.constant 4 : i32
          %dma_start3A_557 = arith.constant 1 : i32
          %dma_start3A_558 = arith.constant 4 : i32
          %dma_start3A_559 = arith.constant 0 : i32
          %dma_start3A_560 = tpu.memref_slice %arg5[%dma_start3A_557, %dma_start3A_558, %dma_start3A_559] : memref<2x6x128xi32, #tpu.memory_space<vmem>> -> memref<1x1x128xi32, #tpu.memory_space<vmem>>
          %dma_start3A_561 = tpu.memref_squeeze %dma_start3A_560 : memref<1x1x128xi32, #tpu.memory_space<vmem>> -> memref<128xi32, #tpu.memory_space<vmem>>
          %dma_start3A_562 = arith.constant 0 : i32
          %dma_start3A_563 = tpu.memref_slice %arg3[%dma_start3A_556, %select_n3A_495, %dma_start3A_562] : memref<6x800x128xi32, #tpu.memory_space<hbm>> -> memref<1x1x128xi32, #tpu.memory_space<hbm>>
          %dma_start3A_564 = tpu.memref_squeeze %dma_start3A_563 : memref<1x1x128xi32, #tpu.memory_space<hbm>> -> memref<128xi32, #tpu.memory_space<hbm>>
          %dma_start3A_565 = arith.constant 0 : i32
          %dma_start3A_566 = tpu.memref_slice %arg5[%dma_start3A_557, %dma_start3A_558, %dma_start3A_565] : memref<2x6x128xi32, #tpu.memory_space<vmem>> -> memref<1x1x128xi32, #tpu.memory_space<vmem>>
          %dma_start3A_567 = tpu.memref_squeeze %dma_start3A_566 : memref<1x1x128xi32, #tpu.memory_space<vmem>> -> memref<128xi32, #tpu.memory_space<vmem>>
          %dma_start3A_568 = arith.constant 0 : i32
          %dma_start3A_569 = tpu.memref_slice %arg3[%dma_start3A_556, %select_n3A_495, %dma_start3A_568] : memref<6x800x128xi32, #tpu.memory_space<hbm>> -> memref<1x1x128xi32, #tpu.memory_space<hbm>>
          %dma_start3A_570 = tpu.memref_squeeze %dma_start3A_569 : memref<1x1x128xi32, #tpu.memory_space<hbm>> -> memref<128xi32, #tpu.memory_space<hbm>>
          tpu.enqueue_dma source(%dma_start3A_570 : memref<128xi32, #tpu.memory_space<hbm>>) target(%dma_start3A_567 : memref<128xi32, #tpu.memory_space<vmem>>) target_semaphore(%arg7 : memref<!tpu.dma_semaphore, #tpu.memory_space<semaphore_mem>>)
          %dma_start3A_571 = arith.constant 5 : i32
          %dma_start3A_572 = arith.constant 1 : i32
          %dma_start3A_573 = arith.constant 5 : i32
          %dma_start3A_574 = arith.constant 0 : i32
          %dma_start3A_575 = tpu.memref_slice %arg5[%dma_start3A_572, %dma_start3A_573, %dma_start3A_574] : memref<2x6x128xi32, #tpu.memory_space<vmem>> -> memref<1x1x128xi32, #tpu.memory_space<vmem>>
          %dma_start3A_576 = tpu.memref_squeeze %dma_start3A_575 : memref<1x1x128xi32, #tpu.memory_space<vmem>> -> memref<128xi32, #tpu.memory_space<vmem>>
          %dma_start3A_577 = arith.constant 0 : i32
          %dma_start3A_578 = tpu.memref_slice %arg3[%dma_start3A_571, %select_n3A_495, %dma_start3A_577] : memref<6x800x128xi32, #tpu.memory_space<hbm>> -> memref<1x1x128xi32, #tpu.memory_space<hbm>>
          %dma_start3A_579 = tpu.memref_squeeze %dma_start3A_578 : memref<1x1x128xi32, #tpu.memory_space<hbm>> -> memref<128xi32, #tpu.memory_space<hbm>>
          %dma_start3A_580 = arith.constant 0 : i32
          %dma_start3A_581 = tpu.memref_slice %arg5[%dma_start3A_572, %dma_start3A_573, %dma_start3A_580] : memref<2x6x128xi32, #tpu.memory_space<vmem>> -> memref<1x1x128xi32, #tpu.memory_space<vmem>>
          %dma_start3A_582 = tpu.memref_squeeze %dma_start3A_581 : memref<1x1x128xi32, #tpu.memory_space<vmem>> -> memref<128xi32, #tpu.memory_space<vmem>>
          %dma_start3A_583 = arith.constant 0 : i32
          %dma_start3A_584 = tpu.memref_slice %arg3[%dma_start3A_571, %select_n3A_495, %dma_start3A_583] : memref<6x800x128xi32, #tpu.memory_space<hbm>> -> memref<1x1x128xi32, #tpu.memory_space<hbm>>
          %dma_start3A_585 = tpu.memref_squeeze %dma_start3A_584 : memref<1x1x128xi32, #tpu.memory_space<hbm>> -> memref<128xi32, #tpu.memory_space<hbm>>
          tpu.enqueue_dma source(%dma_start3A_585 : memref<128xi32, #tpu.memory_space<hbm>>) target(%dma_start3A_582 : memref<128xi32, #tpu.memory_space<vmem>>) target_semaphore(%arg7 : memref<!tpu.dma_semaphore, #tpu.memory_space<semaphore_mem>>)
        } else {
        }
      } else {
      }
      %mul3A_258 = arith.constant 2 : i32
      %mul3A_259 = arith.muli %scan3A_251, %mul3A_258 : i32
      %add3A_260 = arith.constant 1 : i32
      %add3A_261 = arith.addi %mul3A_259, %add3A_260 : i32
      %lt3A_262 = arith.constant 25 : i32
      %lt3A_263 = arith.cmpi slt, %add3A_261, %lt3A_262 : i32
      %convert_element_type3A_264 = arith.extui %lt3A_263 : i1 to i32
      %cond3A_265 = arith.constant 0 : i32
      %cond3A_266 = arith.cmpi ne, %convert_element_type3A_264, %cond3A_265 : i32
      scf.if %cond3A_266 {
        %mul3A_267 = arith.constant 128 : i32
        %mul3A_268 = arith.muli %add3A_261, %mul3A_267 : i32
        %add3A_269 = arith.addi %mul3A_4, %mul3A_268 : i32
        %dma_wait3A_270 = arith.constant 0 : i32
        %dma_wait3A_271 = arith.constant 0 : i32
        %dma_wait3A_272 = arith.constant 1 : i32
        %dma_wait3A_273 = arith.constant 0 : i32
        %dma_wait3A_274 = arith.constant 0 : i32
        %dma_wait3A_275 = tpu.memref_slice %arg5[%dma_wait3A_272, %dma_wait3A_273, %dma_wait3A_274] : memref<2x6x128xi32, #tpu.memory_space<vmem>> -> memref<1x1x128xi32, #tpu.memory_space<vmem>>
        %dma_wait3A_276 = tpu.memref_squeeze %dma_wait3A_275 : memref<1x1x128xi32, #tpu.memory_space<vmem>> -> memref<128xi32, #tpu.memory_space<vmem>>
        %dma_wait3A_277 = arith.constant 0 : i32
        %dma_wait3A_278 = tpu.memref_slice %arg3[%dma_wait3A_270, %dma_wait3A_271, %dma_wait3A_277] : memref<6x800x128xi32, #tpu.memory_space<hbm>> -> memref<1x1x128xi32, #tpu.memory_space<hbm>>
        %dma_wait3A_279 = tpu.memref_squeeze %dma_wait3A_278 : memref<1x1x128xi32, #tpu.memory_space<hbm>> -> memref<128xi32, #tpu.memory_space<hbm>>
        %dma_wait3A_280 = arith.constant 0 : i32
        %dma_wait3A_281 = tpu.memref_slice %arg5[%dma_wait3A_272, %dma_wait3A_273, %dma_wait3A_280] : memref<2x6x128xi32, #tpu.memory_space<vmem>> -> memref<1x1x128xi32, #tpu.memory_space<vmem>>
        %dma_wait3A_282 = tpu.memref_squeeze %dma_wait3A_281 : memref<1x1x128xi32, #tpu.memory_space<vmem>> -> memref<128xi32, #tpu.memory_space<vmem>>
        %dma_wait3A_283 = arith.constant 0 : i32
        %dma_wait3A_284 = tpu.memref_slice %arg3[%dma_wait3A_270, %dma_wait3A_271, %dma_wait3A_283] : memref<6x800x128xi32, #tpu.memory_space<hbm>> -> memref<1x1x128xi32, #tpu.memory_space<hbm>>
        %dma_wait3A_285 = tpu.memref_squeeze %dma_wait3A_284 : memref<1x1x128xi32, #tpu.memory_space<hbm>> -> memref<128xi32, #tpu.memory_space<hbm>>
        tpu.wait_dma2 semaphore(%arg7 : memref<!tpu.dma_semaphore, #tpu.memory_space<semaphore_mem>>) src(%dma_wait3A_285 : memref<128xi32, #tpu.memory_space<hbm>>) dst(%dma_wait3A_282 : memref<128xi32, #tpu.memory_space<vmem>>)
        %dma_wait3A_286 = arith.constant 1 : i32
        %dma_wait3A_287 = arith.constant 0 : i32
        %dma_wait3A_288 = arith.constant 1 : i32
        %dma_wait3A_289 = arith.constant 1 : i32
        %dma_wait3A_290 = arith.constant 0 : i32
        %dma_wait3A_291 = tpu.memref_slice %arg5[%dma_wait3A_288, %dma_wait3A_289, %dma_wait3A_290] : memref<2x6x128xi32, #tpu.memory_space<vmem>> -> memref<1x1x128xi32, #tpu.memory_space<vmem>>
        %dma_wait3A_292 = tpu.memref_squeeze %dma_wait3A_291 : memref<1x1x128xi32, #tpu.memory_space<vmem>> -> memref<128xi32, #tpu.memory_space<vmem>>
        %dma_wait3A_293 = arith.constant 0 : i32
        %dma_wait3A_294 = tpu.memref_slice %arg3[%dma_wait3A_286, %dma_wait3A_287, %dma_wait3A_293] : memref<6x800x128xi32, #tpu.memory_space<hbm>> -> memref<1x1x128xi32, #tpu.memory_space<hbm>>
        %dma_wait3A_295 = tpu.memref_squeeze %dma_wait3A_294 : memref<1x1x128xi32, #tpu.memory_space<hbm>> -> memref<128xi32, #tpu.memory_space<hbm>>
        %dma_wait3A_296 = arith.constant 0 : i32
        %dma_wait3A_297 = tpu.memref_slice %arg5[%dma_wait3A_288, %dma_wait3A_289, %dma_wait3A_296] : memref<2x6x128xi32, #tpu.memory_space<vmem>> -> memref<1x1x128xi32, #tpu.memory_space<vmem>>
        %dma_wait3A_298 = tpu.memref_squeeze %dma_wait3A_297 : memref<1x1x128xi32, #tpu.memory_space<vmem>> -> memref<128xi32, #tpu.memory_space<vmem>>
        %dma_wait3A_299 = arith.constant 0 : i32
        %dma_wait3A_300 = tpu.memref_slice %arg3[%dma_wait3A_286, %dma_wait3A_287, %dma_wait3A_299] : memref<6x800x128xi32, #tpu.memory_space<hbm>> -> memref<1x1x128xi32, #tpu.memory_space<hbm>>
        %dma_wait3A_301 = tpu.memref_squeeze %dma_wait3A_300 : memref<1x1x128xi32, #tpu.memory_space<hbm>> -> memref<128xi32, #tpu.memory_space<hbm>>
        tpu.wait_dma2 semaphore(%arg7 : memref<!tpu.dma_semaphore, #tpu.memory_space<semaphore_mem>>) src(%dma_wait3A_301 : memref<128xi32, #tpu.memory_space<hbm>>) dst(%dma_wait3A_298 : memref<128xi32, #tpu.memory_space<vmem>>)
        %dma_wait3A_302 = arith.constant 2 : i32
        %dma_wait3A_303 = arith.constant 0 : i32
        %dma_wait3A_304 = arith.constant 1 : i32
        %dma_wait3A_305 = arith.constant 2 : i32
        %dma_wait3A_306 = arith.constant 0 : i32
        %dma_wait3A_307 = tpu.memref_slice %arg5[%dma_wait3A_304, %dma_wait3A_305, %dma_wait3A_306] : memref<2x6x128xi32, #tpu.memory_space<vmem>> -> memref<1x1x128xi32, #tpu.memory_space<vmem>>
        %dma_wait3A_308 = tpu.memref_squeeze %dma_wait3A_307 : memref<1x1x128xi32, #tpu.memory_space<vmem>> -> memref<128xi32, #tpu.memory_space<vmem>>
        %dma_wait3A_309 = arith.constant 0 : i32
        %dma_wait3A_310 = tpu.memref_slice %arg3[%dma_wait3A_302, %dma_wait3A_303, %dma_wait3A_309] : memref<6x800x128xi32, #tpu.memory_space<hbm>> -> memref<1x1x128xi32, #tpu.memory_space<hbm>>
        %dma_wait3A_311 = tpu.memref_squeeze %dma_wait3A_310 : memref<1x1x128xi32, #tpu.memory_space<hbm>> -> memref<128xi32, #tpu.memory_space<hbm>>
        %dma_wait3A_312 = arith.constant 0 : i32
        %dma_wait3A_313 = tpu.memref_slice %arg5[%dma_wait3A_304, %dma_wait3A_305, %dma_wait3A_312] : memref<2x6x128xi32, #tpu.memory_space<vmem>> -> memref<1x1x128xi32, #tpu.memory_space<vmem>>
        %dma_wait3A_314 = tpu.memref_squeeze %dma_wait3A_313 : memref<1x1x128xi32, #tpu.memory_space<vmem>> -> memref<128xi32, #tpu.memory_space<vmem>>
        %dma_wait3A_315 = arith.constant 0 : i32
        %dma_wait3A_316 = tpu.memref_slice %arg3[%dma_wait3A_302, %dma_wait3A_303, %dma_wait3A_315] : memref<6x800x128xi32, #tpu.memory_space<hbm>> -> memref<1x1x128xi32, #tpu.memory_space<hbm>>
        %dma_wait3A_317 = tpu.memref_squeeze %dma_wait3A_316 : memref<1x1x128xi32, #tpu.memory_space<hbm>> -> memref<128xi32, #tpu.memory_space<hbm>>
        tpu.wait_dma2 semaphore(%arg7 : memref<!tpu.dma_semaphore, #tpu.memory_space<semaphore_mem>>) src(%dma_wait3A_317 : memref<128xi32, #tpu.memory_space<hbm>>) dst(%dma_wait3A_314 : memref<128xi32, #tpu.memory_space<vmem>>)
        %dma_wait3A_318 = arith.constant 3 : i32
        %dma_wait3A_319 = arith.constant 0 : i32
        %dma_wait3A_320 = arith.constant 1 : i32
        %dma_wait3A_321 = arith.constant 3 : i32
        %dma_wait3A_322 = arith.constant 0 : i32
        %dma_wait3A_323 = tpu.memref_slice %arg5[%dma_wait3A_320, %dma_wait3A_321, %dma_wait3A_322] : memref<2x6x128xi32, #tpu.memory_space<vmem>> -> memref<1x1x128xi32, #tpu.memory_space<vmem>>
        %dma_wait3A_324 = tpu.memref_squeeze %dma_wait3A_323 : memref<1x1x128xi32, #tpu.memory_space<vmem>> -> memref<128xi32, #tpu.memory_space<vmem>>
        %dma_wait3A_325 = arith.constant 0 : i32
        %dma_wait3A_326 = tpu.memref_slice %arg3[%dma_wait3A_318, %dma_wait3A_319, %dma_wait3A_325] : memref<6x800x128xi32, #tpu.memory_space<hbm>> -> memref<1x1x128xi32, #tpu.memory_space<hbm>>
        %dma_wait3A_327 = tpu.memref_squeeze %dma_wait3A_326 : memref<1x1x128xi32, #tpu.memory_space<hbm>> -> memref<128xi32, #tpu.memory_space<hbm>>
        %dma_wait3A_328 = arith.constant 0 : i32
        %dma_wait3A_329 = tpu.memref_slice %arg5[%dma_wait3A_320, %dma_wait3A_321, %dma_wait3A_328] : memref<2x6x128xi32, #tpu.memory_space<vmem>> -> memref<1x1x128xi32, #tpu.memory_space<vmem>>
        %dma_wait3A_330 = tpu.memref_squeeze %dma_wait3A_329 : memref<1x1x128xi32, #tpu.memory_space<vmem>> -> memref<128xi32, #tpu.memory_space<vmem>>
        %dma_wait3A_331 = arith.constant 0 : i32
        %dma_wait3A_332 = tpu.memref_slice %arg3[%dma_wait3A_318, %dma_wait3A_319, %dma_wait3A_331] : memref<6x800x128xi32, #tpu.memory_space<hbm>> -> memref<1x1x128xi32, #tpu.memory_space<hbm>>
        %dma_wait3A_333 = tpu.memref_squeeze %dma_wait3A_332 : memref<1x1x128xi32, #tpu.memory_space<hbm>> -> memref<128xi32, #tpu.memory_space<hbm>>
        tpu.wait_dma2 semaphore(%arg7 : memref<!tpu.dma_semaphore, #tpu.memory_space<semaphore_mem>>) src(%dma_wait3A_333 : memref<128xi32, #tpu.memory_space<hbm>>) dst(%dma_wait3A_330 : memref<128xi32, #tpu.memory_space<vmem>>)
        %dma_wait3A_334 = arith.constant 4 : i32
        %dma_wait3A_335 = arith.constant 0 : i32
        %dma_wait3A_336 = arith.constant 1 : i32
        %dma_wait3A_337 = arith.constant 4 : i32
        %dma_wait3A_338 = arith.constant 0 : i32
        %dma_wait3A_339 = tpu.memref_slice %arg5[%dma_wait3A_336, %dma_wait3A_337, %dma_wait3A_338] : memref<2x6x128xi32, #tpu.memory_space<vmem>> -> memref<1x1x128xi32, #tpu.memory_space<vmem>>
        %dma_wait3A_340 = tpu.memref_squeeze %dma_wait3A_339 : memref<1x1x128xi32, #tpu.memory_space<vmem>> -> memref<128xi32, #tpu.memory_space<vmem>>
        %dma_wait3A_341 = arith.constant 0 : i32
        %dma_wait3A_342 = tpu.memref_slice %arg3[%dma_wait3A_334, %dma_wait3A_335, %dma_wait3A_341] : memref<6x800x128xi32, #tpu.memory_space<hbm>> -> memref<1x1x128xi32, #tpu.memory_space<hbm>>
        %dma_wait3A_343 = tpu.memref_squeeze %dma_wait3A_342 : memref<1x1x128xi32, #tpu.memory_space<hbm>> -> memref<128xi32, #tpu.memory_space<hbm>>
        %dma_wait3A_344 = arith.constant 0 : i32
        %dma_wait3A_345 = tpu.memref_slice %arg5[%dma_wait3A_336, %dma_wait3A_337, %dma_wait3A_344] : memref<2x6x128xi32, #tpu.memory_space<vmem>> -> memref<1x1x128xi32, #tpu.memory_space<vmem>>
        %dma_wait3A_346 = tpu.memref_squeeze %dma_wait3A_345 : memref<1x1x128xi32, #tpu.memory_space<vmem>> -> memref<128xi32, #tpu.memory_space<vmem>>
        %dma_wait3A_347 = arith.constant 0 : i32
        %dma_wait3A_348 = tpu.memref_slice %arg3[%dma_wait3A_334, %dma_wait3A_335, %dma_wait3A_347] : memref<6x800x128xi32, #tpu.memory_space<hbm>> -> memref<1x1x128xi32, #tpu.memory_space<hbm>>
        %dma_wait3A_349 = tpu.memref_squeeze %dma_wait3A_348 : memref<1x1x128xi32, #tpu.memory_space<hbm>> -> memref<128xi32, #tpu.memory_space<hbm>>
        tpu.wait_dma2 semaphore(%arg7 : memref<!tpu.dma_semaphore, #tpu.memory_space<semaphore_mem>>) src(%dma_wait3A_349 : memref<128xi32, #tpu.memory_space<hbm>>) dst(%dma_wait3A_346 : memref<128xi32, #tpu.memory_space<vmem>>)
        %dma_wait3A_350 = arith.constant 5 : i32
        %dma_wait3A_351 = arith.constant 0 : i32
        %dma_wait3A_352 = arith.constant 1 : i32
        %dma_wait3A_353 = arith.constant 5 : i32
        %dma_wait3A_354 = arith.constant 0 : i32
        %dma_wait3A_355 = tpu.memref_slice %arg5[%dma_wait3A_352, %dma_wait3A_353, %dma_wait3A_354] : memref<2x6x128xi32, #tpu.memory_space<vmem>> -> memref<1x1x128xi32, #tpu.memory_space<vmem>>
        %dma_wait3A_356 = tpu.memref_squeeze %dma_wait3A_355 : memref<1x1x128xi32, #tpu.memory_space<vmem>> -> memref<128xi32, #tpu.memory_space<vmem>>
        %dma_wait3A_357 = arith.constant 0 : i32
        %dma_wait3A_358 = tpu.memref_slice %arg3[%dma_wait3A_350, %dma_wait3A_351, %dma_wait3A_357] : memref<6x800x128xi32, #tpu.memory_space<hbm>> -> memref<1x1x128xi32, #tpu.memory_space<hbm>>
        %dma_wait3A_359 = tpu.memref_squeeze %dma_wait3A_358 : memref<1x1x128xi32, #tpu.memory_space<hbm>> -> memref<128xi32, #tpu.memory_space<hbm>>
        %dma_wait3A_360 = arith.constant 0 : i32
        %dma_wait3A_361 = tpu.memref_slice %arg5[%dma_wait3A_352, %dma_wait3A_353, %dma_wait3A_360] : memref<2x6x128xi32, #tpu.memory_space<vmem>> -> memref<1x1x128xi32, #tpu.memory_space<vmem>>
        %dma_wait3A_362 = tpu.memref_squeeze %dma_wait3A_361 : memref<1x1x128xi32, #tpu.memory_space<vmem>> -> memref<128xi32, #tpu.memory_space<vmem>>
        %dma_wait3A_363 = arith.constant 0 : i32
        %dma_wait3A_364 = tpu.memref_slice %arg3[%dma_wait3A_350, %dma_wait3A_351, %dma_wait3A_363] : memref<6x800x128xi32, #tpu.memory_space<hbm>> -> memref<1x1x128xi32, #tpu.memory_space<hbm>>
        %dma_wait3A_365 = tpu.memref_squeeze %dma_wait3A_364 : memref<1x1x128xi32, #tpu.memory_space<hbm>> -> memref<128xi32, #tpu.memory_space<hbm>>
        tpu.wait_dma2 semaphore(%arg7 : memref<!tpu.dma_semaphore, #tpu.memory_space<semaphore_mem>>) src(%dma_wait3A_365 : memref<128xi32, #tpu.memory_space<hbm>>) dst(%dma_wait3A_362 : memref<128xi32, #tpu.memory_space<vmem>>)
        %ge3A = arith.constant 2 : i32
        %ge3A_366 = arith.cmpi sge, %add3A_261, %ge3A : i32
        %convert_element_type3A_367 = arith.extui %ge3A_366 : i1 to i32
        %cond3A_368 = arith.constant 0 : i32
        %cond3A_369 = arith.cmpi ne, %convert_element_type3A_367, %cond3A_368 : i32
        scf.if %cond3A_369 {
          %dma_wait3A_467 = arith.constant 1 : i32
          %dma_wait3A_468 = arith.constant 0 : i32
          %dma_wait3A_469 = arith.constant 0 : i32
          %dma_wait3A_470 = tpu.memref_slice %arg6[%dma_wait3A_467, %dma_wait3A_468, %dma_wait3A_469] : memref<2x128x128xf32, #tpu.memory_space<vmem>> -> memref<1x128x128xf32, #tpu.memory_space<vmem>>
          %dma_wait3A_471 = tpu.memref_squeeze %dma_wait3A_470 : memref<1x128x128xf32, #tpu.memory_space<vmem>> -> memref<128x128xf32, #tpu.memory_space<vmem>>
          %dma_wait3A_472 = arith.constant 0 : i32
          %dma_wait3A_473 = arith.constant 0 : i32
          %dma_wait3A_474 = tpu.memref_slice %arg4[%dma_wait3A_472, %dma_wait3A_473] : memref<102400x128xf32, #tpu.memory_space<hbm>> -> memref<128x128xf32, #tpu.memory_space<hbm>>
          %dma_wait3A_475 = arith.constant 0 : i32
          %dma_wait3A_476 = arith.constant 0 : i32
          %dma_wait3A_477 = tpu.memref_slice %arg4[%dma_wait3A_475, %dma_wait3A_476] : memref<102400x128xf32, #tpu.memory_space<hbm>> -> memref<128x128xf32, #tpu.memory_space<hbm>>
          %dma_wait3A_478 = arith.constant 0 : i32
          %dma_wait3A_479 = arith.constant 0 : i32
          %dma_wait3A_480 = tpu.memref_slice %arg6[%dma_wait3A_467, %dma_wait3A_478, %dma_wait3A_479] : memref<2x128x128xf32, #tpu.memory_space<vmem>> -> memref<1x128x128xf32, #tpu.memory_space<vmem>>
          %dma_wait3A_481 = tpu.memref_squeeze %dma_wait3A_480 : memref<1x128x128xf32, #tpu.memory_space<vmem>> -> memref<128x128xf32, #tpu.memory_space<vmem>>
          tpu.wait_dma2 semaphore(%arg10 : memref<!tpu.dma_semaphore, #tpu.memory_space<semaphore_mem>>) src(%dma_wait3A_481 : memref<128x128xf32, #tpu.memory_space<vmem>>) dst(%dma_wait3A_477 : memref<128x128xf32, #tpu.memory_space<hbm>>)
        } else {
        }
        %broadcast_in_dim3A = arith.constant 0.000000e+00 : f32
        %broadcast_in_dim3A_370 = vector.broadcast %broadcast_in_dim3A : f32 to vector<16xf32>
        %scan3A_371 = arith.constant 0 : i32
        %scan3A_372 = arith.constant 0 : i32
        %scan3A_373 = arith.constant 128 : i32
        %scan3A_374 = arith.addi %scan3A_372, %scan3A_373 : i32
        %scan3A_375 = arith.constant 1 : i32
        scf.for %scan3A_467 = %scan3A_372 to %scan3A_374 step %scan3A_375  : i32 {
          %swap3A = arith.constant 1 : i32
          %swap3A_468 = arith.index_cast %swap3A : i32 to index
          %swap3A_469 = arith.index_cast %scan3A_467 : i32 to index
          %swap3A_470 = arith.constant 0 : index
          %swap3A_471 = tpu.vector_load %arg6[%swap3A_468, %swap3A_469, %swap3A_470] {strides = array<i32>} : memref<2x128x128xf32, #tpu.memory_space<vmem>>, vector<1x1x16xf32>,
          %swap3A_472 = vector.shape_cast %swap3A_471 : vector<1x1x16xf32> to vector<16xf32>
          %swap3A_473 = vector.shape_cast %broadcast_in_dim3A_370 : vector<16xf32> to vector<1x1x16xf32>
          tpu.vector_store %arg6[%swap3A_468, %swap3A_469, %swap3A_470], %swap3A_473 {strides = array<i32>} : memref<2x128x128xf32, #tpu.memory_space<vmem>>, vector<1x1x16xf32>,
          %swap3A_474 = arith.constant 1 : i32
          %swap3A_475 = arith.index_cast %swap3A_474 : i32 to index
          %swap3A_476 = arith.index_cast %scan3A_467 : i32 to index
          %swap3A_477 = arith.constant 16 : index
          %swap3A_478 = tpu.vector_load %arg6[%swap3A_475, %swap3A_476, %swap3A_477] {strides = array<i32>} : memref<2x128x128xf32, #tpu.memory_space<vmem>>, vector<1x1x16xf32>,
          %swap3A_479 = vector.shape_cast %swap3A_478 : vector<1x1x16xf32> to vector<16xf32>
          %swap3A_480 = vector.shape_cast %broadcast_in_dim3A_370 : vector<16xf32> to vector<1x1x16xf32>
          tpu.vector_store %arg6[%swap3A_475, %swap3A_476, %swap3A_477], %swap3A_480 {strides = array<i32>} : memref<2x128x128xf32, #tpu.memory_space<vmem>>, vector<1x1x16xf32>,
          %swap3A_481 = arith.constant 1 : i32
          %swap3A_482 = arith.index_cast %swap3A_481 : i32 to index
          %swap3A_483 = arith.index_cast %scan3A_467 : i32 to index
          %swap3A_484 = arith.constant 32 : index
          %swap3A_485 = tpu.vector_load %arg6[%swap3A_482, %swap3A_483, %swap3A_484] {strides = array<i32>} : memref<2x128x128xf32, #tpu.memory_space<vmem>>, vector<1x1x16xf32>,
          %swap3A_486 = vector.shape_cast %swap3A_485 : vector<1x1x16xf32> to vector<16xf32>
          %swap3A_487 = vector.shape_cast %broadcast_in_dim3A_370 : vector<16xf32> to vector<1x1x16xf32>
          tpu.vector_store %arg6[%swap3A_482, %swap3A_483, %swap3A_484], %swap3A_487 {strides = array<i32>} : memref<2x128x128xf32, #tpu.memory_space<vmem>>, vector<1x1x16xf32>,
          %swap3A_488 = arith.constant 1 : i32
          %swap3A_489 = arith.index_cast %swap3A_488 : i32 to index
          %swap3A_490 = arith.index_cast %scan3A_467 : i32 to index
          %swap3A_491 = arith.constant 48 : index
          %swap3A_492 = tpu.vector_load %arg6[%swap3A_489, %swap3A_490, %swap3A_491] {strides = array<i32>} : memref<2x128x128xf32, #tpu.memory_space<vmem>>, vector<1x1x16xf32>,
          %swap3A_493 = vector.shape_cast %swap3A_492 : vector<1x1x16xf32> to vector<16xf32>
          %swap3A_494 = vector.shape_cast %broadcast_in_dim3A_370 : vector<16xf32> to vector<1x1x16xf32>
          tpu.vector_store %arg6[%swap3A_489, %swap3A_490, %swap3A_491], %swap3A_494 {strides = array<i32>} : memref<2x128x128xf32, #tpu.memory_space<vmem>>, vector<1x1x16xf32>,
          %swap3A_495 = arith.constant 1 : i32
          %swap3A_496 = arith.index_cast %swap3A_495 : i32 to index
          %swap3A_497 = arith.index_cast %scan3A_467 : i32 to index
          %swap3A_498 = arith.constant 64 : index
          %swap3A_499 = tpu.vector_load %arg6[%swap3A_496, %swap3A_497, %swap3A_498] {strides = array<i32>} : memref<2x128x128xf32, #tpu.memory_space<vmem>>, vector<1x1x16xf32>,
          %swap3A_500 = vector.shape_cast %swap3A_499 : vector<1x1x16xf32> to vector<16xf32>
          %swap3A_501 = vector.shape_cast %broadcast_in_dim3A_370 : vector<16xf32> to vector<1x1x16xf32>
          tpu.vector_store %arg6[%swap3A_496, %swap3A_497, %swap3A_498], %swap3A_501 {strides = array<i32>} : memref<2x128x128xf32, #tpu.memory_space<vmem>>, vector<1x1x16xf32>,
          %swap3A_502 = arith.constant 1 : i32
          %swap3A_503 = arith.index_cast %swap3A_502 : i32 to index
          %swap3A_504 = arith.index_cast %scan3A_467 : i32 to index
          %swap3A_505 = arith.constant 80 : index
          %swap3A_506 = tpu.vector_load %arg6[%swap3A_503, %swap3A_504, %swap3A_505] {strides = array<i32>} : memref<2x128x128xf32, #tpu.memory_space<vmem>>, vector<1x1x16xf32>,
          %swap3A_507 = vector.shape_cast %swap3A_506 : vector<1x1x16xf32> to vector<16xf32>
          %swap3A_508 = vector.shape_cast %broadcast_in_dim3A_370 : vector<16xf32> to vector<1x1x16xf32>
          tpu.vector_store %arg6[%swap3A_503, %swap3A_504, %swap3A_505], %swap3A_508 {strides = array<i32>} : memref<2x128x128xf32, #tpu.memory_space<vmem>>, vector<1x1x16xf32>,
          %swap3A_509 = arith.constant 1 : i32
          %swap3A_510 = arith.index_cast %swap3A_509 : i32 to index
          %swap3A_511 = arith.index_cast %scan3A_467 : i32 to index
          %swap3A_512 = arith.constant 96 : index
          %swap3A_513 = tpu.vector_load %arg6[%swap3A_510, %swap3A_511, %swap3A_512] {strides = array<i32>} : memref<2x128x128xf32, #tpu.memory_space<vmem>>, vector<1x1x16xf32>,
          %swap3A_514 = vector.shape_cast %swap3A_513 : vector<1x1x16xf32> to vector<16xf32>
          %swap3A_515 = vector.shape_cast %broadcast_in_dim3A_370 : vector<16xf32> to vector<1x1x16xf32>
          tpu.vector_store %arg6[%swap3A_510, %swap3A_511, %swap3A_512], %swap3A_515 {strides = array<i32>} : memref<2x128x128xf32, #tpu.memory_space<vmem>>, vector<1x1x16xf32>,
          %swap3A_516 = arith.constant 1 : i32
          %swap3A_517 = arith.index_cast %swap3A_516 : i32 to index
          %swap3A_518 = arith.index_cast %scan3A_467 : i32 to index
          %swap3A_519 = arith.constant 112 : index
          %swap3A_520 = tpu.vector_load %arg6[%swap3A_517, %swap3A_518, %swap3A_519] {strides = array<i32>} : memref<2x128x128xf32, #tpu.memory_space<vmem>>, vector<1x1x16xf32>,
          %swap3A_521 = vector.shape_cast %swap3A_520 : vector<1x1x16xf32> to vector<16xf32>
          %swap3A_522 = vector.shape_cast %broadcast_in_dim3A_370 : vector<16xf32> to vector<1x1x16xf32>
          tpu.vector_store %arg6[%swap3A_517, %swap3A_518, %swap3A_519], %swap3A_522 {strides = array<i32>} : memref<2x128x128xf32, #tpu.memory_space<vmem>>, vector<1x1x16xf32>,
        }
        %scan3A_376 = arith.constant 128 : i32
        %dma_start3A_377 = arith.constant 1 : i32
        %dma_start3A_378 = arith.constant 0 : i32
        %dma_start3A_379 = arith.constant 1 : i32
        %dma_start3A_380 = arith.constant 0 : i32
        %dma_start3A_381 = arith.constant 0 : i32
        %dma_start3A_382 = tpu.memref_slice %arg6[%dma_start3A_379, %dma_start3A_380, %dma_start3A_381] : memref<2x128x128xf32, #tpu.memory_space<vmem>> -> memref<1x128x128xf32, #tpu.memory_space<vmem>>
        %dma_start3A_383 = tpu.memref_squeeze %dma_start3A_382 : memref<1x128x128xf32, #tpu.memory_space<vmem>> -> memref<128x128xf32, #tpu.memory_space<vmem>>
        %dma_start3A_384 = arith.constant 0 : i32
        %dma_start3A_385 = tpu.memref_slice %arg5[%dma_start3A_377, %dma_start3A_378, %dma_start3A_384] : memref<2x6x128xi32, #tpu.memory_space<vmem>> -> memref<1x1x128xi32, #tpu.memory_space<vmem>>
        %dma_start3A_386 = tpu.memref_squeeze %dma_start3A_385 : memref<1x1x128xi32, #tpu.memory_space<vmem>> -> memref<128xi32, #tpu.memory_space<vmem>>
        %dma_start3A_387 = arith.constant 0 : i32
        %dma_start3A_388 = arith.constant 0 : i32
        %dma_start3A_389 = tpu.memref_slice %arg2[%dma_start3A_387, %dma_start3A_388] : memref<716800x128xf32, #tpu.memory_space<hbm>> -> memref<716800x128xf32, #tpu.memory_space<hbm>>
        tpu.enqueue_indirect_dma source(%dma_start3A_389 : memref<716800x128xf32, #tpu.memory_space<hbm>>) target(%dma_start3A_383 : memref<128x128xf32, #tpu.memory_space<vmem>>) offsets(%dma_start3A_386 : memref<128xi32, #tpu.memory_space<vmem>>) semaphore(%arg9 : memref<!tpu.dma_semaphore, #tpu.memory_space<semaphore_mem>>) {add = true}
        %dma_start3A_390 = arith.constant 1 : i32
        %dma_start3A_391 = arith.constant 1 : i32
        %dma_start3A_392 = arith.constant 1 : i32
        %dma_start3A_393 = arith.constant 0 : i32
        %dma_start3A_394 = arith.constant 0 : i32
        %dma_start3A_395 = tpu.memref_slice %arg6[%dma_start3A_392, %dma_start3A_393, %dma_start3A_394] : memref<2x128x128xf32, #tpu.memory_space<vmem>> -> memref<1x128x128xf32, #tpu.memory_space<vmem>>
        %dma_start3A_396 = tpu.memref_squeeze %dma_start3A_395 : memref<1x128x128xf32, #tpu.memory_space<vmem>> -> memref<128x128xf32, #tpu.memory_space<vmem>>
        %dma_start3A_397 = arith.constant 0 : i32
        %dma_start3A_398 = tpu.memref_slice %arg5[%dma_start3A_390, %dma_start3A_391, %dma_start3A_397] : memref<2x6x128xi32, #tpu.memory_space<vmem>> -> memref<1x1x128xi32, #tpu.memory_space<vmem>>
        %dma_start3A_399 = tpu.memref_squeeze %dma_start3A_398 : memref<1x1x128xi32, #tpu.memory_space<vmem>> -> memref<128xi32, #tpu.memory_space<vmem>>
        %dma_start3A_400 = arith.constant 0 : i32
        %dma_start3A_401 = arith.constant 0 : i32
        %dma_start3A_402 = tpu.memref_slice %arg2[%dma_start3A_400, %dma_start3A_401] : memref<716800x128xf32, #tpu.memory_space<hbm>> -> memref<716800x128xf32, #tpu.memory_space<hbm>>
        tpu.enqueue_indirect_dma source(%dma_start3A_402 : memref<716800x128xf32, #tpu.memory_space<hbm>>) target(%dma_start3A_396 : memref<128x128xf32, #tpu.memory_space<vmem>>) offsets(%dma_start3A_399 : memref<128xi32, #tpu.memory_space<vmem>>) semaphore(%arg9 : memref<!tpu.dma_semaphore, #tpu.memory_space<semaphore_mem>>) {add = true}
        %dma_start3A_403 = arith.constant 1 : i32
        %dma_start3A_404 = arith.constant 2 : i32
        %dma_start3A_405 = arith.constant 1 : i32
        %dma_start3A_406 = arith.constant 0 : i32
        %dma_start3A_407 = arith.constant 0 : i32
        %dma_start3A_408 = tpu.memref_slice %arg6[%dma_start3A_405, %dma_start3A_406, %dma_start3A_407] : memref<2x128x128xf32, #tpu.memory_space<vmem>> -> memref<1x128x128xf32, #tpu.memory_space<vmem>>
        %dma_start3A_409 = tpu.memref_squeeze %dma_start3A_408 : memref<1x128x128xf32, #tpu.memory_space<vmem>> -> memref<128x128xf32, #tpu.memory_space<vmem>>
        %dma_start3A_410 = arith.constant 0 : i32
        %dma_start3A_411 = tpu.memref_slice %arg5[%dma_start3A_403, %dma_start3A_404, %dma_start3A_410] : memref<2x6x128xi32, #tpu.memory_space<vmem>> -> memref<1x1x128xi32, #tpu.memory_space<vmem>>
        %dma_start3A_412 = tpu.memref_squeeze %dma_start3A_411 : memref<1x1x128xi32, #tpu.memory_space<vmem>> -> memref<128xi32, #tpu.memory_space<vmem>>
        %dma_start3A_413 = arith.constant 0 : i32
        %dma_start3A_414 = arith.constant 0 : i32
        %dma_start3A_415 = tpu.memref_slice %arg2[%dma_start3A_413, %dma_start3A_414] : memref<716800x128xf32, #tpu.memory_space<hbm>> -> memref<716800x128xf32, #tpu.memory_space<hbm>>
        tpu.enqueue_indirect_dma source(%dma_start3A_415 : memref<716800x128xf32, #tpu.memory_space<hbm>>) target(%dma_start3A_409 : memref<128x128xf32, #tpu.memory_space<vmem>>) offsets(%dma_start3A_412 : memref<128xi32, #tpu.memory_space<vmem>>) semaphore(%arg9 : memref<!tpu.dma_semaphore, #tpu.memory_space<semaphore_mem>>) {add = true}
        %dma_start3A_416 = arith.constant 1 : i32
        %dma_start3A_417 = arith.constant 3 : i32
        %dma_start3A_418 = arith.constant 1 : i32
        %dma_start3A_419 = arith.constant 0 : i32
        %dma_start3A_420 = arith.constant 0 : i32
        %dma_start3A_421 = tpu.memref_slice %arg6[%dma_start3A_418, %dma_start3A_419, %dma_start3A_420] : memref<2x128x128xf32, #tpu.memory_space<vmem>> -> memref<1x128x128xf32, #tpu.memory_space<vmem>>
        %dma_start3A_422 = tpu.memref_squeeze %dma_start3A_421 : memref<1x128x128xf32, #tpu.memory_space<vmem>> -> memref<128x128xf32, #tpu.memory_space<vmem>>
        %dma_start3A_423 = arith.constant 0 : i32
        %dma_start3A_424 = tpu.memref_slice %arg5[%dma_start3A_416, %dma_start3A_417, %dma_start3A_423] : memref<2x6x128xi32, #tpu.memory_space<vmem>> -> memref<1x1x128xi32, #tpu.memory_space<vmem>>
        %dma_start3A_425 = tpu.memref_squeeze %dma_start3A_424 : memref<1x1x128xi32, #tpu.memory_space<vmem>> -> memref<128xi32, #tpu.memory_space<vmem>>
        %dma_start3A_426 = arith.constant 0 : i32
        %dma_start3A_427 = arith.constant 0 : i32
        %dma_start3A_428 = tpu.memref_slice %arg2[%dma_start3A_426, %dma_start3A_427] : memref<716800x128xf32, #tpu.memory_space<hbm>> -> memref<716800x128xf32, #tpu.memory_space<hbm>>
        tpu.enqueue_indirect_dma source(%dma_start3A_428 : memref<716800x128xf32, #tpu.memory_space<hbm>>) target(%dma_start3A_422 : memref<128x128xf32, #tpu.memory_space<vmem>>) offsets(%dma_start3A_425 : memref<128xi32, #tpu.memory_space<vmem>>) semaphore(%arg9 : memref<!tpu.dma_semaphore, #tpu.memory_space<semaphore_mem>>) {add = true}
        %dma_start3A_429 = arith.constant 1 : i32
        %dma_start3A_430 = arith.constant 4 : i32
        %dma_start3A_431 = arith.constant 1 : i32
        %dma_start3A_432 = arith.constant 0 : i32
        %dma_start3A_433 = arith.constant 0 : i32
        %dma_start3A_434 = tpu.memref_slice %arg6[%dma_start3A_431, %dma_start3A_432, %dma_start3A_433] : memref<2x128x128xf32, #tpu.memory_space<vmem>> -> memref<1x128x128xf32, #tpu.memory_space<vmem>>
        %dma_start3A_435 = tpu.memref_squeeze %dma_start3A_434 : memref<1x128x128xf32, #tpu.memory_space<vmem>> -> memref<128x128xf32, #tpu.memory_space<vmem>>
        %dma_start3A_436 = arith.constant 0 : i32
        %dma_start3A_437 = tpu.memref_slice %arg5[%dma_start3A_429, %dma_start3A_430, %dma_start3A_436] : memref<2x6x128xi32, #tpu.memory_space<vmem>> -> memref<1x1x128xi32, #tpu.memory_space<vmem>>
        %dma_start3A_438 = tpu.memref_squeeze %dma_start3A_437 : memref<1x1x128xi32, #tpu.memory_space<vmem>> -> memref<128xi32, #tpu.memory_space<vmem>>
        %dma_start3A_439 = arith.constant 0 : i32
        %dma_start3A_440 = arith.constant 0 : i32
        %dma_start3A_441 = tpu.memref_slice %arg2[%dma_start3A_439, %dma_start3A_440] : memref<716800x128xf32, #tpu.memory_space<hbm>> -> memref<716800x128xf32, #tpu.memory_space<hbm>>
        tpu.enqueue_indirect_dma source(%dma_start3A_441 : memref<716800x128xf32, #tpu.memory_space<hbm>>) target(%dma_start3A_435 : memref<128x128xf32, #tpu.memory_space<vmem>>) offsets(%dma_start3A_438 : memref<128xi32, #tpu.memory_space<vmem>>) semaphore(%arg9 : memref<!tpu.dma_semaphore, #tpu.memory_space<semaphore_mem>>) {add = true}
        %dma_start3A_442 = arith.constant 1 : i32
        %dma_start3A_443 = arith.constant 5 : i32
        %dma_start3A_444 = arith.constant 1 : i32
        %dma_start3A_445 = arith.constant 0 : i32
        %dma_start3A_446 = arith.constant 0 : i32
        %dma_start3A_447 = tpu.memref_slice %arg6[%dma_start3A_444, %dma_start3A_445, %dma_start3A_446] : memref<2x128x128xf32, #tpu.memory_space<vmem>> -> memref<1x128x128xf32, #tpu.memory_space<vmem>>
        %dma_start3A_448 = tpu.memref_squeeze %dma_start3A_447 : memref<1x128x128xf32, #tpu.memory_space<vmem>> -> memref<128x128xf32, #tpu.memory_space<vmem>>
        %dma_start3A_449 = arith.constant 0 : i32
        %dma_start3A_450 = tpu.memref_slice %arg5[%dma_start3A_442, %dma_start3A_443, %dma_start3A_449] : memref<2x6x128xi32, #tpu.memory_space<vmem>> -> memref<1x1x128xi32, #tpu.memory_space<vmem>>
        %dma_start3A_451 = tpu.memref_squeeze %dma_start3A_450 : memref<1x1x128xi32, #tpu.memory_space<vmem>> -> memref<128xi32, #tpu.memory_space<vmem>>
        %dma_start3A_452 = arith.constant 0 : i32
        %dma_start3A_453 = arith.constant 0 : i32
        %dma_start3A_454 = tpu.memref_slice %arg2[%dma_start3A_452, %dma_start3A_453] : memref<716800x128xf32, #tpu.memory_space<hbm>> -> memref<716800x128xf32, #tpu.memory_space<hbm>>
        tpu.enqueue_indirect_dma source(%dma_start3A_454 : memref<716800x128xf32, #tpu.memory_space<hbm>>) target(%dma_start3A_448 : memref<128x128xf32, #tpu.memory_space<vmem>>) offsets(%dma_start3A_451 : memref<128xi32, #tpu.memory_space<vmem>>) semaphore(%arg9 : memref<!tpu.dma_semaphore, #tpu.memory_space<semaphore_mem>>) {add = true}
        %ge3A_455 = arith.constant 1 : i32
        %ge3A_456 = arith.cmpi sge, %add3A_261, %ge3A_455 : i32
        %convert_element_type3A_457 = arith.extui %ge3A_456 : i1 to i32
        %cond3A_458 = arith.constant 0 : i32
        %cond3A_459 = arith.cmpi ne, %convert_element_type3A_457, %cond3A_458 : i32
        scf.if %cond3A_459 {
          %dma_wait3A_467 = arith.constant 0 : i32
          %dma_wait3A_468 = arith.constant 0 : i32
          %dma_wait3A_469 = arith.constant 0 : i32
          %dma_wait3A_470 = tpu.memref_slice %arg6[%dma_wait3A_467, %dma_wait3A_468, %dma_wait3A_469] : memref<2x128x128xf32, #tpu.memory_space<vmem>> -> memref<1x128x128xf32, #tpu.memory_space<vmem>>
          %dma_wait3A_471 = tpu.memref_squeeze %dma_wait3A_470 : memref<1x128x128xf32, #tpu.memory_space<vmem>> -> memref<128x128xf32, #tpu.memory_space<vmem>>
          %dma_wait3A_472 = arith.constant 0 : i32
          %dma_wait3A_473 = arith.constant 0 : i32
          %dma_wait3A_474 = tpu.memref_slice %arg2[%dma_wait3A_472, %dma_wait3A_473] : memref<716800x128xf32, #tpu.memory_space<hbm>> -> memref<128x128xf32, #tpu.memory_space<hbm>>
          %dma_wait3A_475 = arith.constant 0 : i32
          %dma_wait3A_476 = arith.constant 0 : i32
          %dma_wait3A_477 = tpu.memref_slice %arg6[%dma_wait3A_467, %dma_wait3A_475, %dma_wait3A_476] : memref<2x128x128xf32, #tpu.memory_space<vmem>> -> memref<1x128x128xf32, #tpu.memory_space<vmem>>
          %dma_wait3A_478 = tpu.memref_squeeze %dma_wait3A_477 : memref<1x128x128xf32, #tpu.memory_space<vmem>> -> memref<128x128xf32, #tpu.memory_space<vmem>>
          %dma_wait3A_479 = arith.constant 0 : i32
          %dma_wait3A_480 = arith.constant 0 : i32
          %dma_wait3A_481 = tpu.memref_slice %arg2[%dma_wait3A_479, %dma_wait3A_480] : memref<716800x128xf32, #tpu.memory_space<hbm>> -> memref<128x128xf32, #tpu.memory_space<hbm>>
          tpu.wait_dma2 semaphore(%arg8 : memref<!tpu.dma_semaphore, #tpu.memory_space<semaphore_mem>>) src(%dma_wait3A_481 : memref<128x128xf32, #tpu.memory_space<hbm>>) dst(%dma_wait3A_478 : memref<128x128xf32, #tpu.memory_space<vmem>>)
          %dma_wait3A_482 = arith.constant 0 : i32
          %dma_wait3A_483 = arith.constant 0 : i32
          %dma_wait3A_484 = arith.constant 0 : i32
          %dma_wait3A_485 = tpu.memref_slice %arg6[%dma_wait3A_482, %dma_wait3A_483, %dma_wait3A_484] : memref<2x128x128xf32, #tpu.memory_space<vmem>> -> memref<1x128x128xf32, #tpu.memory_space<vmem>>
          %dma_wait3A_486 = tpu.memref_squeeze %dma_wait3A_485 : memref<1x128x128xf32, #tpu.memory_space<vmem>> -> memref<128x128xf32, #tpu.memory_space<vmem>>
          %dma_wait3A_487 = arith.constant 0 : i32
          %dma_wait3A_488 = arith.constant 0 : i32
          %dma_wait3A_489 = tpu.memref_slice %arg2[%dma_wait3A_487, %dma_wait3A_488] : memref<716800x128xf32, #tpu.memory_space<hbm>> -> memref<128x128xf32, #tpu.memory_space<hbm>>
          %dma_wait3A_490 = arith.constant 0 : i32
          %dma_wait3A_491 = arith.constant 0 : i32
          %dma_wait3A_492 = tpu.memref_slice %arg6[%dma_wait3A_482, %dma_wait3A_490, %dma_wait3A_491] : memref<2x128x128xf32, #tpu.memory_space<vmem>> -> memref<1x128x128xf32, #tpu.memory_space<vmem>>
          %dma_wait3A_493 = tpu.memref_squeeze %dma_wait3A_492 : memref<1x128x128xf32, #tpu.memory_space<vmem>> -> memref<128x128xf32, #tpu.memory_space<vmem>>
          %dma_wait3A_494 = arith.constant 0 : i32
          %dma_wait3A_495 = arith.constant 0 : i32
          %dma_wait3A_496 = tpu.memref_slice %arg2[%dma_wait3A_494, %dma_wait3A_495] : memref<716800x128xf32, #tpu.memory_space<hbm>> -> memref<128x128xf32, #tpu.memory_space<hbm>>
          tpu.wait_dma2 semaphore(%arg8 : memref<!tpu.dma_semaphore, #tpu.memory_space<semaphore_mem>>) src(%dma_wait3A_496 : memref<128x128xf32, #tpu.memory_space<hbm>>) dst(%dma_wait3A_493 : memref<128x128xf32, #tpu.memory_space<vmem>>)
          %dma_wait3A_497 = arith.constant 0 : i32
          %dma_wait3A_498 = arith.constant 0 : i32
          %dma_wait3A_499 = arith.constant 0 : i32
          %dma_wait3A_500 = tpu.memref_slice %arg6[%dma_wait3A_497, %dma_wait3A_498, %dma_wait3A_499] : memref<2x128x128xf32, #tpu.memory_space<vmem>> -> memref<1x128x128xf32, #tpu.memory_space<vmem>>
          %dma_wait3A_501 = tpu.memref_squeeze %dma_wait3A_500 : memref<1x128x128xf32, #tpu.memory_space<vmem>> -> memref<128x128xf32, #tpu.memory_space<vmem>>
          %dma_wait3A_502 = arith.constant 0 : i32
          %dma_wait3A_503 = arith.constant 0 : i32
          %dma_wait3A_504 = tpu.memref_slice %arg2[%dma_wait3A_502, %dma_wait3A_503] : memref<716800x128xf32, #tpu.memory_space<hbm>> -> memref<128x128xf32, #tpu.memory_space<hbm>>
          %dma_wait3A_505 = arith.constant 0 : i32
          %dma_wait3A_506 = arith.constant 0 : i32
          %dma_wait3A_507 = tpu.memref_slice %arg6[%dma_wait3A_497, %dma_wait3A_505, %dma_wait3A_506] : memref<2x128x128xf32, #tpu.memory_space<vmem>> -> memref<1x128x128xf32, #tpu.memory_space<vmem>>
          %dma_wait3A_508 = tpu.memref_squeeze %dma_wait3A_507 : memref<1x128x128xf32, #tpu.memory_space<vmem>> -> memref<128x128xf32, #tpu.memory_space<vmem>>
          %dma_wait3A_509 = arith.constant 0 : i32
          %dma_wait3A_510 = arith.constant 0 : i32
          %dma_wait3A_511 = tpu.memref_slice %arg2[%dma_wait3A_509, %dma_wait3A_510] : memref<716800x128xf32, #tpu.memory_space<hbm>> -> memref<128x128xf32, #tpu.memory_space<hbm>>
          tpu.wait_dma2 semaphore(%arg8 : memref<!tpu.dma_semaphore, #tpu.memory_space<semaphore_mem>>) src(%dma_wait3A_511 : memref<128x128xf32, #tpu.memory_space<hbm>>) dst(%dma_wait3A_508 : memref<128x128xf32, #tpu.memory_space<vmem>>)
          %dma_wait3A_512 = arith.constant 0 : i32
          %dma_wait3A_513 = arith.constant 0 : i32
          %dma_wait3A_514 = arith.constant 0 : i32
          %dma_wait3A_515 = tpu.memref_slice %arg6[%dma_wait3A_512, %dma_wait3A_513, %dma_wait3A_514] : memref<2x128x128xf32, #tpu.memory_space<vmem>> -> memref<1x128x128xf32, #tpu.memory_space<vmem>>
          %dma_wait3A_516 = tpu.memref_squeeze %dma_wait3A_515 : memref<1x128x128xf32, #tpu.memory_space<vmem>> -> memref<128x128xf32, #tpu.memory_space<vmem>>
          %dma_wait3A_517 = arith.constant 0 : i32
          %dma_wait3A_518 = arith.constant 0 : i32
          %dma_wait3A_519 = tpu.memref_slice %arg2[%dma_wait3A_517, %dma_wait3A_518] : memref<716800x128xf32, #tpu.memory_space<hbm>> -> memref<128x128xf32, #tpu.memory_space<hbm>>
          %dma_wait3A_520 = arith.constant 0 : i32
          %dma_wait3A_521 = arith.constant 0 : i32
          %dma_wait3A_522 = tpu.memref_slice %arg6[%dma_wait3A_512, %dma_wait3A_520, %dma_wait3A_521] : memref<2x128x128xf32, #tpu.memory_space<vmem>> -> memref<1x128x128xf32, #tpu.memory_space<vmem>>
          %dma_wait3A_523 = tpu.memref_squeeze %dma_wait3A_522 : memref<1x128x128xf32, #tpu.memory_space<vmem>> -> memref<128x128xf32, #tpu.memory_space<vmem>>
          %dma_wait3A_524 = arith.constant 0 : i32
          %dma_wait3A_525 = arith.constant 0 : i32
          %dma_wait3A_526 = tpu.memref_slice %arg2[%dma_wait3A_524, %dma_wait3A_525] : memref<716800x128xf32, #tpu.memory_space<hbm>> -> memref<128x128xf32, #tpu.memory_space<hbm>>
          tpu.wait_dma2 semaphore(%arg8 : memref<!tpu.dma_semaphore, #tpu.memory_space<semaphore_mem>>) src(%dma_wait3A_526 : memref<128x128xf32, #tpu.memory_space<hbm>>) dst(%dma_wait3A_523 : memref<128x128xf32, #tpu.memory_space<vmem>>)
          %dma_wait3A_527 = arith.constant 0 : i32
          %dma_wait3A_528 = arith.constant 0 : i32
          %dma_wait3A_529 = arith.constant 0 : i32
          %dma_wait3A_530 = tpu.memref_slice %arg6[%dma_wait3A_527, %dma_wait3A_528, %dma_wait3A_529] : memref<2x128x128xf32, #tpu.memory_space<vmem>> -> memref<1x128x128xf32, #tpu.memory_space<vmem>>
          %dma_wait3A_531 = tpu.memref_squeeze %dma_wait3A_530 : memref<1x128x128xf32, #tpu.memory_space<vmem>> -> memref<128x128xf32, #tpu.memory_space<vmem>>
          %dma_wait3A_532 = arith.constant 0 : i32
          %dma_wait3A_533 = arith.constant 0 : i32
          %dma_wait3A_534 = tpu.memref_slice %arg2[%dma_wait3A_532, %dma_wait3A_533] : memref<716800x128xf32, #tpu.memory_space<hbm>> -> memref<128x128xf32, #tpu.memory_space<hbm>>
          %dma_wait3A_535 = arith.constant 0 : i32
          %dma_wait3A_536 = arith.constant 0 : i32
          %dma_wait3A_537 = tpu.memref_slice %arg6[%dma_wait3A_527, %dma_wait3A_535, %dma_wait3A_536] : memref<2x128x128xf32, #tpu.memory_space<vmem>> -> memref<1x128x128xf32, #tpu.memory_space<vmem>>
          %dma_wait3A_538 = tpu.memref_squeeze %dma_wait3A_537 : memref<1x128x128xf32, #tpu.memory_space<vmem>> -> memref<128x128xf32, #tpu.memory_space<vmem>>
          %dma_wait3A_539 = arith.constant 0 : i32
          %dma_wait3A_540 = arith.constant 0 : i32
          %dma_wait3A_541 = tpu.memref_slice %arg2[%dma_wait3A_539, %dma_wait3A_540] : memref<716800x128xf32, #tpu.memory_space<hbm>> -> memref<128x128xf32, #tpu.memory_space<hbm>>
          tpu.wait_dma2 semaphore(%arg8 : memref<!tpu.dma_semaphore, #tpu.memory_space<semaphore_mem>>) src(%dma_wait3A_541 : memref<128x128xf32, #tpu.memory_space<hbm>>) dst(%dma_wait3A_538 : memref<128x128xf32, #tpu.memory_space<vmem>>)
          %dma_wait3A_542 = arith.constant 0 : i32
          %dma_wait3A_543 = arith.constant 0 : i32
          %dma_wait3A_544 = arith.constant 0 : i32
          %dma_wait3A_545 = tpu.memref_slice %arg6[%dma_wait3A_542, %dma_wait3A_543, %dma_wait3A_544] : memref<2x128x128xf32, #tpu.memory_space<vmem>> -> memref<1x128x128xf32, #tpu.memory_space<vmem>>
          %dma_wait3A_546 = tpu.memref_squeeze %dma_wait3A_545 : memref<1x128x128xf32, #tpu.memory_space<vmem>> -> memref<128x128xf32, #tpu.memory_space<vmem>>
          %dma_wait3A_547 = arith.constant 0 : i32
          %dma_wait3A_548 = arith.constant 0 : i32
          %dma_wait3A_549 = tpu.memref_slice %arg2[%dma_wait3A_547, %dma_wait3A_548] : memref<716800x128xf32, #tpu.memory_space<hbm>> -> memref<128x128xf32, #tpu.memory_space<hbm>>
          %dma_wait3A_550 = arith.constant 0 : i32
          %dma_wait3A_551 = arith.constant 0 : i32
          %dma_wait3A_552 = tpu.memref_slice %arg6[%dma_wait3A_542, %dma_wait3A_550, %dma_wait3A_551] : memref<2x128x128xf32, #tpu.memory_space<vmem>> -> memref<1x128x128xf32, #tpu.memory_space<vmem>>
          %dma_wait3A_553 = tpu.memref_squeeze %dma_wait3A_552 : memref<1x128x128xf32, #tpu.memory_space<vmem>> -> memref<128x128xf32, #tpu.memory_space<vmem>>
          %dma_wait3A_554 = arith.constant 0 : i32
          %dma_wait3A_555 = arith.constant 0 : i32
          %dma_wait3A_556 = tpu.memref_slice %arg2[%dma_wait3A_554, %dma_wait3A_555] : memref<716800x128xf32, #tpu.memory_space<hbm>> -> memref<128x128xf32, #tpu.memory_space<hbm>>
          tpu.wait_dma2 semaphore(%arg8 : memref<!tpu.dma_semaphore, #tpu.memory_space<semaphore_mem>>) src(%dma_wait3A_556 : memref<128x128xf32, #tpu.memory_space<hbm>>) dst(%dma_wait3A_553 : memref<128x128xf32, #tpu.memory_space<vmem>>)
          %sub3A_557 = arith.constant 128 : i32
          %sub3A_558 = arith.subi %add3A_269, %sub3A_557 : i32
          %dma_start3A_559 = arith.constant 0 : i32
          %dma_start3A_560 = arith.constant 0 : i32
          %dma_start3A_561 = arith.constant 0 : i32
          %dma_start3A_562 = tpu.memref_slice %arg6[%dma_start3A_559, %dma_start3A_560, %dma_start3A_561] : memref<2x128x128xf32, #tpu.memory_space<vmem>> -> memref<1x128x128xf32, #tpu.memory_space<vmem>>
          %dma_start3A_563 = tpu.memref_squeeze %dma_start3A_562 : memref<1x128x128xf32, #tpu.memory_space<vmem>> -> memref<128x128xf32, #tpu.memory_space<vmem>>
          %dma_start3A_564 = arith.constant 0 : i32
          %dma_start3A_565 = tpu.memref_slice %arg4[%sub3A_558, %dma_start3A_564] : memref<102400x128xf32, #tpu.memory_space<hbm>> -> memref<128x128xf32, #tpu.memory_space<hbm>>
          %dma_start3A_566 = arith.constant 0 : i32
          %dma_start3A_567 = tpu.memref_slice %arg4[%sub3A_558, %dma_start3A_566] : memref<102400x128xf32, #tpu.memory_space<hbm>> -> memref<128x128xf32, #tpu.memory_space<hbm>>
          %dma_start3A_568 = arith.constant 0 : i32
          %dma_start3A_569 = arith.constant 0 : i32
          %dma_start3A_570 = tpu.memref_slice %arg6[%dma_start3A_559, %dma_start3A_568, %dma_start3A_569] : memref<2x128x128xf32, #tpu.memory_space<vmem>> -> memref<1x128x128xf32, #tpu.memory_space<vmem>>
          %dma_start3A_571 = tpu.memref_squeeze %dma_start3A_570 : memref<1x128x128xf32, #tpu.memory_space<vmem>> -> memref<128x128xf32, #tpu.memory_space<vmem>>
          tpu.enqueue_dma source(%dma_start3A_571 : memref<128x128xf32, #tpu.memory_space<vmem>>) target(%dma_start3A_567 : memref<128x128xf32, #tpu.memory_space<hbm>>) target_semaphore(%arg10 : memref<!tpu.dma_semaphore, #tpu.memory_space<semaphore_mem>>)
        } else {
        }
        %add3A_460 = arith.constant 1 : i32
        %add3A_461 = arith.addi %add3A_261, %add3A_460 : i32
        %lt3A_462 = arith.constant 25 : i32
        %lt3A_463 = arith.cmpi slt, %add3A_461, %lt3A_462 : i32
        %convert_element_type3A_464 = arith.extui %lt3A_463 : i1 to i32
        %cond3A_465 = arith.constant 0 : i32
        %cond3A_466 = arith.cmpi ne, %convert_element_type3A_464, %cond3A_465 : i32
        scf.if %cond3A_466 {
          %add3A_467 = arith.constant 1 : i32
          %add3A_468 = arith.addi %add3A_261, %add3A_467 : i32
          %mul3A_469 = arith.constant 128 : i32
          %mul3A_470 = arith.muli %add3A_468, %mul3A_469 : i32
          %add3A_471 = arith.addi %mul3A_4, %mul3A_470 : i32
          %jit3A_472 = arith.constant 128 : i32
          %div3A_473 = arith.divsi %add3A_471, %jit3A_472 : i32
          %sign3A_474 = arith.constant 0 : i32
          %sign3A_475 = arith.cmpi sgt, %add3A_471, %sign3A_474 : i32
          %sign3A_476 = arith.extui %sign3A_475 : i1 to i32
          %sign3A_477 = arith.constant 0 : i32
          %sign3A_478 = arith.cmpi slt, %add3A_471, %sign3A_477 : i32
          %sign3A_479 = arith.extui %sign3A_478 : i1 to i32
          %sign3A_480 = arith.subi %sign3A_476, %sign3A_479 : i32
          %sign3A_481 = arith.constant 0 : i32
          %sign3A_482 = arith.cmpi sgt, %jit3A_472, %sign3A_481 : i32
          %sign3A_483 = arith.extui %sign3A_482 : i1 to i32
          %sign3A_484 = arith.constant 0 : i32
          %sign3A_485 = arith.cmpi slt, %jit3A_472, %sign3A_484 : i32
          %sign3A_486 = arith.extui %sign3A_485 : i1 to i32
          %sign3A_487 = arith.subi %sign3A_483, %sign3A_486 : i32
          %ne3A_488 = arith.cmpi ne, %sign3A_480, %sign3A_487 : i32
          %rem3A_489 = arith.remsi %add3A_471, %jit3A_472 : i32
          %ne3A_490 = arith.constant 0 : i32
          %ne3A_491 = arith.cmpi ne, %rem3A_489, %ne3A_490 : i32
          %and3A_492 = arith.andi %ne3A_488, %ne3A_491 : i1
          %sub3A_493 = arith.constant 1 : i32
          %sub3A_494 = arith.subi %div3A_473, %sub3A_493 : i32
          %select_n3A_495 = arith.select %and3A_492, %sub3A_494, %div3A_473 : i32
          %dma_start3A_496 = arith.constant 0 : i32
          %dma_start3A_497 = arith.constant 0 : i32
          %dma_start3A_498 = arith.constant 0 : i32
          %dma_start3A_499 = arith.constant 0 : i32
          %dma_start3A_500 = tpu.memref_slice %arg5[%dma_start3A_497, %dma_start3A_498, %dma_start3A_499] : memref<2x6x128xi32, #tpu.memory_space<vmem>> -> memref<1x1x128xi32, #tpu.memory_space<vmem>>
          %dma_start3A_501 = tpu.memref_squeeze %dma_start3A_500 : memref<1x1x128xi32, #tpu.memory_space<vmem>> -> memref<128xi32, #tpu.memory_space<vmem>>
          %dma_start3A_502 = arith.constant 0 : i32
          %dma_start3A_503 = tpu.memref_slice %arg3[%dma_start3A_496, %select_n3A_495, %dma_start3A_502] : memref<6x800x128xi32, #tpu.memory_space<hbm>> -> memref<1x1x128xi32, #tpu.memory_space<hbm>>
          %dma_start3A_504 = tpu.memref_squeeze %dma_start3A_503 : memref<1x1x128xi32, #tpu.memory_space<hbm>> -> memref<128xi32, #tpu.memory_space<hbm>>
          %dma_start3A_505 = arith.constant 0 : i32
          %dma_start3A_506 = tpu.memref_slice %arg5[%dma_start3A_497, %dma_start3A_498, %dma_start3A_505] : memref<2x6x128xi32, #tpu.memory_space<vmem>> -> memref<1x1x128xi32, #tpu.memory_space<vmem>>
          %dma_start3A_507 = tpu.memref_squeeze %dma_start3A_506 : memref<1x1x128xi32, #tpu.memory_space<vmem>> -> memref<128xi32, #tpu.memory_space<vmem>>
          %dma_start3A_508 = arith.constant 0 : i32
          %dma_start3A_509 = tpu.memref_slice %arg3[%dma_start3A_496, %select_n3A_495, %dma_start3A_508] : memref<6x800x128xi32, #tpu.memory_space<hbm>> -> memref<1x1x128xi32, #tpu.memory_space<hbm>>
          %dma_start3A_510 = tpu.memref_squeeze %dma_start3A_509 : memref<1x1x128xi32, #tpu.memory_space<hbm>> -> memref<128xi32, #tpu.memory_space<hbm>>
          tpu.enqueue_dma source(%dma_start3A_510 : memref<128xi32, #tpu.memory_space<hbm>>) target(%dma_start3A_507 : memref<128xi32, #tpu.memory_space<vmem>>) target_semaphore(%arg7 : memref<!tpu.dma_semaphore, #tpu.memory_space<semaphore_mem>>)
          %dma_start3A_511 = arith.constant 1 : i32
          %dma_start3A_512 = arith.constant 0 : i32
          %dma_start3A_513 = arith.constant 1 : i32
          %dma_start3A_514 = arith.constant 0 : i32
          %dma_start3A_515 = tpu.memref_slice %arg5[%dma_start3A_512, %dma_start3A_513, %dma_start3A_514] : memref<2x6x128xi32, #tpu.memory_space<vmem>> -> memref<1x1x128xi32, #tpu.memory_space<vmem>>
          %dma_start3A_516 = tpu.memref_squeeze %dma_start3A_515 : memref<1x1x128xi32, #tpu.memory_space<vmem>> -> memref<128xi32, #tpu.memory_space<vmem>>
          %dma_start3A_517 = arith.constant 0 : i32
          %dma_start3A_518 = tpu.memref_slice %arg3[%dma_start3A_511, %select_n3A_495, %dma_start3A_517] : memref<6x800x128xi32, #tpu.memory_space<hbm>> -> memref<1x1x128xi32, #tpu.memory_space<hbm>>
          %dma_start3A_519 = tpu.memref_squeeze %dma_start3A_518 : memref<1x1x128xi32, #tpu.memory_space<hbm>> -> memref<128xi32, #tpu.memory_space<hbm>>
          %dma_start3A_520 = arith.constant 0 : i32
          %dma_start3A_521 = tpu.memref_slice %arg5[%dma_start3A_512, %dma_start3A_513, %dma_start3A_520] : memref<2x6x128xi32, #tpu.memory_space<vmem>> -> memref<1x1x128xi32, #tpu.memory_space<vmem>>
          %dma_start3A_522 = tpu.memref_squeeze %dma_start3A_521 : memref<1x1x128xi32, #tpu.memory_space<vmem>> -> memref<128xi32, #tpu.memory_space<vmem>>
          %dma_start3A_523 = arith.constant 0 : i32
          %dma_start3A_524 = tpu.memref_slice %arg3[%dma_start3A_511, %select_n3A_495, %dma_start3A_523] : memref<6x800x128xi32, #tpu.memory_space<hbm>> -> memref<1x1x128xi32, #tpu.memory_space<hbm>>
          %dma_start3A_525 = tpu.memref_squeeze %dma_start3A_524 : memref<1x1x128xi32, #tpu.memory_space<hbm>> -> memref<128xi32, #tpu.memory_space<hbm>>
          tpu.enqueue_dma source(%dma_start3A_525 : memref<128xi32, #tpu.memory_space<hbm>>) target(%dma_start3A_522 : memref<128xi32, #tpu.memory_space<vmem>>) target_semaphore(%arg7 : memref<!tpu.dma_semaphore, #tpu.memory_space<semaphore_mem>>)
          %dma_start3A_526 = arith.constant 2 : i32
          %dma_start3A_527 = arith.constant 0 : i32
          %dma_start3A_528 = arith.constant 2 : i32
          %dma_start3A_529 = arith.constant 0 : i32
          %dma_start3A_530 = tpu.memref_slice %arg5[%dma_start3A_527, %dma_start3A_528, %dma_start3A_529] : memref<2x6x128xi32, #tpu.memory_space<vmem>> -> memref<1x1x128xi32, #tpu.memory_space<vmem>>
          %dma_start3A_531 = tpu.memref_squeeze %dma_start3A_530 : memref<1x1x128xi32, #tpu.memory_space<vmem>> -> memref<128xi32, #tpu.memory_space<vmem>>
          %dma_start3A_532 = arith.constant 0 : i32
          %dma_start3A_533 = tpu.memref_slice %arg3[%dma_start3A_526, %select_n3A_495, %dma_start3A_532] : memref<6x800x128xi32, #tpu.memory_space<hbm>> -> memref<1x1x128xi32, #tpu.memory_space<hbm>>
          %dma_start3A_534 = tpu.memref_squeeze %dma_start3A_533 : memref<1x1x128xi32, #tpu.memory_space<hbm>> -> memref<128xi32, #tpu.memory_space<hbm>>
          %dma_start3A_535 = arith.constant 0 : i32
          %dma_start3A_536 = tpu.memref_slice %arg5[%dma_start3A_527, %dma_start3A_528, %dma_start3A_535] : memref<2x6x128xi32, #tpu.memory_space<vmem>> -> memref<1x1x128xi32, #tpu.memory_space<vmem>>
          %dma_start3A_537 = tpu.memref_squeeze %dma_start3A_536 : memref<1x1x128xi32, #tpu.memory_space<vmem>> -> memref<128xi32, #tpu.memory_space<vmem>>
          %dma_start3A_538 = arith.constant 0 : i32
          %dma_start3A_539 = tpu.memref_slice %arg3[%dma_start3A_526, %select_n3A_495, %dma_start3A_538] : memref<6x800x128xi32, #tpu.memory_space<hbm>> -> memref<1x1x128xi32, #tpu.memory_space<hbm>>
          %dma_start3A_540 = tpu.memref_squeeze %dma_start3A_539 : memref<1x1x128xi32, #tpu.memory_space<hbm>> -> memref<128xi32, #tpu.memory_space<hbm>>
          tpu.enqueue_dma source(%dma_start3A_540 : memref<128xi32, #tpu.memory_space<hbm>>) target(%dma_start3A_537 : memref<128xi32, #tpu.memory_space<vmem>>) target_semaphore(%arg7 : memref<!tpu.dma_semaphore, #tpu.memory_space<semaphore_mem>>)
          %dma_start3A_541 = arith.constant 3 : i32
          %dma_start3A_542 = arith.constant 0 : i32
          %dma_start3A_543 = arith.constant 3 : i32
          %dma_start3A_544 = arith.constant 0 : i32
          %dma_start3A_545 = tpu.memref_slice %arg5[%dma_start3A_542, %dma_start3A_543, %dma_start3A_544] : memref<2x6x128xi32, #tpu.memory_space<vmem>> -> memref<1x1x128xi32, #tpu.memory_space<vmem>>
          %dma_start3A_546 = tpu.memref_squeeze %dma_start3A_545 : memref<1x1x128xi32, #tpu.memory_space<vmem>> -> memref<128xi32, #tpu.memory_space<vmem>>
          %dma_start3A_547 = arith.constant 0 : i32
          %dma_start3A_548 = tpu.memref_slice %arg3[%dma_start3A_541, %select_n3A_495, %dma_start3A_547] : memref<6x800x128xi32, #tpu.memory_space<hbm>> -> memref<1x1x128xi32, #tpu.memory_space<hbm>>
          %dma_start3A_549 = tpu.memref_squeeze %dma_start3A_548 : memref<1x1x128xi32, #tpu.memory_space<hbm>> -> memref<128xi32, #tpu.memory_space<hbm>>
          %dma_start3A_550 = arith.constant 0 : i32
          %dma_start3A_551 = tpu.memref_slice %arg5[%dma_start3A_542, %dma_start3A_543, %dma_start3A_550] : memref<2x6x128xi32, #tpu.memory_space<vmem>> -> memref<1x1x128xi32, #tpu.memory_space<vmem>>
          %dma_start3A_552 = tpu.memref_squeeze %dma_start3A_551 : memref<1x1x128xi32, #tpu.memory_space<vmem>> -> memref<128xi32, #tpu.memory_space<vmem>>
          %dma_start3A_553 = arith.constant 0 : i32
          %dma_start3A_554 = tpu.memref_slice %arg3[%dma_start3A_541, %select_n3A_495, %dma_start3A_553] : memref<6x800x128xi32, #tpu.memory_space<hbm>> -> memref<1x1x128xi32, #tpu.memory_space<hbm>>
          %dma_start3A_555 = tpu.memref_squeeze %dma_start3A_554 : memref<1x1x128xi32, #tpu.memory_space<hbm>> -> memref<128xi32, #tpu.memory_space<hbm>>
          tpu.enqueue_dma source(%dma_start3A_555 : memref<128xi32, #tpu.memory_space<hbm>>) target(%dma_start3A_552 : memref<128xi32, #tpu.memory_space<vmem>>) target_semaphore(%arg7 : memref<!tpu.dma_semaphore, #tpu.memory_space<semaphore_mem>>)
          %dma_start3A_556 = arith.constant 4 : i32
          %dma_start3A_557 = arith.constant 0 : i32
          %dma_start3A_558 = arith.constant 4 : i32
          %dma_start3A_559 = arith.constant 0 : i32
          %dma_start3A_560 = tpu.memref_slice %arg5[%dma_start3A_557, %dma_start3A_558, %dma_start3A_559] : memref<2x6x128xi32, #tpu.memory_space<vmem>> -> memref<1x1x128xi32, #tpu.memory_space<vmem>>
          %dma_start3A_561 = tpu.memref_squeeze %dma_start3A_560 : memref<1x1x128xi32, #tpu.memory_space<vmem>> -> memref<128xi32, #tpu.memory_space<vmem>>
          %dma_start3A_562 = arith.constant 0 : i32
          %dma_start3A_563 = tpu.memref_slice %arg3[%dma_start3A_556, %select_n3A_495, %dma_start3A_562] : memref<6x800x128xi32, #tpu.memory_space<hbm>> -> memref<1x1x128xi32, #tpu.memory_space<hbm>>
          %dma_start3A_564 = tpu.memref_squeeze %dma_start3A_563 : memref<1x1x128xi32, #tpu.memory_space<hbm>> -> memref<128xi32, #tpu.memory_space<hbm>>
          %dma_start3A_565 = arith.constant 0 : i32
          %dma_start3A_566 = tpu.memref_slice %arg5[%dma_start3A_557, %dma_start3A_558, %dma_start3A_565] : memref<2x6x128xi32, #tpu.memory_space<vmem>> -> memref<1x1x128xi32, #tpu.memory_space<vmem>>
          %dma_start3A_567 = tpu.memref_squeeze %dma_start3A_566 : memref<1x1x128xi32, #tpu.memory_space<vmem>> -> memref<128xi32, #tpu.memory_space<vmem>>
          %dma_start3A_568 = arith.constant 0 : i32
          %dma_start3A_569 = tpu.memref_slice %arg3[%dma_start3A_556, %select_n3A_495, %dma_start3A_568] : memref<6x800x128xi32, #tpu.memory_space<hbm>> -> memref<1x1x128xi32, #tpu.memory_space<hbm>>
          %dma_start3A_570 = tpu.memref_squeeze %dma_start3A_569 : memref<1x1x128xi32, #tpu.memory_space<hbm>> -> memref<128xi32, #tpu.memory_space<hbm>>
          tpu.enqueue_dma source(%dma_start3A_570 : memref<128xi32, #tpu.memory_space<hbm>>) target(%dma_start3A_567 : memref<128xi32, #tpu.memory_space<vmem>>) target_semaphore(%arg7 : memref<!tpu.dma_semaphore, #tpu.memory_space<semaphore_mem>>)
          %dma_start3A_571 = arith.constant 5 : i32
          %dma_start3A_572 = arith.constant 0 : i32
          %dma_start3A_573 = arith.constant 5 : i32
          %dma_start3A_574 = arith.constant 0 : i32
          %dma_start3A_575 = tpu.memref_slice %arg5[%dma_start3A_572, %dma_start3A_573, %dma_start3A_574] : memref<2x6x128xi32, #tpu.memory_space<vmem>> -> memref<1x1x128xi32, #tpu.memory_space<vmem>>
          %dma_start3A_576 = tpu.memref_squeeze %dma_start3A_575 : memref<1x1x128xi32, #tpu.memory_space<vmem>> -> memref<128xi32, #tpu.memory_space<vmem>>
          %dma_start3A_577 = arith.constant 0 : i32
          %dma_start3A_578 = tpu.memref_slice %arg3[%dma_start3A_571, %select_n3A_495, %dma_start3A_577] : memref<6x800x128xi32, #tpu.memory_space<hbm>> -> memref<1x1x128xi32, #tpu.memory_space<hbm>>
          %dma_start3A_579 = tpu.memref_squeeze %dma_start3A_578 : memref<1x1x128xi32, #tpu.memory_space<hbm>> -> memref<128xi32, #tpu.memory_space<hbm>>
          %dma_start3A_580 = arith.constant 0 : i32
          %dma_start3A_581 = tpu.memref_slice %arg5[%dma_start3A_572, %dma_start3A_573, %dma_start3A_580] : memref<2x6x128xi32, #tpu.memory_space<vmem>> -> memref<1x1x128xi32, #tpu.memory_space<vmem>>
          %dma_start3A_582 = tpu.memref_squeeze %dma_start3A_581 : memref<1x1x128xi32, #tpu.memory_space<vmem>> -> memref<128xi32, #tpu.memory_space<vmem>>
          %dma_start3A_583 = arith.constant 0 : i32
          %dma_start3A_584 = tpu.memref_slice %arg3[%dma_start3A_571, %select_n3A_495, %dma_start3A_583] : memref<6x800x128xi32, #tpu.memory_space<hbm>> -> memref<1x1x128xi32, #tpu.memory_space<hbm>>
          %dma_start3A_585 = tpu.memref_squeeze %dma_start3A_584 : memref<1x1x128xi32, #tpu.memory_space<hbm>> -> memref<128xi32, #tpu.memory_space<hbm>>
          tpu.enqueue_dma source(%dma_start3A_585 : memref<128xi32, #tpu.memory_space<hbm>>) target(%dma_start3A_582 : memref<128xi32, #tpu.memory_space<vmem>>) target_semaphore(%arg7 : memref<!tpu.dma_semaphore, #tpu.memory_space<semaphore_mem>>)
        } else {
        }
      } else {
      }
    }
    %scan3A_116 = arith.constant 13 : i32
    %dma_wait3A = arith.constant 0 : i32
    %dma_wait3A_117 = arith.constant 0 : i32
    %dma_wait3A_118 = arith.constant 0 : i32
    %dma_wait3A_119 = tpu.memref_slice %arg6[%dma_wait3A, %dma_wait3A_117, %dma_wait3A_118] : memref<2x128x128xf32, #tpu.memory_space<vmem>> -> memref<1x128x128xf32, #tpu.memory_space<vmem>>
    %dma_wait3A_120 = tpu.memref_squeeze %dma_wait3A_119 : memref<1x128x128xf32, #tpu.memory_space<vmem>> -> memref<128x128xf32, #tpu.memory_space<vmem>>
    %dma_wait3A_121 = arith.constant 0 : i32
    %dma_wait3A_122 = arith.constant 0 : i32
    %dma_wait3A_123 = tpu.memref_slice %arg2[%dma_wait3A_121, %dma_wait3A_122] : memref<716800x128xf32, #tpu.memory_space<hbm>> -> memref<128x128xf32, #tpu.memory_space<hbm>>
    %dma_wait3A_124 = arith.constant 0 : i32
    %dma_wait3A_125 = arith.constant 0 : i32
    %dma_wait3A_126 = tpu.memref_slice %arg6[%dma_wait3A, %dma_wait3A_124, %dma_wait3A_125] : memref<2x128x128xf32, #tpu.memory_space<vmem>> -> memref<1x128x128xf32, #tpu.memory_space<vmem>>
    %dma_wait3A_127 = tpu.memref_squeeze %dma_wait3A_126 : memref<1x128x128xf32, #tpu.memory_space<vmem>> -> memref<128x128xf32, #tpu.memory_space<vmem>>
    %dma_wait3A_128 = arith.constant 0 : i32
    %dma_wait3A_129 = arith.constant 0 : i32
    %dma_wait3A_130 = tpu.memref_slice %arg2[%dma_wait3A_128, %dma_wait3A_129] : memref<716800x128xf32, #tpu.memory_space<hbm>> -> memref<128x128xf32, #tpu.memory_space<hbm>>
    tpu.wait_dma2 semaphore(%arg8 : memref<!tpu.dma_semaphore, #tpu.memory_space<semaphore_mem>>) src(%dma_wait3A_130 : memref<128x128xf32, #tpu.memory_space<hbm>>) dst(%dma_wait3A_127 : memref<128x128xf32, #tpu.memory_space<vmem>>)
    %dma_wait3A_131 = arith.constant 0 : i32
    %dma_wait3A_132 = arith.constant 0 : i32
    %dma_wait3A_133 = arith.constant 0 : i32
    %dma_wait3A_134 = tpu.memref_slice %arg6[%dma_wait3A_131, %dma_wait3A_132, %dma_wait3A_133] : memref<2x128x128xf32, #tpu.memory_space<vmem>> -> memref<1x128x128xf32, #tpu.memory_space<vmem>>
    %dma_wait3A_135 = tpu.memref_squeeze %dma_wait3A_134 : memref<1x128x128xf32, #tpu.memory_space<vmem>> -> memref<128x128xf32, #tpu.memory_space<vmem>>
    %dma_wait3A_136 = arith.constant 0 : i32
    %dma_wait3A_137 = arith.constant 0 : i32
    %dma_wait3A_138 = tpu.memref_slice %arg2[%dma_wait3A_136, %dma_wait3A_137] : memref<716800x128xf32, #tpu.memory_space<hbm>> -> memref<128x128xf32, #tpu.memory_space<hbm>>
    %dma_wait3A_139 = arith.constant 0 : i32
    %dma_wait3A_140 = arith.constant 0 : i32
    %dma_wait3A_141 = tpu.memref_slice %arg6[%dma_wait3A_131, %dma_wait3A_139, %dma_wait3A_140] : memref<2x128x128xf32, #tpu.memory_space<vmem>> -> memref<1x128x128xf32, #tpu.memory_space<vmem>>
    %dma_wait3A_142 = tpu.memref_squeeze %dma_wait3A_141 : memref<1x128x128xf32, #tpu.memory_space<vmem>> -> memref<128x128xf32, #tpu.memory_space<vmem>>
    %dma_wait3A_143 = arith.constant 0 : i32
    %dma_wait3A_144 = arith.constant 0 : i32
    %dma_wait3A_145 = tpu.memref_slice %arg2[%dma_wait3A_143, %dma_wait3A_144] : memref<716800x128xf32, #tpu.memory_space<hbm>> -> memref<128x128xf32, #tpu.memory_space<hbm>>
    tpu.wait_dma2 semaphore(%arg8 : memref<!tpu.dma_semaphore, #tpu.memory_space<semaphore_mem>>) src(%dma_wait3A_145 : memref<128x128xf32, #tpu.memory_space<hbm>>) dst(%dma_wait3A_142 : memref<128x128xf32, #tpu.memory_space<vmem>>)
    %dma_wait3A_146 = arith.constant 0 : i32
    %dma_wait3A_147 = arith.constant 0 : i32
    %dma_wait3A_148 = arith.constant 0 : i32
    %dma_wait3A_149 = tpu.memref_slice %arg6[%dma_wait3A_146, %dma_wait3A_147, %dma_wait3A_148] : memref<2x128x128xf32, #tpu.memory_space<vmem>> -> memref<1x128x128xf32, #tpu.memory_space<vmem>>
    %dma_wait3A_150 = tpu.memref_squeeze %dma_wait3A_149 : memref<1x128x128xf32, #tpu.memory_space<vmem>> -> memref<128x128xf32, #tpu.memory_space<vmem>>
    %dma_wait3A_151 = arith.constant 0 : i32
    %dma_wait3A_152 = arith.constant 0 : i32
    %dma_wait3A_153 = tpu.memref_slice %arg2[%dma_wait3A_151, %dma_wait3A_152] : memref<716800x128xf32, #tpu.memory_space<hbm>> -> memref<128x128xf32, #tpu.memory_space<hbm>>
    %dma_wait3A_154 = arith.constant 0 : i32
    %dma_wait3A_155 = arith.constant 0 : i32
    %dma_wait3A_156 = tpu.memref_slice %arg6[%dma_wait3A_146, %dma_wait3A_154, %dma_wait3A_155] : memref<2x128x128xf32, #tpu.memory_space<vmem>> -> memref<1x128x128xf32, #tpu.memory_space<vmem>>
    %dma_wait3A_157 = tpu.memref_squeeze %dma_wait3A_156 : memref<1x128x128xf32, #tpu.memory_space<vmem>> -> memref<128x128xf32, #tpu.memory_space<vmem>>
    %dma_wait3A_158 = arith.constant 0 : i32
    %dma_wait3A_159 = arith.constant 0 : i32
    %dma_wait3A_160 = tpu.memref_slice %arg2[%dma_wait3A_158, %dma_wait3A_159] : memref<716800x128xf32, #tpu.memory_space<hbm>> -> memref<128x128xf32, #tpu.memory_space<hbm>>
    tpu.wait_dma2 semaphore(%arg8 : memref<!tpu.dma_semaphore, #tpu.memory_space<semaphore_mem>>) src(%dma_wait3A_160 : memref<128x128xf32, #tpu.memory_space<hbm>>) dst(%dma_wait3A_157 : memref<128x128xf32, #tpu.memory_space<vmem>>)
    %dma_wait3A_161 = arith.constant 0 : i32
    %dma_wait3A_162 = arith.constant 0 : i32
    %dma_wait3A_163 = arith.constant 0 : i32
    %dma_wait3A_164 = tpu.memref_slice %arg6[%dma_wait3A_161, %dma_wait3A_162, %dma_wait3A_163] : memref<2x128x128xf32, #tpu.memory_space<vmem>> -> memref<1x128x128xf32, #tpu.memory_space<vmem>>
    %dma_wait3A_165 = tpu.memref_squeeze %dma_wait3A_164 : memref<1x128x128xf32, #tpu.memory_space<vmem>> -> memref<128x128xf32, #tpu.memory_space<vmem>>
    %dma_wait3A_166 = arith.constant 0 : i32
    %dma_wait3A_167 = arith.constant 0 : i32
    %dma_wait3A_168 = tpu.memref_slice %arg2[%dma_wait3A_166, %dma_wait3A_167] : memref<716800x128xf32, #tpu.memory_space<hbm>> -> memref<128x128xf32, #tpu.memory_space<hbm>>
    %dma_wait3A_169 = arith.constant 0 : i32
    %dma_wait3A_170 = arith.constant 0 : i32
    %dma_wait3A_171 = tpu.memref_slice %arg6[%dma_wait3A_161, %dma_wait3A_169, %dma_wait3A_170] : memref<2x128x128xf32, #tpu.memory_space<vmem>> -> memref<1x128x128xf32, #tpu.memory_space<vmem>>
    %dma_wait3A_172 = tpu.memref_squeeze %dma_wait3A_171 : memref<1x128x128xf32, #tpu.memory_space<vmem>> -> memref<128x128xf32, #tpu.memory_space<vmem>>
    %dma_wait3A_173 = arith.constant 0 : i32
    %dma_wait3A_174 = arith.constant 0 : i32
    %dma_wait3A_175 = tpu.memref_slice %arg2[%dma_wait3A_173, %dma_wait3A_174] : memref<716800x128xf32, #tpu.memory_space<hbm>> -> memref<128x128xf32, #tpu.memory_space<hbm>>
    tpu.wait_dma2 semaphore(%arg8 : memref<!tpu.dma_semaphore, #tpu.memory_space<semaphore_mem>>) src(%dma_wait3A_175 : memref<128x128xf32, #tpu.memory_space<hbm>>) dst(%dma_wait3A_172 : memref<128x128xf32, #tpu.memory_space<vmem>>)
    %dma_wait3A_176 = arith.constant 0 : i32
    %dma_wait3A_177 = arith.constant 0 : i32
    %dma_wait3A_178 = arith.constant 0 : i32
    %dma_wait3A_179 = tpu.memref_slice %arg6[%dma_wait3A_176, %dma_wait3A_177, %dma_wait3A_178] : memref<2x128x128xf32, #tpu.memory_space<vmem>> -> memref<1x128x128xf32, #tpu.memory_space<vmem>>
    %dma_wait3A_180 = tpu.memref_squeeze %dma_wait3A_179 : memref<1x128x128xf32, #tpu.memory_space<vmem>> -> memref<128x128xf32, #tpu.memory_space<vmem>>
    %dma_wait3A_181 = arith.constant 0 : i32
    %dma_wait3A_182 = arith.constant 0 : i32
    %dma_wait3A_183 = tpu.memref_slice %arg2[%dma_wait3A_181, %dma_wait3A_182] : memref<716800x128xf32, #tpu.memory_space<hbm>> -> memref<128x128xf32, #tpu.memory_space<hbm>>
    %dma_wait3A_184 = arith.constant 0 : i32
    %dma_wait3A_185 = arith.constant 0 : i32
    %dma_wait3A_186 = tpu.memref_slice %arg6[%dma_wait3A_176, %dma_wait3A_184, %dma_wait3A_185] : memref<2x128x128xf32, #tpu.memory_space<vmem>> -> memref<1x128x128xf32, #tpu.memory_space<vmem>>
    %dma_wait3A_187 = tpu.memref_squeeze %dma_wait3A_186 : memref<1x128x128xf32, #tpu.memory_space<vmem>> -> memref<128x128xf32, #tpu.memory_space<vmem>>
    %dma_wait3A_188 = arith.constant 0 : i32
    %dma_wait3A_189 = arith.constant 0 : i32
    %dma_wait3A_190 = tpu.memref_slice %arg2[%dma_wait3A_188, %dma_wait3A_189] : memref<716800x128xf32, #tpu.memory_space<hbm>> -> memref<128x128xf32, #tpu.memory_space<hbm>>
    tpu.wait_dma2 semaphore(%arg8 : memref<!tpu.dma_semaphore, #tpu.memory_space<semaphore_mem>>) src(%dma_wait3A_190 : memref<128x128xf32, #tpu.memory_space<hbm>>) dst(%dma_wait3A_187 : memref<128x128xf32, #tpu.memory_space<vmem>>)
    %dma_wait3A_191 = arith.constant 0 : i32
    %dma_wait3A_192 = arith.constant 0 : i32
    %dma_wait3A_193 = arith.constant 0 : i32
    %dma_wait3A_194 = tpu.memref_slice %arg6[%dma_wait3A_191, %dma_wait3A_192, %dma_wait3A_193] : memref<2x128x128xf32, #tpu.memory_space<vmem>> -> memref<1x128x128xf32, #tpu.memory_space<vmem>>
    %dma_wait3A_195 = tpu.memref_squeeze %dma_wait3A_194 : memref<1x128x128xf32, #tpu.memory_space<vmem>> -> memref<128x128xf32, #tpu.memory_space<vmem>>
    %dma_wait3A_196 = arith.constant 0 : i32
    %dma_wait3A_197 = arith.constant 0 : i32
    %dma_wait3A_198 = tpu.memref_slice %arg2[%dma_wait3A_196, %dma_wait3A_197] : memref<716800x128xf32, #tpu.memory_space<hbm>> -> memref<128x128xf32, #tpu.memory_space<hbm>>
    %dma_wait3A_199 = arith.constant 0 : i32
    %dma_wait3A_200 = arith.constant 0 : i32
    %dma_wait3A_201 = tpu.memref_slice %arg6[%dma_wait3A_191, %dma_wait3A_199, %dma_wait3A_200] : memref<2x128x128xf32, #tpu.memory_space<vmem>> -> memref<1x128x128xf32, #tpu.memory_space<vmem>>
    %dma_wait3A_202 = tpu.memref_squeeze %dma_wait3A_201 : memref<1x128x128xf32, #tpu.memory_space<vmem>> -> memref<128x128xf32, #tpu.memory_space<vmem>>
    %dma_wait3A_203 = arith.constant 0 : i32
    %dma_wait3A_204 = arith.constant 0 : i32
    %dma_wait3A_205 = tpu.memref_slice %arg2[%dma_wait3A_203, %dma_wait3A_204] : memref<716800x128xf32, #tpu.memory_space<hbm>> -> memref<128x128xf32, #tpu.memory_space<hbm>>
    tpu.wait_dma2 semaphore(%arg8 : memref<!tpu.dma_semaphore, #tpu.memory_space<semaphore_mem>>) src(%dma_wait3A_205 : memref<128x128xf32, #tpu.memory_space<hbm>>) dst(%dma_wait3A_202 : memref<128x128xf32, #tpu.memory_space<vmem>>)
    %add3A_206 = arith.constant 3072 : i32
    %add3A_207 = arith.addi %mul3A_4, %add3A_206 : i32
    %dma_start3A_208 = arith.constant 0 : i32
    %dma_start3A_209 = arith.constant 0 : i32
    %dma_start3A_210 = arith.constant 0 : i32
    %dma_start3A_211 = tpu.memref_slice %arg6[%dma_start3A_208, %dma_start3A_209, %dma_start3A_210] : memref<2x128x128xf32, #tpu.memory_space<vmem>> -> memref<1x128x128xf32, #tpu.memory_space<vmem>>
    %dma_start3A_212 = tpu.memref_squeeze %dma_start3A_211 : memref<1x128x128xf32, #tpu.memory_space<vmem>> -> memref<128x128xf32, #tpu.memory_space<vmem>>
    %dma_start3A_213 = arith.constant 0 : i32
    %dma_start3A_214 = tpu.memref_slice %arg4[%add3A_207, %dma_start3A_213] : memref<102400x128xf32, #tpu.memory_space<hbm>> -> memref<128x128xf32, #tpu.memory_space<hbm>>
    %dma_start3A_215 = arith.constant 0 : i32
    %dma_start3A_216 = tpu.memref_slice %arg4[%add3A_207, %dma_start3A_215] : memref<102400x128xf32, #tpu.memory_space<hbm>> -> memref<128x128xf32, #tpu.memory_space<hbm>>
    %dma_start3A_217 = arith.constant 0 : i32
    %dma_start3A_218 = arith.constant 0 : i32
    %dma_start3A_219 = tpu.memref_slice %arg6[%dma_start3A_208, %dma_start3A_217, %dma_start3A_218] : memref<2x128x128xf32, #tpu.memory_space<vmem>> -> memref<1x128x128xf32, #tpu.memory_space<vmem>>
    %dma_start3A_220 = tpu.memref_squeeze %dma_start3A_219 : memref<1x128x128xf32, #tpu.memory_space<vmem>> -> memref<128x128xf32, #tpu.memory_space<vmem>>
    tpu.enqueue_dma source(%dma_start3A_220 : memref<128x128xf32, #tpu.memory_space<vmem>>) target(%dma_start3A_216 : memref<128x128xf32, #tpu.memory_space<hbm>>) target_semaphore(%arg10 : memref<!tpu.dma_semaphore, #tpu.memory_space<semaphore_mem>>)
    %dma_wait3A_221 = arith.constant 0 : i32
    %dma_wait3A_222 = arith.constant 0 : i32
    %dma_wait3A_223 = arith.constant 0 : i32
    %dma_wait3A_224 = tpu.memref_slice %arg6[%dma_wait3A_221, %dma_wait3A_222, %dma_wait3A_223] : memref<2x128x128xf32, #tpu.memory_space<vmem>> -> memref<1x128x128xf32, #tpu.memory_space<vmem>>
    %dma_wait3A_225 = tpu.memref_squeeze %dma_wait3A_224 : memref<1x128x128xf32, #tpu.memory_space<vmem>> -> memref<128x128xf32, #tpu.memory_space<vmem>>
    %dma_wait3A_226 = arith.constant 0 : i32
    %dma_wait3A_227 = arith.constant 0 : i32
    %dma_wait3A_228 = tpu.memref_slice %arg4[%dma_wait3A_226, %dma_wait3A_227] : memref<102400x128xf32, #tpu.memory_space<hbm>> -> memref<128x128xf32, #tpu.memory_space<hbm>>
    %dma_wait3A_229 = arith.constant 0 : i32
    %dma_wait3A_230 = arith.constant 0 : i32
    %dma_wait3A_231 = tpu.memref_slice %arg4[%dma_wait3A_229, %dma_wait3A_230] : memref<102400x128xf32, #tpu.memory_space<hbm>> -> memref<128x128xf32, #tpu.memory_space<hbm>>
    %dma_wait3A_232 = arith.constant 0 : i32
    %dma_wait3A_233 = arith.constant 0 : i32
    %dma_wait3A_234 = tpu.memref_slice %arg6[%dma_wait3A_221, %dma_wait3A_232, %dma_wait3A_233] : memref<2x128x128xf32, #tpu.memory_space<vmem>> -> memref<1x128x128xf32, #tpu.memory_space<vmem>>
    %dma_wait3A_235 = tpu.memref_squeeze %dma_wait3A_234 : memref<1x128x128xf32, #tpu.memory_space<vmem>> -> memref<128x128xf32, #tpu.memory_space<vmem>>
    tpu.wait_dma2 semaphore(%arg10 : memref<!tpu.dma_semaphore, #tpu.memory_space<semaphore_mem>>) src(%dma_wait3A_235 : memref<128x128xf32, #tpu.memory_space<vmem>>) dst(%dma_wait3A_231 : memref<128x128xf32, #tpu.memory_space<hbm>>)
    %dma_wait3A_236 = arith.constant 1 : i32
    %dma_wait3A_237 = arith.constant 0 : i32
    %dma_wait3A_238 = arith.constant 0 : i32
    %dma_wait3A_239 = tpu.memref_slice %arg6[%dma_wait3A_236, %dma_wait3A_237, %dma_wait3A_238] : memref<2x128x128xf32, #tpu.memory_space<vmem>> -> memref<1x128x128xf32, #tpu.memory_space<vmem>>
    %dma_wait3A_240 = tpu.memref_squeeze %dma_wait3A_239 : memref<1x128x128xf32, #tpu.memory_space<vmem>> -> memref<128x128xf32, #tpu.memory_space<vmem>>
    %dma_wait3A_241 = arith.constant 0 : i32
    %dma_wait3A_242 = arith.constant 0 : i32
    %dma_wait3A_243 = tpu.memref_slice %arg4[%dma_wait3A_241, %dma_wait3A_242] : memref<102400x128xf32, #tpu.memory_space<hbm>> -> memref<128x128xf32, #tpu.memory_space<hbm>>
    %dma_wait3A_244 = arith.constant 0 : i32
    %dma_wait3A_245 = arith.constant 0 : i32
    %dma_wait3A_246 = tpu.memref_slice %arg4[%dma_wait3A_244, %dma_wait3A_245] : memref<102400x128xf32, #tpu.memory_space<hbm>> -> memref<128x128xf32, #tpu.memory_space<hbm>>
    %dma_wait3A_247 = arith.constant 0 : i32
    %dma_wait3A_248 = arith.constant 0 : i32
    %dma_wait3A_249 = tpu.memref_slice %arg6[%dma_wait3A_236, %dma_wait3A_247, %dma_wait3A_248] : memref<2x128x128xf32, #tpu.memory_space<vmem>> -> memref<1x128x128xf32, #tpu.memory_space<vmem>>
    %dma_wait3A_250 = tpu.memref_squeeze %dma_wait3A_249 : memref<1x128x128xf32, #tpu.memory_space<vmem>> -> memref<128x128xf32, #tpu.memory_space<vmem>>
    tpu.wait_dma2 semaphore(%arg10 : memref<!tpu.dma_semaphore, #tpu.memory_space<semaphore_mem>>) src(%dma_wait3A_250 : memref<128x128xf32, #tpu.memory_space<vmem>>) dst(%dma_wait3A_246 : memref<128x128xf32, #tpu.memory_space<hbm>>)
    return
  }
}

module attributes {stable_mosaic.version = 14 : i64} {
  func.func @_mm_body(%arg0: i32, %arg1: memref<1x128x1024xf32, #tpu.memory_space<vmem>>, %arg2: memref<7x128x128xbf16, #tpu.memory_space<vmem>>, %arg3: memref<1x128xf32, #tpu.memory_space<vmem>>, %arg4: memref<1x1024x6xi32, #tpu.memory_space<vmem>>, %arg5: memref<7x1024x128xf32, #tpu.memory_space<vmem>>, %arg6: memref<6x8x128xi32, #tpu.memory_space<vmem>>) attributes {dimension_semantics = [#tpu.dimension_semantics<arbitrary>], iteration_bounds = array<i64: 100>, scalar_prefetch = 0 : i64, scratch_operands = 0 : i64, tpu.core_type = #tpu.core_type<tc>, window_params = [{transform_indices = @transform_0, window_bounds = array<i64: 1, 128, 1024>}, {pipeline_mode = #tpu.pipeline_mode<synchronous>, transform_indices = @transform_1, window_bounds = array<i64: 7, 128, 128>}, {pipeline_mode = #tpu.pipeline_mode<synchronous>, transform_indices = @transform_2, window_bounds = array<i64: 1, 128>}, {transform_indices = @transform_3, window_bounds = array<i64: 1, 1024, 6>}, {transform_indices = @transform_4, window_bounds = array<i64: 7, 1024, 128>}, {transform_indices = @transform_5, window_bounds = array<i64: 6, 8, 128>}]} {
    %get3A = arith.constant 0 : index
    %get3A_0 = arith.constant 0 : index
    %get3A_1 = arith.constant 0 : index
    %get3A_2 = vector.load %arg1[%get3A, %get3A_0, %get3A_1] : memref<1x128x1024xf32, #tpu.memory_space<vmem>>, vector<1x128x1024xf32>
    %get3A_3 = vector.shape_cast %get3A_2 : vector<1x128x1024xf32> to vector<128x1024xf32>
    %convert_element_type3A = arith.truncf %get3A_3 : vector<128x1024xf32> to vector<128x1024xbf16>
    %get3A_4 = arith.constant 0 : index
    %get3A_5 = arith.constant 0 : index
    %get3A_6 = arith.constant 0 : index
    %get3A_7 = vector.load %arg2[%get3A_4, %get3A_5, %get3A_6] : memref<7x128x128xbf16, #tpu.memory_space<vmem>>, vector<1x128x128xbf16>
    %get3A_8 = vector.shape_cast %get3A_7 : vector<1x128x128xbf16> to vector<128x128xbf16>
    %dot_general3A = arith.constant dense<0.000000e+00> : vector<1024x128xf32>
    %dot_general3A_9 = tpu.matmul %convert_element_type3A, %get3A_8, %dot_general3A {dimension_numbers = #tpu.dot_dimension_numbers<[0], [0], [1], [1], [0, 1, 1, 1], [], []>, transpose_lhs_hint = false} : vector<128x1024xbf16>, vector<128x128xbf16>, vector<1024x128xf32> -> vector<1024x128xf32>
    %get3A_10 = arith.constant 0 : index
    %get3A_11 = arith.constant 0 : index
    %get3A_12 = vector.load %arg3[%get3A_10, %get3A_11] : memref<1x128xf32, #tpu.memory_space<vmem>>, vector<1x128xf32>
    %add3A = vector.broadcast %get3A_12 : vector<1x128xf32> to vector<1024x128xf32>
    %add3A_13 = arith.addf %dot_general3A_9, %add3A : vector<1024x128xf32>
    %swap3A = arith.constant 0 : index
    %swap3A_14 = arith.constant 0 : index
    %swap3A_15 = arith.constant 0 : index
    %swap3A_16 = vector.load %arg5[%swap3A, %swap3A_14, %swap3A_15] : memref<7x1024x128xf32, #tpu.memory_space<vmem>>, vector<1x1024x128xf32>
    %swap3A_17 = vector.shape_cast %swap3A_16 : vector<1x1024x128xf32> to vector<1024x128xf32>
    %swap3A_18 = vector.shape_cast %add3A_13 : vector<1024x128xf32> to vector<1x1024x128xf32>
    tpu.vector_store %arg5[%swap3A, %swap3A_14, %swap3A_15], %swap3A_18 {strides = array<i32>} : memref<7x1024x128xf32, #tpu.memory_space<vmem>>, vector<1x1024x128xf32>,
    %get3A_19 = arith.constant 1 : index
    %get3A_20 = arith.constant 0 : index
    %get3A_21 = arith.constant 0 : index
    %get3A_22 = vector.load %arg2[%get3A_19, %get3A_20, %get3A_21] : memref<7x128x128xbf16, #tpu.memory_space<vmem>>, vector<1x128x128xbf16>
    %get3A_23 = vector.shape_cast %get3A_22 : vector<1x128x128xbf16> to vector<128x128xbf16>
    %dot_general3A_24 = arith.constant dense<0.000000e+00> : vector<1024x128xf32>
    %dot_general3A_25 = tpu.matmul %convert_element_type3A, %get3A_23, %dot_general3A_24 {dimension_numbers = #tpu.dot_dimension_numbers<[0], [0], [1], [1], [0, 1, 1, 1], [], []>, transpose_lhs_hint = false} : vector<128x1024xbf16>, vector<128x128xbf16>, vector<1024x128xf32> -> vector<1024x128xf32>
    %swap3A_26 = arith.constant 1 : index
    %swap3A_27 = arith.constant 0 : index
    %swap3A_28 = arith.constant 0 : index
    %swap3A_29 = vector.load %arg5[%swap3A_26, %swap3A_27, %swap3A_28] : memref<7x1024x128xf32, #tpu.memory_space<vmem>>, vector<1x1024x128xf32>
    %swap3A_30 = vector.shape_cast %swap3A_29 : vector<1x1024x128xf32> to vector<1024x128xf32>
    %swap3A_31 = vector.shape_cast %dot_general3A_25 : vector<1024x128xf32> to vector<1x1024x128xf32>
    tpu.vector_store %arg5[%swap3A_26, %swap3A_27, %swap3A_28], %swap3A_31 {strides = array<i32>} : memref<7x1024x128xf32, #tpu.memory_space<vmem>>, vector<1x1024x128xf32>,
    %get3A_32 = arith.constant 2 : index
    %get3A_33 = arith.constant 0 : index
    %get3A_34 = arith.constant 0 : index
    %get3A_35 = vector.load %arg2[%get3A_32, %get3A_33, %get3A_34] : memref<7x128x128xbf16, #tpu.memory_space<vmem>>, vector<1x128x128xbf16>
    %get3A_36 = vector.shape_cast %get3A_35 : vector<1x128x128xbf16> to vector<128x128xbf16>
    %dot_general3A_37 = arith.constant dense<0.000000e+00> : vector<1024x128xf32>
    %dot_general3A_38 = tpu.matmul %convert_element_type3A, %get3A_36, %dot_general3A_37 {dimension_numbers = #tpu.dot_dimension_numbers<[0], [0], [1], [1], [0, 1, 1, 1], [], []>, transpose_lhs_hint = false} : vector<128x1024xbf16>, vector<128x128xbf16>, vector<1024x128xf32> -> vector<1024x128xf32>
    %swap3A_39 = arith.constant 2 : index
    %swap3A_40 = arith.constant 0 : index
    %swap3A_41 = arith.constant 0 : index
    %swap3A_42 = vector.load %arg5[%swap3A_39, %swap3A_40, %swap3A_41] : memref<7x1024x128xf32, #tpu.memory_space<vmem>>, vector<1x1024x128xf32>
    %swap3A_43 = vector.shape_cast %swap3A_42 : vector<1x1024x128xf32> to vector<1024x128xf32>
    %swap3A_44 = vector.shape_cast %dot_general3A_38 : vector<1024x128xf32> to vector<1x1024x128xf32>
    tpu.vector_store %arg5[%swap3A_39, %swap3A_40, %swap3A_41], %swap3A_44 {strides = array<i32>} : memref<7x1024x128xf32, #tpu.memory_space<vmem>>, vector<1x1024x128xf32>,
    %get3A_45 = arith.constant 3 : index
    %get3A_46 = arith.constant 0 : index
    %get3A_47 = arith.constant 0 : index
    %get3A_48 = vector.load %arg2[%get3A_45, %get3A_46, %get3A_47] : memref<7x128x128xbf16, #tpu.memory_space<vmem>>, vector<1x128x128xbf16>
    %get3A_49 = vector.shape_cast %get3A_48 : vector<1x128x128xbf16> to vector<128x128xbf16>
    %dot_general3A_50 = arith.constant dense<0.000000e+00> : vector<1024x128xf32>
    %dot_general3A_51 = tpu.matmul %convert_element_type3A, %get3A_49, %dot_general3A_50 {dimension_numbers = #tpu.dot_dimension_numbers<[0], [0], [1], [1], [0, 1, 1, 1], [], []>, transpose_lhs_hint = false} : vector<128x1024xbf16>, vector<128x128xbf16>, vector<1024x128xf32> -> vector<1024x128xf32>
    %swap3A_52 = arith.constant 3 : index
    %swap3A_53 = arith.constant 0 : index
    %swap3A_54 = arith.constant 0 : index
    %swap3A_55 = vector.load %arg5[%swap3A_52, %swap3A_53, %swap3A_54] : memref<7x1024x128xf32, #tpu.memory_space<vmem>>, vector<1x1024x128xf32>
    %swap3A_56 = vector.shape_cast %swap3A_55 : vector<1x1024x128xf32> to vector<1024x128xf32>
    %swap3A_57 = vector.shape_cast %dot_general3A_51 : vector<1024x128xf32> to vector<1x1024x128xf32>
    tpu.vector_store %arg5[%swap3A_52, %swap3A_53, %swap3A_54], %swap3A_57 {strides = array<i32>} : memref<7x1024x128xf32, #tpu.memory_space<vmem>>, vector<1x1024x128xf32>,
    %get3A_58 = arith.constant 4 : index
    %get3A_59 = arith.constant 0 : index
    %get3A_60 = arith.constant 0 : index
    %get3A_61 = vector.load %arg2[%get3A_58, %get3A_59, %get3A_60] : memref<7x128x128xbf16, #tpu.memory_space<vmem>>, vector<1x128x128xbf16>
    %get3A_62 = vector.shape_cast %get3A_61 : vector<1x128x128xbf16> to vector<128x128xbf16>
    %dot_general3A_63 = arith.constant dense<0.000000e+00> : vector<1024x128xf32>
    %dot_general3A_64 = tpu.matmul %convert_element_type3A, %get3A_62, %dot_general3A_63 {dimension_numbers = #tpu.dot_dimension_numbers<[0], [0], [1], [1], [0, 1, 1, 1], [], []>, transpose_lhs_hint = false} : vector<128x1024xbf16>, vector<128x128xbf16>, vector<1024x128xf32> -> vector<1024x128xf32>
    %swap3A_65 = arith.constant 4 : index
    %swap3A_66 = arith.constant 0 : index
    %swap3A_67 = arith.constant 0 : index
    %swap3A_68 = vector.load %arg5[%swap3A_65, %swap3A_66, %swap3A_67] : memref<7x1024x128xf32, #tpu.memory_space<vmem>>, vector<1x1024x128xf32>
    %swap3A_69 = vector.shape_cast %swap3A_68 : vector<1x1024x128xf32> to vector<1024x128xf32>
    %swap3A_70 = vector.shape_cast %dot_general3A_64 : vector<1024x128xf32> to vector<1x1024x128xf32>
    tpu.vector_store %arg5[%swap3A_65, %swap3A_66, %swap3A_67], %swap3A_70 {strides = array<i32>} : memref<7x1024x128xf32, #tpu.memory_space<vmem>>, vector<1x1024x128xf32>,
    %get3A_71 = arith.constant 5 : index
    %get3A_72 = arith.constant 0 : index
    %get3A_73 = arith.constant 0 : index
    %get3A_74 = vector.load %arg2[%get3A_71, %get3A_72, %get3A_73] : memref<7x128x128xbf16, #tpu.memory_space<vmem>>, vector<1x128x128xbf16>
    %get3A_75 = vector.shape_cast %get3A_74 : vector<1x128x128xbf16> to vector<128x128xbf16>
    %dot_general3A_76 = arith.constant dense<0.000000e+00> : vector<1024x128xf32>
    %dot_general3A_77 = tpu.matmul %convert_element_type3A, %get3A_75, %dot_general3A_76 {dimension_numbers = #tpu.dot_dimension_numbers<[0], [0], [1], [1], [0, 1, 1, 1], [], []>, transpose_lhs_hint = false} : vector<128x1024xbf16>, vector<128x128xbf16>, vector<1024x128xf32> -> vector<1024x128xf32>
    %swap3A_78 = arith.constant 5 : index
    %swap3A_79 = arith.constant 0 : index
    %swap3A_80 = arith.constant 0 : index
    %swap3A_81 = vector.load %arg5[%swap3A_78, %swap3A_79, %swap3A_80] : memref<7x1024x128xf32, #tpu.memory_space<vmem>>, vector<1x1024x128xf32>
    %swap3A_82 = vector.shape_cast %swap3A_81 : vector<1x1024x128xf32> to vector<1024x128xf32>
    %swap3A_83 = vector.shape_cast %dot_general3A_77 : vector<1024x128xf32> to vector<1x1024x128xf32>
    tpu.vector_store %arg5[%swap3A_78, %swap3A_79, %swap3A_80], %swap3A_83 {strides = array<i32>} : memref<7x1024x128xf32, #tpu.memory_space<vmem>>, vector<1x1024x128xf32>,
    %get3A_84 = arith.constant 6 : index
    %get3A_85 = arith.constant 0 : index
    %get3A_86 = arith.constant 0 : index
    %get3A_87 = vector.load %arg2[%get3A_84, %get3A_85, %get3A_86] : memref<7x128x128xbf16, #tpu.memory_space<vmem>>, vector<1x128x128xbf16>
    %get3A_88 = vector.shape_cast %get3A_87 : vector<1x128x128xbf16> to vector<128x128xbf16>
    %dot_general3A_89 = arith.constant dense<0.000000e+00> : vector<1024x128xf32>
    %dot_general3A_90 = tpu.matmul %convert_element_type3A, %get3A_88, %dot_general3A_89 {dimension_numbers = #tpu.dot_dimension_numbers<[0], [0], [1], [1], [0, 1, 1, 1], [], []>, transpose_lhs_hint = false} : vector<128x1024xbf16>, vector<128x128xbf16>, vector<1024x128xf32> -> vector<1024x128xf32>
    %swap3A_91 = arith.constant 6 : index
    %swap3A_92 = arith.constant 0 : index
    %swap3A_93 = arith.constant 0 : index
    %swap3A_94 = vector.load %arg5[%swap3A_91, %swap3A_92, %swap3A_93] : memref<7x1024x128xf32, #tpu.memory_space<vmem>>, vector<1x1024x128xf32>
    %swap3A_95 = vector.shape_cast %swap3A_94 : vector<1x1024x128xf32> to vector<1024x128xf32>
    %swap3A_96 = vector.shape_cast %dot_general3A_90 : vector<1024x128xf32> to vector<1x1024x128xf32>
    tpu.vector_store %arg5[%swap3A_91, %swap3A_92, %swap3A_93], %swap3A_96 {strides = array<i32>} : memref<7x1024x128xf32, #tpu.memory_space<vmem>>, vector<1x1024x128xf32>,
    %iota3A = tpu.iota {dimensions = array<i32: 0>} : vector<6x1024xi32>
    %add3A_97 = arith.constant 1 : i32
    %add3A_98 = vector.broadcast %add3A_97 : i32 to vector<6x1024xi32>
    %add3A_99 = arith.addi %iota3A, %add3A_98 : vector<6x1024xi32>
    %mul3A = arith.constant 102400 : i32
    %mul3A_100 = vector.broadcast %mul3A : i32 to vector<6x1024xi32>
    %mul3A_101 = arith.muli %add3A_99, %mul3A_100 : vector<6x1024xi32>
    %get3A_102 = arith.constant 0 : index
    %get3A_103 = arith.constant 0 : index
    %get3A_104 = arith.constant 0 : index
    %get3A_105 = vector.load %arg4[%get3A_102, %get3A_103, %get3A_104] : memref<1x1024x6xi32, #tpu.memory_space<vmem>>, vector<1x1024x6xi32>
    %get3A_106 = vector.shape_cast %get3A_105 : vector<1x1024x6xi32> to vector<1024x6xi32>
    %jit3A = arith.constant 0 : i32
    %jit3A_107 = arith.constant 99999 : i32
    %max3A = vector.broadcast %jit3A : i32 to vector<1024x6xi32>
    %max3A_108 = arith.maxsi %max3A, %get3A_106 : vector<1024x6xi32>
    %min3A = vector.broadcast %jit3A_107 : i32 to vector<1024x6xi32>
    %min3A_109 = arith.minsi %min3A, %max3A_108 : vector<1024x6xi32>
    %transpose3A = tpu.transpose %min3A_109, [1, 0] : vector<1024x6xi32> -> vector<6x1024xi32>
    %add3A_110 = arith.addi %transpose3A, %mul3A_101 : vector<6x1024xi32>
    %reshape3A = vector.shape_cast %add3A_110 : vector<6x1024xi32> to vector<6x8x128xi32>
    %swap3A_111 = arith.constant 0 : index
    %swap3A_112 = arith.constant 0 : index
    %swap3A_113 = arith.constant 0 : index
    %swap3A_114 = vector.load %arg6[%swap3A_111, %swap3A_112, %swap3A_113] : memref<6x8x128xi32, #tpu.memory_space<vmem>>, vector<6x8x128xi32>
    tpu.vector_store %arg6[%swap3A_111, %swap3A_112, %swap3A_113], %reshape3A {strides = array<i32>} : memref<6x8x128xi32, #tpu.memory_space<vmem>>, vector<6x8x128xi32>,
    return
  }
  func.func @transform_0(%arg0: i32) -> (i32, i32, i32) {
    %min3A = arith.constant 97 : i32
    %min3A_0 = arith.minsi %arg0, %min3A : i32
    %c0_i32 = arith.constant 0 : i32
    %c0_i32_1 = arith.constant 0 : i32
    %c0_i32_2 = arith.constant 0 : i32
    return %c0_i32, %c0_i32_1, %min3A_0 : i32, i32, i32
  }
  func.func @transform_1(%arg0: i32) -> (i32, i32, i32) {
    %c0_i32 = arith.constant 0 : i32
    %c0_i32_0 = arith.constant 0 : i32
    %c0_i32_1 = arith.constant 0 : i32
    %c0_i32_2 = arith.constant 0 : i32
    return %c0_i32, %c0_i32_0, %c0_i32_1 : i32, i32, i32
  }
  func.func @transform_2(%arg0: i32) -> (i32, i32) {
    %c0_i32 = arith.constant 0 : i32
    %c0_i32_0 = arith.constant 0 : i32
    %c0_i32_1 = arith.constant 0 : i32
    return %c0_i32, %c0_i32_0 : i32, i32
  }
  func.func @transform_3(%arg0: i32) -> (i32, i32, i32) {
    %min3A = arith.constant 97 : i32
    %min3A_0 = arith.minsi %arg0, %min3A : i32
    %c0_i32 = arith.constant 0 : i32
    %c0_i32_1 = arith.constant 0 : i32
    %c0_i32_2 = arith.constant 0 : i32
    return %c0_i32, %min3A_0, %c0_i32_1 : i32, i32, i32
  }
  func.func @transform_4(%arg0: i32) -> (i32, i32, i32) {
    %c0_i32 = arith.constant 0 : i32
    %c0_i32_0 = arith.constant 0 : i32
    %c0_i32_1 = arith.constant 0 : i32
    return %c0_i32, %arg0, %c0_i32_0 : i32, i32, i32
  }
  func.func @transform_5(%arg0: i32) -> (i32, i32, i32) {
    %c0_i32 = arith.constant 0 : i32
    %c0_i32_0 = arith.constant 0 : i32
    %c0_i32_1 = arith.constant 0 : i32
    return %c0_i32, %arg0, %c0_i32_0 : i32, i32, i32
  }
}

module attributes {stable_mosaic.version = 14 : i64} {
  func.func @_tr_body(%arg0: i32, %arg1: memref<512x128xf32, #tpu.memory_space<vmem>>, %arg2: memref<1x512x128xf32, #tpu.memory_space<vmem>>, %arg3: memref<1x128x512xf32, #tpu.memory_space<vmem>>) attributes {dimension_semantics = [#tpu.dimension_semantics<arbitrary>], iteration_bounds = array<i64: 196>, scalar_prefetch = 0 : i64, scratch_operands = 0 : i64, tpu.core_type = #tpu.core_type<tc>, window_params = [{transform_indices = @transform_0, window_bounds = array<i64: 512, 128>}, {transform_indices = @transform_1, window_bounds = array<i64: 1, 512, 128>}, {transform_indices = @transform_2, window_bounds = array<i64: 1, 128, 512>}]} {
    %get3A = arith.constant 0 : index
    %get3A_0 = arith.constant 0 : index
    %get3A_1 = vector.load %arg1[%get3A, %get3A_0] : memref<512x128xf32, #tpu.memory_space<vmem>>, vector<512x128xf32>
    %get3A_2 = arith.constant 0 : index
    %get3A_3 = arith.constant 0 : index
    %get3A_4 = arith.constant 0 : index
    %get3A_5 = vector.load %arg2[%get3A_2, %get3A_3, %get3A_4] : memref<1x512x128xf32, #tpu.memory_space<vmem>>, vector<1x512x128xf32>
    %get3A_6 = vector.shape_cast %get3A_5 : vector<1x512x128xf32> to vector<512x128xf32>
    %add3A = arith.addf %get3A_1, %get3A_6 : vector<512x128xf32>
    %transpose3A = tpu.transpose %add3A, [1, 0] : vector<512x128xf32> -> vector<128x512xf32>
    %swap3A = arith.constant 0 : index
    %swap3A_7 = arith.constant 0 : index
    %swap3A_8 = arith.constant 0 : index
    %swap3A_9 = vector.load %arg3[%swap3A, %swap3A_7, %swap3A_8] : memref<1x128x512xf32, #tpu.memory_space<vmem>>, vector<1x128x512xf32>
    %swap3A_10 = vector.shape_cast %swap3A_9 : vector<1x128x512xf32> to vector<128x512xf32>
    %swap3A_11 = vector.shape_cast %transpose3A : vector<128x512xf32> to vector<1x128x512xf32>
    tpu.vector_store %arg3[%swap3A, %swap3A_7, %swap3A_8], %swap3A_11 {strides = array<i32>} : memref<1x128x512xf32, #tpu.memory_space<vmem>>, vector<1x128x512xf32>,
    return
  }
  func.func @transform_0(%arg0: i32) -> (i32, i32) {
    %c0_i32 = arith.constant 0 : i32
    %c0_i32_0 = arith.constant 0 : i32
    return %arg0, %c0_i32 : i32, i32
  }
  func.func @transform_1(%arg0: i32) -> (i32, i32, i32) {
    %c0_i32 = arith.constant 0 : i32
    %c0_i32_0 = arith.constant 0 : i32
    %c0_i32_1 = arith.constant 0 : i32
    return %c0_i32, %arg0, %c0_i32_0 : i32, i32, i32
  }
  func.func @transform_2(%arg0: i32) -> (i32, i32, i32) {
    %c0_i32 = arith.constant 0 : i32
    %c0_i32_0 = arith.constant 0 : i32
    %c0_i32_1 = arith.constant 0 : i32
    return %c0_i32, %c0_i32_0, %arg0 : i32, i32, i32
  }
}

</mosaic_0001>

<sc_bundles>
// kernel: kernel.5.cloned.1.call-start
scs
__scs_entry_jumppad:
0x0: {  	(pc) =	sbr.rel $0x88, $3  }
0x1: {  	(tag) =	ssettag $0x0;
	lr =	simm.s32 $0x1  }
0x2: {  	[smem:$0x3F9D] =	sst lr;
	_ =	strace $0xD0000000  }
0x3: {  	_ = 	snop  }
0x4: {  	_ = 	snop  }
0x5: {  	_ = 	snop  }
0x6: {  	_ = 	snop  }
0x7: {  	_ = 	snop  }
__scs_overlays_trampoline_lowered:
0x8: {  	[smem:$0x3FAC] =	sst s0  }
0x9: {  	[smem:$0x3FAD] =	sst s1  }
0xa: {  	[smem:$0x3FAE] =	sst s2  }
0xb: {  	[smem:$0x3FAF] =	sst s3  }
0xc: {  	[smem:$0x3FB0] =	sst s4  }
0xd: {  	[smem:$0x3FB1] =	sst s5  }
0xe: {  	[smem:$0x3FB2] =	sst s6  }
0xf: {  	[smem:$0x3FB3] =	sst s7  }
0x10: {  	[smem:$0x3FB4] =	sst s8  }
0x11: {  	[smem:$0x3FB5] =	sst s9;
	s0 =	simm.s32 @!p0 $0x0  }
0x12: {  	s1 =	sld [smem:$0x3F9B];
	s0 =	simm.s32 @p0 $0x1  }
0x13: {  	[smem:$0x3FB6] =	sst s0;
	s0 =	simm.s32 @!p1 $0x0  }
0x14: {  	s2 =	sld [smem:$0x3F9A];
	s0 =	simm.s32 @p1 $0x1  }
0x15: {  	[smem:$0x3FB7] =	sst s0;
	s0 =	simm.s32 @!p2 $0x0  }
0x16: {  	s3 =	sld [smem:$0x3FDB];
	s0 =	simm.s32 @p2 $0x1  }
0x17: {  	s4 =	simm.s32 $0x1BF5;
	[smem:$0x3FB9] =	sst s0  }
0x18: {  	s0 =	sld [smem:$0x3F9C];
	_ =	swait.ge [sflag:s4], $0x0  }
0x19: {  	s7 =	sld [smem:$0x3F9D]  }
0x1a: {  	s8 =	sadd.s32 $0xFFFFE003, lr  }
0x1b: {  	s9 =	sadd.s32 $0xFFFFFEF7, lr;
	s5 =	simm.s32 $0xFFFFFFFF;
	p2 =	slt.u32 s8, $0xFFFFF086  }
0x1c: {  	p1 =	slt.u32 s9, $0xF7A;
	s5 =	simm.s32 @!p2 $0x0  }
0x1d: {  	s5 =	simm.s32 @p1 $0x1;
	p0 =	seq.s32 s7, s2  }
0x1e: {  	s7 =	smul.u32 @!p0 $0xF7A, s2;
	p2 =	seq.s32 @!p0 s5, $0x0  }
0x1f: {  	s9 =	smul.u32 $0xF7A, s1;
	s8 =	simm.s32 @!p0 $0x1BF5;
	p2 =	por !p2, p0  }
0x20: {  	[sflag:s8] =	ssyncset.s32 @!p0 $0xFFFFF086;
	s6 =	sadd.s32 @!p0 s3, s7;
	s7 =	simm.s32 @!p0 $0x108  }
0x21: {  	s3 =	sadd.s32 s3, s9;
	s6 =	sadd.s32 @!p0 $0x88, s6;
	s7 =	simm.s32 @p2 $0x1082  }
0x22: {  	[simem:s7], [sflag:s8] =	dma.local @!p0 [hbm:s6], $0xF7A  }
0x23: {  	s9 =	sor.u32 $0xD0000000, s2;
	s6 =	simm.s32 $0x108;
	_ =	swait.ge @!p0 [sflag:s8], $0x0  }
0x24: {  	s3 =	sadd.s32 $0x88, s3;
	s6 =	simm.s32 @!p1 $0x1082;
	[sflag:s4] =	ssyncset.s32 $0xFFFFF086  }
0x25: {  	[simem:s6], [sflag:s4] =	dma.local [hbm:s3], $0xF7A  }
0x26: {  	[smem:$0x3F9D] =	sst s1;
	(tag) =	ssettag s2;
	_ =	strace s9  }
0x27: {  	s1 =	sld [smem:$0x3FAD]  }
0x28: {  	s2 =	sld [smem:$0x3FAE]  }
0x29: {  	s4 =	sld [smem:$0x3FB0]  }
0x2a: {  	p0 =	seq.s32 s5, $0x0;
	s5 =	sld [smem:$0x3FB1]  }
0x2b: {  	s6 =	sld [smem:$0x3FB2]  }
0x2c: {  	s7 =	sld [smem:$0x3FB3]  }
0x2d: {  	s3 =	simm.s32 $0x108;
	s8 =	sld [smem:$0x3FB4]  }
0x2e: {  	s3 =	simm.s32 @!p0 $0x1082;
	s9 =	sld [smem:$0x3FB5]  }
0x2f: {  	lr =	sadd.s32 s0, s3;
	s0 =	sld [smem:$0x3FAC]  }
0x30: {  	s3 =	sld [smem:$0x3FAF]  }
0x31: {  	[smem:$0x3FB8] =	sst s10  }
0x32: {  	s10 =	sld [smem:$0x3FB6];
	_ =	sdelay $0x3  }
0x33: {  	p0 =	seq.s32 s10, $0x1;
	s10 =	sld [smem:$0x3FB8];
	_ =	sdelay $0x3  }
0x34: {  	[smem:$0x3FB8] =	sst s10  }
0x35: {  	s10 =	sld [smem:$0x3FB7];
	_ =	sdelay $0x3  }
0x36: {  	p1 =	seq.s32 s10, $0x1;
	s10 =	sld [smem:$0x3FB8];
	_ =	sdelay $0x3  }
0x37: {  	[smem:$0x3FB8] =	sst s10  }
0x38: {  	s10 =	sld [smem:$0x3FB9]  }
0x39: {  	_ = 	snop;
	(pc) =	sbr.ind lr, $3  }
0x3a: {  	_ = 	snop  }
0x3b: {  	_ = 	snop  }
0x3c: {  	p2 =	seq.s32 s10, $0x1;
	s10 =	sld [smem:$0x3FB8]  }
0x3d: {  	_ =	shalt  }
0x3e: {  	_ =	shalt  }
0x3f: {  	_ =	shalt  }
0x40: {  	_ =	shalt  }
0x41: {  	_ =	shalt  }
0x42: {  	_ =	shalt  }
0x43: {  	_ =	shalt  }
0x44: {  	_ =	shalt  }
0x45: {  	_ =	shalt  }
0x46: {  	_ =	shalt  }
0x47: {  	_ =	shalt  }
0x48: {  	_ =	shalt  }
0x49: {  	_ =	shalt  }
0x4a: {  	_ =	shalt  }
0x4b: {  	_ =	shalt  }
0x4c: {  	_ =	shalt  }
0x4d: {  	_ =	shalt  }
0x4e: {  	_ =	shalt  }
0x4f: {  	_ =	shalt  }
0x50: {  	_ =	shalt  }
0x51: {  	_ =	shalt  }
0x52: {  	_ =	shalt  }
0x53: {  	_ =	shalt  }
0x54: {  	_ =	shalt  }
0x55: {  	_ =	shalt  }
0x56: {  	_ =	shalt  }
0x57: {  	_ =	shalt  }
0x58: {  	_ =	shalt  }
0x59: {  	_ =	shalt  }
0x5a: {  	_ =	shalt  }
0x5b: {  	_ =	shalt  }
0x5c: {  	_ =	shalt  }
0x5d: {  	_ =	shalt  }
0x5e: {  	_ =	shalt  }
0x5f: {  	_ =	shalt  }
0x60: {  	_ =	shalt  }
0x61: {  	_ =	shalt  }
0x62: {  	_ =	shalt  }
0x63: {  	_ =	shalt  }
0x64: {  	_ =	shalt  }
0x65: {  	_ =	shalt  }
0x66: {  	_ =	shalt  }
0x67: {  	_ =	shalt  }
0x68: {  	_ =	shalt  }
0x69: {  	_ =	shalt  }
0x6a: {  	_ =	shalt  }
0x6b: {  	_ =	shalt  }
0x6c: {  	_ =	shalt  }
0x6d: {  	_ =	shalt  }
0x6e: {  	_ =	shalt  }
0x6f: {  	_ =	shalt  }
0x70: {  	_ =	shalt  }
0x71: {  	_ =	shalt  }
0x72: {  	_ =	shalt  }
0x73: {  	_ =	shalt  }
0x74: {  	_ =	shalt  }
0x75: {  	_ =	shalt  }
0x76: {  	_ =	shalt  }
0x77: {  	_ =	shalt  }
0x78: {  	_ =	shalt  }
0x79: {  	_ =	shalt  }
0x7a: {  	_ =	shalt  }
0x7b: {  	_ =	shalt  }
0x7c: {  	_ =	shalt  }
0x7d: {  	_ =	shalt  }
0x7e: {  	_ =	shalt  }
0x7f: {  	_ =	shalt  }
0x80: {  	_ =	shalt  }
0x81: {  	_ =	shalt  }
0x82: {  	_ =	shalt  }
0x83: {  	_ =	shalt  }
0x84: {  	_ =	shalt  }
0x85: {  	_ =	shalt  }
0x86: {  	_ =	shalt  }
0x87: {  	_ =	shalt  }
.Lfunc_end0:
.L_simem_size_0:
called_computation.1_lowered:
.L_overlay_start_0:
0x88: {  	s2 =	sld [smem:$0x3FD9]  }
0x89: {  	s3 =	sld [smem:$0x3FFE];
	_ =	sdelay $0x1  }
0x8a: {  	s1 =	srdreg.scid  }
0x8b: {  	s0 =	sand.u32 $0x1, s1  }
0x8c: {  	s17 =	sshll.u32 s0, $0xA;
	s2 =	sadd.s32 s3, s2  }
0x8d: {  	s2 =	sadd.s32 s2, s17  }
0x8e: {  	[smem:$0x3FC4] =	sst s2  }
0x8f: {  	_ = 	snop  }
0x90: {  	s2 =	sld [smem:$0x3FD0];
	(tm) =	ssettm $0x1  }
0x91: {  	s18 =	sld [smem:$0x3FFB];
	_ =	sdelay $0x3  }
0x92: {  	_ =	strace s18  }
0x93: {  	s3 =	sld [smem:$0x3FFC];
	_ =	sdelay $0x3  }
0x94: {  	_ =	strace s3  }
0x95: {  	s3 =	sld [smem:$0x3FFD];
	_ =	sdelay $0x3  }
0x96: {  	_ =	strace s3  }
0x97: {  	_ =	strace $0x8FFFFFFF  }
0x98: {  	s19 =	sld [smem:$0x3FDB];
	_ =	sdelay $0x1  }
0x99: {  	s4 =	simm.s32 $_scs_section_size  }
0x9a: {  	s5 =	simm.s32 $_size__tile_overlayer_lowered;
	s6 =	simm.s32 $_tile_overlayer_lowered  }
0x9b: {  	s22 =	simm.s32 $0x1BFF;
	s21 =	sshll.u32 s6, $0x1;
	s3 =	sadd.s32 s4, s19  }
0x9c: {  	s7 =	simm.s32 $0x0;
	s20 =	sshll.u32 s5, $0x1;
	s5 =	sadd.s32 s21, s3  }
0x9d: {  	[timem:s7], [sflag:s22] =	dma.local [hbm:s5], s20  }
0x9e: {  	_ =	swait.ge [sflag:s22], s20  }
0x9f: {  	s4 =	ssub.s32 $0x0, s20;
	[sflag:s22] =	ssyncset.done $0x0  }
0xa0: {  	[sflag:s22] =	ssyncadd.s32 s4;
	_ =	sdelay $0x1  }
0xa1: {  	s23 =	simm.s32 $0x1B8B  }
0xa2: {  	_ =	swait.ge [sflag:s23], $0x1  }
0xa3: {  	[sflag:s23] =	ssyncset.done $0x0  }
0xa4: {  	s25 =	simm.s32 $0x1B8E;
	s24 =	sld [smem:$0x3FFE];
	[sflag:s23] =	ssyncadd.s32 $0xFFFFFFFF  }
0xa5: {  	s26 =	simm.s32 $execute0_lowered;
	[smem:$0x3FD2] =	sst s25  }
0xa6: {  	s5 =	sshll.u32 s26, $0x1;
	_ =	strace $0x80000046;
	[dreg:$0x1] =	wrdreg $0xFFFFFFFF  }
0xa7: {  	s28 =	simm.s32 $_size_execute0_lowered;
	s3 =	sadd.s32 s3, s5;
	[dreg:$0x0] =	wrdreg $0x0  }
0xa8: {  	s5 =	sshll.u32 s28, $0x1;
	[dreg:$0x2] =	wrdreg s3  }
0xa9: {  	[dreg:$0x3] =	wrdreg s5  }
0xaa: {  	[dreg:$0x4] =	wrdreg $0xC0  }
0xab: {  	_ =	task [dreg:s7], $0x5FFFF  }
0xac: {  	[dreg:$0x1] =	wrdreg $0xFFFFFFFF  }
0xad: {  	[dreg:$0x0] =	wrdreg $0x60  }
0xae: {  	[dreg:$0x2] =	wrdreg s24  }
0xaf: {  	[dreg:$0x3] =	wrdreg s2  }
0xb0: {  	[dreg:$0x4] =	wrdreg $0x9  }
0xb1: {  	_ =	task.clear_ibuf [dreg:s7], $0x5FFFF;
	_ =	strace $0x90000046  }
0xb2: {  	s29 =	simm.s32 $0x9;
	_ =	strace $0x80000048  }
0xb3: {  	_ =	swait.ge [sflag:s29], $0x1  }
0xb4: {  	[sflag:s29] =	ssyncadd.s32 $0xFFFFFFFF  }
0xb5: {  	_ =	strace $0x90000048  }
0xb6: {  	_ =	sfence  }
0xb7: {  	s30 =	sld [smem:$0x0];
	_ =	sdelay $0x2  }
0xb8: {  	s31 =	sshll.u32 s1, $0xD;
	s1 =	sshrl.u32 s1, $0x2  }
0xb9: {  	s3 =	sand.u32 $0x4000, s31;
	s1 =	sadd.s32 s1, s30  }
0xba: {  	s0 =	sor.u32 s3, s0;
	s1 =	sshll.u32 s1, $0x11  }
0xbb: {  	s0 =	sor.u32 s1, s0  }
0xbc: {  	s0 =	sadd.s32 $0x8F2B, s0  }
0xbd: {  	[sflag:s0] =	ssyncadd.remote.s32 $0x1  }
0xbe: {  	_ =	sfence.sel $0xFFFF  }
0xbf: {  	[dreg:$0x0] =	wrdreg $0xFFFFFFFF;
	(pc) =	sbr.abs _section_cstart, $3  }
0xc0: {  	[dreg:$0x1] =	wrdreg $0xFFFFFFFF  }
0xc1: {  	_ =	task.clear_ibuf [dreg:s7], $0x2FFFF;
	_ =	strace $0x9FFFFFFF  }
0xc2: {  	(tm) =	ssettm $0x7FFFFFFF  }
0xc3: {  	_ =	shalt  }
tec
execute0_lowered:
.L_overlay_start_1:
0x0: {  	(tag) =	ssettag $0x1  }
0x1: {  	s0 =	rddreg [dreg:$0x0]  }
0x2: {  	s2 =	rddreg [dreg:$0x1]  }
0x3: {  	s1 =	srdreg.scid;
	s4 =	stileid.u32  }
0x4: {  	s3 =	simm.s32 $0x0;
	s28 =	simm.s32 $0x580;
	s29 =	simm.s32 $0x600  }
0x5: {  	s30 =	simm.s32 $0x680;
	s1 =	sand.u32 $0x1, s1;
	s4 =	sshll.u32 s4, $0x1  }
0x6: {  	s31 =	simm.s32 $0x4800;
	[smem:$0x7FF] =	sst s3;
	s7 =	sor.u32 s1, s4  }
0x7: {  	s5 =	sadd.s32 $0x187E00, s0;
	s1 =	ssub.s32 $0x2, s1;
	s4 =	smul.u32 $0xC80, s7  }
0x8: {  	s6 =	sadd.s32 $0xC77E00, s0;
	_ =	strace $0x80000047;
	s16 =	sshrl.u32 s1, $0x1  }
0x9: {  	s7 =	smul.u32 $0x64000, s7;
	s0 =	ssub.s32 s1, s16;
	s17 =	sshrl.u32 s4, $0x3  }
0xa: {  	s8 =	sadd.s32 $0x19000, s4;
	s19 =	sadd.s32 $0x32000, s4;
	s21 =	sadd.s32 $0x4B000, s4  }
0xb: {  	s23 =	sadd.s32 $0x64000, s4;
	s24 =	sadd.s32 $0x7D000, s4;
	s9 =	sshrl.u32 s7, $0x3  }
0xc: {  	s13 =	sadd.s32 $0xFFFFC000, s7;
	s14 =	sadd.s32 $0x100, s4;
	s16 =	smax.u32 s0, $0x1  }
0xd: {  	s0 =	simm.s32 $0x2;
	s7 =	simm.s32 $0x0;
	s1 =	sadd.s32 s2, s17  }
0xe: {  	s18 =	sshrl.u32 s8, $0x3;
	s20 =	sshrl.u32 s19, $0x3;
	s22 =	sshrl.u32 s21, $0x3  }
0xf: {  	s8 =	sshrl.u32 s24, $0x3;
	s26 =	sadd.s32 s6, s9;
	s17 =	simm.s32 $0x80  }
0x10: {  	s19 =	simm.s32 $0x180;
	s21 =	simm.s32 $0x280;
	s24 =	simm.s32 $0x400  }
0x11: {  	[dreg:$0x3] =	wrdreg s1;
	s1 =	sadd.s32 s2, s18;
	s25 =	sadd.s32 s2, s8  }
0x12: {  	s15 =	sadd.s32 $0xC000, s26;
	s18 =	simm.s32 $0x100;
	[dreg:$0x4] =	wrdreg s1  }
.Ltmp0:
0x13: {  	s1 =	sadd.s32 s2, s20;
	[dreg:$0x8] =	wrdreg s25;
	(pc) =	sbr.rel .LBB2_1-.Ltmp0, $4  }
0x14: {  	s26 =	simm.s32 $0x500;
	[dreg:$0x5] =	wrdreg s1;
	s1 =	sadd.s32 s2, s22  }
0x15: {  	s20 =	simm.s32 $0x200;
	[dreg:$0x6] =	wrdreg s1;
	s1 =	sshrl.u32 s23, $0x3  }
0x16: {  	s25 =	simm.s32 $0x480;
	s22 =	simm.s32 $0x1;
	s1 =	sadd.s32 s2, s1  }
0x17: {  	v0 =	vimm.f32 $0.0e+00;
	s23 =	simm.s32 $0x800;
	[dreg:$0x7] =	wrdreg s1;
	s1 =	simm.s32 $0x4  }
.LBB2_10:
0x18: {  	_ =	swait.ge [sflag:s0], $0x4000  }
0x19: {  	[sflag:s0] =	ssyncset.done $0x0  }
0x1a: {  	[sflag:s0] =	ssyncadd.s32 $0xFFFFC000  }
0x1b: {  	_ =	swait.ge [sflag:s0], $0x4000  }
0x1c: {  	[sflag:s0] =	ssyncset.done $0x0  }
0x1d: {  	[sflag:s0] =	ssyncadd.s32 $0xFFFFC000  }
0x1e: {  	_ =	swait.ge [sflag:s0], $0x4000  }
0x1f: {  	[sflag:s0] =	ssyncset.done $0x0  }
0x20: {  	[sflag:s0] =	ssyncadd.s32 $0xFFFFC000  }
0x21: {  	_ =	swait.ge [sflag:s0], $0x4000  }
0x22: {  	[sflag:s0] =	ssyncset.done $0x0  }
0x23: {  	[sflag:s0] =	ssyncadd.s32 $0xFFFFC000  }
0x24: {  	_ =	swait.ge [sflag:s0], $0x4000  }
0x25: {  	[sflag:s0] =	ssyncset.done $0x0  }
0x26: {  	[sflag:s0] =	ssyncadd.s32 $0xFFFFC000  }
0x27: {  	_ =	swait.ge [sflag:s0], $0x4000  }
0x28: {  	[sflag:s0] =	ssyncset.done $0x0  }
0x29: {  	s7 =	sadd.s32 $0x1, s7;
	[sflag:s0] =	ssyncadd.s32 $0xFFFFC000  }
0x2a: {  	[hbm4b:s15+s3] =	stream.linear.scatter [tilespmem:s23], [sflag:$0x4], $0x4000, $0x38;
	[tilespmem:$0x8800] =	vst v63  }
0x2b: {  	p0 =	sne.s32 s7, s16;
	_ =	swait.ge [sflag:s1], $0x4000  }
.Ltmp1:
0x2c: {  	[sflag:s1] =	ssyncset.done $0x0;
	(pc) =	sbr.rel @!p0 .LBB2_11-.Ltmp1, $4  }
0x2d: {  	[sflag:s1] =	ssyncadd.s32 $0xFFFFC000  }
0x2e: {  	_ =	swait.ge [sflag:s1], $0x4000  }
0x2f: {  	[sflag:s1] =	ssyncset.done $0x0  }
0x30: {  	[sflag:s1] =	ssyncadd.s32 $0xFFFFC000  }
.LBB2_1:
0x31: {  	s8 =	rddreg [dreg:$0x3]  }
0x32: {  	[tilespmem:s3], [sflag:$0x1] =	stream.linear.gather [hbm4b:s8+s3], $0x80, $0x38;
	[tilespmem:$0x8800] =	vst v63  }
0x33: {  	s12 =	rddreg [dreg:$0x4]  }
0x34: {  	[tilespmem:s17], [sflag:$0x1] =	stream.linear.gather [hbm4b:s12+s3], $0x80, $0x38;
	[tilespmem:$0x8800] =	vst v63  }
0x35: {  	s9 =	rddreg [dreg:$0x5]  }
0x36: {  	[tilespmem:s18], [sflag:$0x1] =	stream.linear.gather [hbm4b:s9+s3], $0x80, $0x38;
	[tilespmem:$0x8800] =	vst v63  }
0x37: {  	s10 =	rddreg [dreg:$0x6]  }
0x38: {  	[tilespmem:s19], [sflag:$0x1] =	stream.linear.gather [hbm4b:s10+s3], $0x80, $0x38;
	[tilespmem:$0x8800] =	vst v63  }
.Ltmp2:
0x39: {  	_ = 	snop;
	(pc) =	sbr.rel .LBB2_2-.Ltmp2, $4  }
0x3a: {  	s11 =	rddreg [dreg:$0x7]  }
0x3b: {  	[tilespmem:s20], [sflag:$0x1] =	stream.linear.gather [hbm4b:s11+s3], $0x80, $0x38;
	[tilespmem:$0x8800] =	vst v63  }
0x3c: {  	s8 =	simm.s32 $0x0;
	s12 =	rddreg [dreg:$0x8]  }
0x3d: {  	[tilespmem:s21], [sflag:$0x1] =	stream.linear.gather [hbm4b:s12+s3], $0x80, $0x38;
	[tilespmem:$0x8800] =	vst v63  }
.LBB2_9:
0x3e: {  	s8 =	sadd.s32 $0x1, s8  }
0x3f: {  	p0 =	sne.s32 s8, $0xD  }
.Ltmp3:
0x40: {  	_ = 	snop;
	(pc) =	sbr.rel @!p0 .LBB2_10-.Ltmp3, $1  }
0x41: {  	_ =	sdelay $0x3  }
.LBB2_2:
0x42: {  	_ =	swait.ge [sflag:s22], $0x80  }
0x43: {  	[sflag:s22] =	ssyncset.done $0x0  }
0x44: {  	[sflag:s22] =	ssyncadd.s32 $0xFFFFFF80  }
0x45: {  	_ =	swait.ge [sflag:s22], $0x80  }
0x46: {  	[sflag:s22] =	ssyncset.done $0x0  }
0x47: {  	[sflag:s22] =	ssyncadd.s32 $0xFFFFFF80  }
0x48: {  	_ =	swait.ge [sflag:s22], $0x80  }
0x49: {  	[sflag:s22] =	ssyncset.done $0x0  }
0x4a: {  	[sflag:s22] =	ssyncadd.s32 $0xFFFFFF80  }
0x4b: {  	_ =	swait.ge [sflag:s22], $0x80  }
0x4c: {  	[sflag:s22] =	ssyncset.done $0x0  }
0x4d: {  	[sflag:s22] =	ssyncadd.s32 $0xFFFFFF80  }
0x4e: {  	_ =	swait.ge [sflag:s22], $0x80  }
0x4f: {  	[sflag:s22] =	ssyncset.done $0x0  }
0x50: {  	[sflag:s22] =	ssyncadd.s32 $0xFFFFFF80  }
0x51: {  	_ =	swait.ge [sflag:s22], $0x80  }
0x52: {  	p0 =	seq.s32 s8, $0x0;
	[sflag:s22] =	ssyncset.done $0x0  }
0x53: {  	s10 =	simm.s32 @!p0 $0x4;
	[sflag:s22] =	ssyncadd.s32 $0xFFFFFF80  }
0x54: {  	_ =	swait.ge @!p0 [sflag:s10], $0x4000  }
0x55: {  	s9 =	sshll.u32 s8, $0x1;
	[sflag:s10] =	ssyncset.done @!p0 $0x0  }
0x56: {  	s11 =	simm.s32 $0x200;
	[sflag:s10] =	ssyncadd.s32 @!p0 $0xFFFFC000;
	s10 =	simm.s32 $0x0  }
.LBB2_3:
0x57: {  	p1 =	sne.s32 s11, $0xFE00;
	[tilespmem:s10+$0x870] =	vst v0  }
0x58: {  	[tilespmem:s10+$0x800] =	vst v0  }
0x59: {  	[tilespmem:s10+$0x810] =	vst v0  }
.Ltmp4:
0x5a: {  	[tilespmem:s10+$0x820] =	vst v0;
	(pc) =	sbr.rel @p1 .LBB2_3-.Ltmp4, $4  }
0x5b: {  	[tilespmem:s10+$0x830] =	vst v0  }
0x5c: {  	[tilespmem:s10+$0x840] =	vst v0  }
0x5d: {  	[tilespmem:s10+$0x850] =	vst v0  }
0x5e: {  	[tilespmem:s10+$0x860] =	vst v0;
	s10 =	sshra.s32 s11, $0x2;
	s11 =	sadd.s32 $0x200, s11  }
0x5f: {  	[tilespmem:s10+$0x870] =	vst v0  }
0x60: {  	[tilespmem:s10+$0x800] =	vst v0  }
0x61: {  	[tilespmem:s10+$0x810] =	vst v0  }
0x62: {  	[tilespmem:s10+$0x820] =	vst v0  }
0x63: {  	[tilespmem:s10+$0x830] =	vst v0  }
0x64: {  	[tilespmem:s10+$0x840] =	vst v0  }
0x65: {  	[tilespmem:s10+$0x850] =	vst v0  }
0x66: {  	[tilespmem:s10+$0x860] =	vst v0  }
0x67: {  	[tilespmem:s23], [sflag:$0x2] =	stream.indirect.gather.add.f32 [hbm:s5], $0x80, s3, s17, $0xb8;
	[tilespmem:$0x8800] =	vst v63  }
0x68: {  	_ = 	snop  }
0x69: {  	[tilespmem:s23], [sflag:$0x2] =	stream.indirect.gather.add.f32 [hbm:s5], $0x80, s17, s17, $0xb8;
	[tilespmem:$0x8800] =	vst v63  }
0x6a: {  	_ = 	snop  }
0x6b: {  	[tilespmem:s23], [sflag:$0x2] =	stream.indirect.gather.add.f32 [hbm:s5], $0x80, s18, s17, $0xb8;
	[tilespmem:$0x8800] =	vst v63  }
0x6c: {  	_ = 	snop  }
0x6d: {  	[tilespmem:s23], [sflag:$0x2] =	stream.indirect.gather.add.f32 [hbm:s5], $0x80, s19, s17, $0xb8;
	[tilespmem:$0x8800] =	vst v63  }
0x6e: {  	_ = 	snop  }
0x6f: {  	[tilespmem:s23], [sflag:$0x2] =	stream.indirect.gather.add.f32 [hbm:s5], $0x80, s20, s17, $0xb8;
	[tilespmem:$0x8800] =	vst v63  }
0x70: {  	s10 =	simm.s32 @!p0 $0x3  }
0x71: {  	[tilespmem:s23], [sflag:$0x2] =	stream.indirect.gather.add.f32 [hbm:s5], $0x80, s21, s17, $0xb8;
	[tilespmem:$0x8800] =	vst v63  }
0x72: {  	_ =	swait.ge @!p0 [sflag:s10], $0x4000  }
0x73: {  	[sflag:s10] =	ssyncset.done @!p0 $0x0  }
0x74: {  	[sflag:s10] =	ssyncadd.s32 @!p0 $0xFFFFC000  }
0x75: {  	_ =	swait.ge @!p0 [sflag:s10], $0x4000  }
0x76: {  	[sflag:s10] =	ssyncset.done @!p0 $0x0  }
0x77: {  	[sflag:s10] =	ssyncadd.s32 @!p0 $0xFFFFC000  }
0x78: {  	_ =	swait.ge @!p0 [sflag:s10], $0x4000  }
0x79: {  	[sflag:s10] =	ssyncset.done @!p0 $0x0  }
0x7a: {  	[sflag:s10] =	ssyncadd.s32 @!p0 $0xFFFFC000  }
0x7b: {  	_ =	swait.ge @!p0 [sflag:s10], $0x4000  }
0x7c: {  	[sflag:s10] =	ssyncset.done @!p0 $0x0  }
0x7d: {  	[sflag:s10] =	ssyncadd.s32 @!p0 $0xFFFFC000  }
0x7e: {  	s9 =	sor.u32 @!p0 $0x1, s9;
	_ =	swait.ge @!p0 [sflag:s10], $0x4000  }
0x7f: {  	p1 =	sgt.u32 @!p0 s9, $0x18;
	[sflag:s10] =	ssyncset.done @!p0 $0x0  }
0x80: {  	p1 =	por p0, !p1;
	[sflag:s10] =	ssyncadd.s32 @!p0 $0xFFFFC000  }
.Ltmp5:
0x81: {  	s11 =	sshll.u32 @!p0 s8, $0xF;
	_ =	swait.ge @!p0 [sflag:s10], $0x4000;
	(pc) =	sbr.rel @!p1 .LBB2_9-.Ltmp5, $4  }
0x82: {  	s11 =	sadd.s32 @!p0 s11, s13;
	[sflag:s10] =	ssyncset.done @!p0 $0x0  }
0x83: {  	[sflag:s10] =	ssyncadd.s32 @!p0 $0xFFFFC000;
	s10 =	sshrl.u32 @!p0 s11, $0x3  }
0x84: {  	s12 =	simm.s32 @!p0 $0x4800;
	s11 =	simm.s32 @!p0 $0x0;
	s10 =	sadd.s32 @!p0 s6, s10  }
0x85: {  	[hbm4b:s10+s11] =	stream.linear.scatter @!p0 [tilespmem:s12], [sflag:$0x4], $0x4000, $0x38;
	[tilespmem:$0x8800] =	vst v63  }
0x86: {  	s9 =	simm.s32 @p0 $0x1  }
0x87: {  	s10 =	sshll.u32 s9, $0x7  }
0x88: {  	s10 =	sadd.s32 s4, s10  }
0x89: {  	s11 =	sshrl.u32 s10, $0x3;
	s10 =	sand.u32 $0x3FF80, s10  }
0x8a: {  	s11 =	sadd.s32 s2, s11;
	s12 =	sadd.s32 $0x19000, s10  }
0x8b: {  	[tilespmem:s24], [sflag:$0x1] =	stream.linear.gather [hbm4b:s11+s3], $0x80, $0x38;
	[tilespmem:$0x8800] =	vst v63  }
0x8c: {  	s11 =	sshrl.u32 s12, $0x3  }
0x8d: {  	s12 =	sadd.s32 $0x32000, s10;
	s11 =	sadd.s32 s2, s11  }
0x8e: {  	[tilespmem:s25], [sflag:$0x1] =	stream.linear.gather [hbm4b:s11+s3], $0x80, $0x38;
	[tilespmem:$0x8800] =	vst v63  }
0x8f: {  	s11 =	sshrl.u32 s12, $0x3  }
0x90: {  	s12 =	sadd.s32 $0x4B000, s10;
	s11 =	sadd.s32 s2, s11  }
0x91: {  	[tilespmem:s26], [sflag:$0x1] =	stream.linear.gather [hbm4b:s11+s3], $0x80, $0x38;
	[tilespmem:$0x8800] =	vst v63  }
0x92: {  	s11 =	sshrl.u32 s12, $0x3  }
0x93: {  	s12 =	sadd.s32 $0x64000, s10;
	s11 =	sadd.s32 s2, s11  }
0x94: {  	[tilespmem:s28], [sflag:$0x1] =	stream.linear.gather [hbm4b:s11+s3], $0x80, $0x38;
	[tilespmem:$0x8800] =	vst v63  }
0x95: {  	s10 =	sadd.s32 $0x7D000, s10;
	s11 =	sshrl.u32 s12, $0x3  }
0x96: {  	s10 =	sshrl.u32 s10, $0x3;
	s11 =	sadd.s32 s2, s11  }
0x97: {  	[tilespmem:s29], [sflag:$0x1] =	stream.linear.gather [hbm4b:s11+s3], $0x80, $0x38;
	[tilespmem:$0x8800] =	vst v63  }
0x98: {  	s10 =	sadd.s32 s2, s10  }
0x99: {  	[tilespmem:s30], [sflag:$0x1] =	stream.linear.gather [hbm4b:s10+s3], $0x80, $0x38;
	[tilespmem:$0x8800] =	vst v63  }
0x9a: {  	_ =	swait.ge [sflag:s22], $0x80  }
0x9b: {  	[sflag:s22] =	ssyncset.done $0x0  }
0x9c: {  	[sflag:s22] =	ssyncadd.s32 $0xFFFFFF80  }
0x9d: {  	_ =	swait.ge [sflag:s22], $0x80  }
0x9e: {  	[sflag:s22] =	ssyncset.done $0x0  }
0x9f: {  	[sflag:s22] =	ssyncadd.s32 $0xFFFFFF80  }
0xa0: {  	_ =	swait.ge [sflag:s22], $0x80  }
0xa1: {  	[sflag:s22] =	ssyncset.done $0x0  }
0xa2: {  	[sflag:s22] =	ssyncadd.s32 $0xFFFFFF80  }
0xa3: {  	_ =	swait.ge [sflag:s22], $0x80  }
0xa4: {  	[sflag:s22] =	ssyncset.done $0x0  }
0xa5: {  	[sflag:s22] =	ssyncadd.s32 $0xFFFFFF80  }
0xa6: {  	_ =	swait.ge [sflag:s22], $0x80  }
0xa7: {  	[sflag:s22] =	ssyncset.done $0x0  }
0xa8: {  	[sflag:s22] =	ssyncadd.s32 $0xFFFFFF80  }
0xa9: {  	_ =	swait.ge [sflag:s22], $0x80  }
0xaa: {  	[sflag:s22] =	ssyncset.done $0x0  }
0xab: {  	s10 =	simm.s32 @!p0 $0x4;
	[sflag:s22] =	ssyncadd.s32 $0xFFFFFF80  }
0xac: {  	_ =	swait.ge @!p0 [sflag:s10], $0x4000  }
0xad: {  	[sflag:s10] =	ssyncset.done @!p0 $0x0  }
0xae: {  	s11 =	simm.s32 $0x200;
	[sflag:s10] =	ssyncadd.s32 @!p0 $0xFFFFC000;
	s10 =	simm.s32 $0x0  }
.LBB2_6:
0xaf: {  	p0 =	sne.s32 s11, $0xFE00;
	[tilespmem:s10+$0x4870] =	vst v0  }
0xb0: {  	[tilespmem:s10+$0x4800] =	vst v0  }
0xb1: {  	[tilespmem:s10+$0x4810] =	vst v0  }
.Ltmp6:
0xb2: {  	[tilespmem:s10+$0x4820] =	vst v0;
	(pc) =	sbr.rel @p0 .LBB2_6-.Ltmp6, $4  }
0xb3: {  	[tilespmem:s10+$0x4830] =	vst v0  }
0xb4: {  	[tilespmem:s10+$0x4840] =	vst v0  }
0xb5: {  	[tilespmem:s10+$0x4850] =	vst v0  }
0xb6: {  	[tilespmem:s10+$0x4860] =	vst v0;
	s10 =	sshra.s32 s11, $0x2;
	s11 =	sadd.s32 $0x200, s11  }
0xb7: {  	[tilespmem:s10+$0x4870] =	vst v0  }
0xb8: {  	[tilespmem:s10+$0x4800] =	vst v0  }
0xb9: {  	[tilespmem:s10+$0x4810] =	vst v0  }
0xba: {  	[tilespmem:s10+$0x4820] =	vst v0  }
0xbb: {  	[tilespmem:s10+$0x4830] =	vst v0  }
0xbc: {  	[tilespmem:s10+$0x4840] =	vst v0  }
0xbd: {  	[tilespmem:s10+$0x4850] =	vst v0  }
0xbe: {  	[tilespmem:s10+$0x4860] =	vst v0  }
0xbf: {  	[tilespmem:s31], [sflag:$0x3] =	stream.indirect.gather.add.f32 [hbm:s5], $0x80, s24, s17, $0xb8;
	[tilespmem:$0x8800] =	vst v63  }
0xc0: {  	_ = 	snop  }
0xc1: {  	[tilespmem:s31], [sflag:$0x3] =	stream.indirect.gather.add.f32 [hbm:s5], $0x80, s25, s17, $0xb8;
	[tilespmem:$0x8800] =	vst v63  }
0xc2: {  	_ = 	snop  }
0xc3: {  	[tilespmem:s31], [sflag:$0x3] =	stream.indirect.gather.add.f32 [hbm:s5], $0x80, s26, s17, $0xb8;
	[tilespmem:$0x8800] =	vst v63  }
0xc4: {  	_ = 	snop  }
0xc5: {  	[tilespmem:s31], [sflag:$0x3] =	stream.indirect.gather.add.f32 [hbm:s5], $0x80, s28, s17, $0xb8;
	[tilespmem:$0x8800] =	vst v63  }
0xc6: {  	_ = 	snop  }
0xc7: {  	[tilespmem:s31], [sflag:$0x3] =	stream.indirect.gather.add.f32 [hbm:s5], $0x80, s29, s17, $0xb8;
	[tilespmem:$0x8800] =	vst v63  }
0xc8: {  	_ = 	snop  }
0xc9: {  	[tilespmem:s31], [sflag:$0x3] =	stream.indirect.gather.add.f32 [hbm:s5], $0x80, s30, s17, $0xb8;
	[tilespmem:$0x8800] =	vst v63  }
0xca: {  	_ =	swait.ge [sflag:s0], $0x4000  }
0xcb: {  	[sflag:s0] =	ssyncset.done $0x0  }
0xcc: {  	[sflag:s0] =	ssyncadd.s32 $0xFFFFC000  }
0xcd: {  	_ =	swait.ge [sflag:s0], $0x4000  }
0xce: {  	[sflag:s0] =	ssyncset.done $0x0  }
0xcf: {  	[sflag:s0] =	ssyncadd.s32 $0xFFFFC000  }
0xd0: {  	_ =	swait.ge [sflag:s0], $0x4000  }
0xd1: {  	[sflag:s0] =	ssyncset.done $0x0  }
0xd2: {  	[sflag:s0] =	ssyncadd.s32 $0xFFFFC000  }
0xd3: {  	_ =	swait.ge [sflag:s0], $0x4000  }
0xd4: {  	[sflag:s0] =	ssyncset.done $0x0  }
0xd5: {  	[sflag:s0] =	ssyncadd.s32 $0xFFFFC000  }
0xd6: {  	_ =	swait.ge [sflag:s0], $0x4000  }
0xd7: {  	p0 =	seq.s32 s8, $0xC;
	[sflag:s0] =	ssyncset.done $0x0  }
.Ltmp7:
0xd8: {  	s9 =	sshll.u32 s9, $0xE;
	[sflag:s0] =	ssyncadd.s32 $0xFFFFC000;
	(pc) =	sbr.rel @p0 .LBB2_10-.Ltmp7, $4  }
0xd9: {  	s9 =	sadd.s32 s9, s13;
	_ =	swait.ge [sflag:s0], $0x4000  }
0xda: {  	s9 =	sshrl.u32 s9, $0x3;
	[sflag:s0] =	ssyncset.done $0x0  }
0xdb: {  	s9 =	sadd.s32 s6, s9;
	[sflag:s0] =	ssyncadd.s32 $0xFFFFC000  }
0xdc: {  	[hbm4b:s9+s3] =	stream.linear.scatter [tilespmem:s23], [sflag:$0x4], $0x4000, $0x38;
	[tilespmem:$0x8800] =	vst v63  }
0xdd: {  	s9 =	sshll.u32 s8, $0x8  }
0xde: {  	s9 =	sadd.s32 s9, s14  }
0xdf: {  	s10 =	sshrl.u32 s9, $0x3;
	s9 =	sand.u32 $0x3FF80, s9  }
0xe0: {  	s10 =	sadd.s32 s2, s10;
	s11 =	sadd.s32 $0x19000, s9  }
0xe1: {  	[tilespmem:s3], [sflag:$0x1] =	stream.linear.gather [hbm4b:s10+s3], $0x80, $0x38;
	[tilespmem:$0x8800] =	vst v63  }
0xe2: {  	s10 =	sshrl.u32 s11, $0x3  }
0xe3: {  	s12 =	sadd.s32 $0x32000, s9;
	s10 =	sadd.s32 s2, s10  }
0xe4: {  	[tilespmem:s17], [sflag:$0x1] =	stream.linear.gather [hbm4b:s10+s3], $0x80, $0x38;
	[tilespmem:$0x8800] =	vst v63  }
0xe5: {  	s10 =	sshrl.u32 s12, $0x3  }
0xe6: {  	s11 =	sadd.s32 $0x4B000, s9;
	s10 =	sadd.s32 s2, s10  }
0xe7: {  	[tilespmem:s18], [sflag:$0x1] =	stream.linear.gather [hbm4b:s10+s3], $0x80, $0x38;
	[tilespmem:$0x8800] =	vst v63  }
0xe8: {  	s10 =	sshrl.u32 s11, $0x3  }
0xe9: {  	s12 =	sadd.s32 $0x64000, s9;
	s10 =	sadd.s32 s2, s10  }
0xea: {  	[tilespmem:s19], [sflag:$0x1] =	stream.linear.gather [hbm4b:s10+s3], $0x80, $0x38;
	[tilespmem:$0x8800] =	vst v63  }
.Ltmp8:
0xeb: {  	s9 =	sadd.s32 $0x7D000, s9;
	s10 =	sshrl.u32 s12, $0x3;
	(pc) =	sbr.rel .LBB2_9-.Ltmp8, $4  }
0xec: {  	s9 =	sshrl.u32 s9, $0x3;
	s10 =	sadd.s32 s2, s10  }
0xed: {  	[tilespmem:s20], [sflag:$0x1] =	stream.linear.gather [hbm4b:s10+s3], $0x80, $0x38;
	[tilespmem:$0x8800] =	vst v63  }
0xee: {  	s9 =	sadd.s32 s2, s9  }
0xef: {  	[tilespmem:s21], [sflag:$0x1] =	stream.linear.gather [hbm4b:s9+s3], $0x80, $0x38;
	[tilespmem:$0x8800] =	vst v63  }
.LBB2_11:
0xf0: {  	_ =	sfence.sel $0x180000  }
0xf1: {  	[bflag:$0x0] =	sbarrier.arrive $0xFFFF  }
0xf2: {  	_ =	strace $0x90000047  }
0xf3: {  	s0 =	stileid.u32;
	[bflag:$0x2] =	sbarrier.arrive $0xFFFF  }
0xf4: {  	p0 =	sne.s32 s0, $0x0;
	s0 =	rddreg [dreg:$0x2]  }
0xf5: {  	s0 =	sadd.s32 @!p0 $0x100000, s0  }
0xf6: {  	[sflag:s0] =	ssyncadd.tile.s32 @!p0 $0x1;
	_ =	shalt  }
.Lfunc_end2:
_tile_overlayer_lowered:
.L_overlay_start_2:
0xf7: {  	(tag) =	ssettag $0x2  }
0xf8: {  	s0 =	rddreg [dreg:$0x0];
	s2 =	stileid.u32  }
0xf9: {  	s1 =	rddreg [dreg:$0x1];
	p0 =	sne.s32 s2, $0x0  }
0xfa: {  	s3 =	rddreg [dreg:$0x2];
	[bflag:$0x3] =	sbarrier.arrive $0xFFFF;
	s2 =	simm.s32 @!p0 $0x1C05  }
0xfb: {  	[timem:s3], [sflag:s2] =	dma.local @!p0 [hbm:s0], s1  }
0xfc: {  	s0 =	simm.s32 @!p0 $0x5  }
0xfd: {  	_ =	swait.ge @!p0 [sflag:s0], s1  }
0xfe: {  	s1 =	ssub.s32 @!p0 $0x0, s1;
	[sflag:s0] =	ssyncset.done @!p0 $0x0  }
0xff: {  	[sflag:s0] =	ssyncadd.s32 @!p0 s1  }
0x100: {  	[bflag:$0x3] =	sbarrier.arrive $0xFFFF  }
0x101: {  	_ =	shalt  }

// kernel: sparse-core-data-format-call.cloned.1.call-start
scs
called_computation_lowered:
.L_overlay_start_0:
0x0: {  	s2 =	sld [smem:$0x3FD9]  }
0x1: {  	s3 =	sld [smem:$0x3FFE];
	_ =	sdelay $0x1  }
0x2: {  	s1 =	srdreg.scid  }
0x3: {  	s0 =	sand.u32 $0x1, s1  }
0x4: {  	s18 =	sshll.u32 s0, $0xA;
	s2 =	sadd.s32 s3, s2  }
0x5: {  	s2 =	sadd.s32 s2, s18  }
0x6: {  	[smem:$0x3FC4] =	sst s2  }
0x7: {  	_ = 	snop  }
0x8: {  	s2 =	sld [smem:$0x3FD0];
	(tm) =	ssettm $0x1  }
0x9: {  	s19 =	sld [smem:$0x3FFB];
	_ =	sdelay $0x3  }
0xa: {  	_ =	strace s19  }
0xb: {  	s3 =	sld [smem:$0x3FFC];
	_ =	sdelay $0x3  }
0xc: {  	_ =	strace s3  }
0xd: {  	s3 =	sld [smem:$0x3FFD];
	_ =	sdelay $0x3  }
0xe: {  	_ =	strace s3  }
0xf: {  	_ =	strace $0x8FFFFFFF  }
0x10: {  	s20 =	sld [smem:$0x3FDB];
	_ =	sdelay $0x1  }
0x11: {  	s4 =	simm.s32 $_scs_section_size  }
0x12: {  	s5 =	simm.s32 $_size__tile_overlayer_lowered;
	s6 =	simm.s32 $_tile_overlayer_lowered  }
0x13: {  	s23 =	simm.s32 $0x1BFF;
	s22 =	sshll.u32 s6, $0x1;
	s3 =	sadd.s32 s4, s20  }
0x14: {  	s7 =	simm.s32 $0x0;
	s21 =	sshll.u32 s5, $0x1;
	s5 =	sadd.s32 s22, s3  }
0x15: {  	[timem:s7], [sflag:s23] =	dma.local [hbm:s5], s21  }
0x16: {  	_ =	swait.ge [sflag:s23], s21  }
0x17: {  	s4 =	ssub.s32 $0x0, s21;
	[sflag:s23] =	ssyncset.done $0x0  }
0x18: {  	[sflag:s23] =	ssyncadd.s32 s4;
	_ =	sdelay $0x1  }
0x19: {  	s24 =	simm.s32 $0x1B8B  }
0x1a: {  	_ =	swait.ge [sflag:s24], $0x1  }
0x1b: {  	[sflag:s24] =	ssyncset.done $0x0  }
0x1c: {  	s26 =	simm.s32 $0x1B8E;
	s25 =	sld [smem:$0x3FFE];
	[sflag:s24] =	ssyncadd.s32 $0xFFFFFFFF  }
0x1d: {  	s27 =	simm.s32 $execute0_lowered;
	[smem:$0x3FD2] =	sst s26  }
0x1e: {  	s5 =	sshll.u32 s27, $0x1;
	_ =	strace $0x80000049;
	[dreg:$0x1] =	wrdreg $0xFFFFFFFF  }
0x1f: {  	s28 =	simm.s32 $_size_execute0_lowered;
	s3 =	sadd.s32 s3, s5;
	[dreg:$0x0] =	wrdreg $0x0  }
0x20: {  	s5 =	sshll.u32 s28, $0x1;
	[dreg:$0x2] =	wrdreg s3  }
0x21: {  	[dreg:$0x3] =	wrdreg s5  }
0x22: {  	[dreg:$0x4] =	wrdreg $0xC0  }
0x23: {  	_ =	task [dreg:s7], $0x5FFFF  }
0x24: {  	[dreg:$0x1] =	wrdreg $0xFFFFFFFF  }
0x25: {  	[dreg:$0x0] =	wrdreg $0x60  }
0x26: {  	[dreg:$0x2] =	wrdreg s25  }
0x27: {  	[dreg:$0x3] =	wrdreg s2  }
0x28: {  	[dreg:$0x4] =	wrdreg $0x9  }
0x29: {  	_ =	task.clear_ibuf [dreg:s7], $0x5FFFF;
	_ =	strace $0x90000049  }
0x2a: {  	s29 =	simm.s32 $0x9;
	_ =	strace $0x8000004B  }
0x2b: {  	_ =	swait.ge [sflag:s29], $0x1  }
0x2c: {  	[sflag:s29] =	ssyncadd.s32 $0xFFFFFFFF  }
0x2d: {  	_ =	strace $0x9000004B  }
0x2e: {  	_ =	sfence  }
0x2f: {  	s30 =	sld [smem:$0x0];
	_ =	sdelay $0x2  }
0x30: {  	s31 =	sshll.u32 s1, $0xD;
	s1 =	sshrl.u32 s1, $0x2  }
0x31: {  	s3 =	sand.u32 $0x4000, s31;
	s1 =	sadd.s32 s1, s30  }
0x32: {  	s0 =	sor.u32 s3, s0;
	s1 =	sshll.u32 s1, $0x11  }
0x33: {  	s0 =	sor.u32 s1, s0  }
0x34: {  	s0 =	sadd.s32 $0x8F2B, s0  }
0x35: {  	[sflag:s0] =	ssyncadd.remote.s32 $0x1  }
0x36: {  	_ =	sfence.sel $0xFFFF  }
0x37: {  	[dreg:$0x0] =	wrdreg $0xFFFFFFFF;
	(pc) =	sbr.abs _section_cstart, $3  }
0x38: {  	[dreg:$0x1] =	wrdreg $0xFFFFFFFF  }
0x39: {  	_ =	task.clear_ibuf [dreg:s7], $0x2FFFF;
	_ =	strace $0x9FFFFFFF  }
0x3a: {  	(tm) =	ssettm $0x7FFFFFFF  }
0x3b: {  	_ =	shalt  }
tec
execute0_lowered:
.L_overlay_start_1:
0x0: {  	(tag) =	ssettag $0x1  }
0x1: {  	s4 =	rddreg [dreg:$0x0]  }
0x2: {  	s0 =	srdreg.scid;
	s2 =	rddreg [dreg:$0x1]  }
0x3: {  	s1 =	stileid.u32;
	s5 =	simm.s32 $0x1;
	s7 =	simm.s32 $0x2  }
0x4: {  	s14 =	simm.s32 $0x0;
	p0 =	por $0x0, $0x0;
	s0 =	sshll.u32 s0, $0x4  }
0x5: {  	s13 =	simm.s32 $0x0;
	s8 =	simm.s32 $0x0;
	s3 =	sand.u32 $0x10, s0  }
.Ltmp0:
0x6: {  	s9 =	simm.s32 $0x0;
	s3 =	sor.u32 s1, s3;
	(pc) =	sbr.rel .LBB1_1-.Ltmp0, $4  }
0x7: {  	s11 =	simm.s32 $0x0;
	s12 =	simm.s32 $0x0;
	s3 =	sshll.u32 s3, $0x7  }
0x8: {  	s0 =	rddreg [dreg:$0x2];
	_ =	strace $0x8000004A;
	s6 =	ssub.s32 $0x18680, s3  }
0x9: {  	s4 =	sadd.s32 $0xE00, s4;
	[sflag:s5] =	ssyncpa.u1 $0x0;
	s6 =	sshrl.u32 s6, $0xC  }
0xa: {  	[sflag:s7] =	ssyncpa.u1 $0x0;
	s10 =	smov.u32 s3;
	s7 =	sadd.s32 $0x2, s6  }
.LBB1_5:
0xb: {  	p1 =	slt.u32 s12, $0x2  }
0xc: {  	p2 =	sgt.s32 @!p1 s14, $0x18620  }
0xd: {  	s15 =	smov.u32 s14;
	s16 =	sshra.s32 @!p1 s14, $0x1F;
	p2 =	por !p2, p1  }
0xe: {  	s14 =	sand.u32 @!p1 s16, s14;
	s15 =	simm.s32 @p2 $0x18620  }
0xf: {  	s14 =	ssub.s32 @!p1 s15, s14;
	s15 =	ssub.s32 @!p1 $0x0, s13  }
0x10: {  	s17 =	smov.u32 s11;
	s16 =	sadd.s32 @!p1 $0xFFFE79E0, s14;
	s13 =	smin.u32 @!p1 s13, s15  }
0x11: {  	s14 =	ssub.s32 @!p1 $0x186A0, s14;
	p2 =	sgt.s32 @!p1 s16, $0x7F;
	p3 =	sgt.s32 @!p1 s13, $0x7F  }
0x12: {  	s13 =	ssub.s32 @!p1 $0x80, s13;
	p2 =	por !p2, p1;
	p3 =	por !p3, p1  }
0x13: {  	s15 =	sadd.s32 $0x1000, s10;
	s14 =	simm.s32 @!p2 $0x0;
	s13 =	simm.s32 @!p3 $0x0  }
0x14: {  	p2 =	sgt.s32 s15, $0x1869F;
	s13 =	smul.u32 @!p1 s13, s14;
	s14 =	sadd.s32 $0x80, s11  }
0x15: {  	s17 =	smov.u32 @p2 s14  }
0x16: {  	s15 =	smov.u32 @p2 s3;
	p2 =	sgt.s32 s17, $0x7F  }
0x17: {  	s17 =	simm.s32 @p2 $0x0;
	p2 =	sne.s32 s12, s7  }
.Ltmp1:
0x18: {  	p0 =	por !p0, !p0;
	s16 =	simm.s32 @!p1 $0x2;
	(pc) =	sbr.rel @!p2 .LBB1_6-.Ltmp1, $4  }
0x19: {  	s14 =	smov.u32 s8;
	s8 =	smov.u32 s10;
	s13 =	sand.u32 @!p1 $0x3FFFFFFF, s13  }
0x1a: {  	s10 =	smov.u32 s15;
	_ =	swait.ge @!p1 [sflag:s16], s13;
	s18 =	ssub.s32 @!p1 $0x0, s13  }
0x1b: {  	s13 =	smov.u32 s9;
	s12 =	sadd.s32 $0x1, s12;
	[sflag:s16] =	ssyncset.done @!p1 $0x0  }
0x1c: {  	s9 =	smov.u32 s11;
	s11 =	smov.u32 s17;
	[sflag:s16] =	ssyncadd.s32 @!p1 s18  }
.LBB1_1:
0x1d: {  	p1 =	sgt.u32 s12, s6  }
0x1e: {  	s15 =	sshrl.u32 @!p1 s11, $0x3  }
0x1f: {  	s16 =	sshll.u32 @!p1 s10, $0x3;
	s15 =	smul.u32 @!p1 $0xC3800, s15  }
0x20: {  	s17 =	sshll.u32 @!p1 s11, $0x7;
	s16 =	sand.u32 @!p1 $0xFFFFFC00, s16  }
0x21: {  	s15 =	sadd.s32 @!p1 s15, s16;
	s16 =	sand.u32 @!p1 $0x380, s17  }
0x22: {  	s17 =	sand.u32 @!p1 $0x7F, s10;
	s15 =	sor.u32 @!p1 s16, s15  }
0x23: {  	s16 =	sor.u32 @!p1 s17, s15  }
0x24: {  	s17 =	smulhi.u32 @!p1 $0xA79C7B17, s16;
	_ =	sdelay $0x1  }
0x25: {  	s15 =	smulhi.u32 @!p1 $0xA79C7B17, s15;
	s17 =	sshrl.u32 @!p1 s17, $0x10  }
0x26: {  	s17 =	smul.u32 @!p1 $0x18700, s17  }
0x27: {  	s18 =	sxor.u32 @!p1 $0xFFFFFFFF, s12;
	s15 =	sshrl.u32 @!p1 s15, $0x10  }
0x28: {  	s18 =	sshll.u32 @!p1 s18, $0xE;
	s15 =	sand.u32 @!p1 $0x7F, s15;
	s16 =	ssub.s32 @!p1 s16, s17  }
0x29: {  	s15 =	smul.u32 @!p1 $0x30E0, s15;
	s17 =	sshrl.u32 @!p1 s16, $0x3;
	s16 =	sand.u32 @!p1 $0x7, s16  }
0x2a: {  	s18 =	sand.u32 @!p1 $0x4000, s18;
	s17 =	sadd.s32 @!p1 s4, s17;
	s16 =	sshll.u32 @!p1 s16, $0x12  }
0x2b: {  	s15 =	sadd.s32 @!p1 s15, s17;
	s16 =	sor.u32 @!p1 $0x400, s16;
	s17 =	simm.s32 @!p1 $0xC3800  }
0x2c: {  	[tilespmem:s18], [sflag:$0x1] =	stream.strided.gather @!p1 [hbm4b:s15+s16], $0x4000, s17, s16, $0x38;
	[tilespmem:$0x10100] =	vst v63  }
0x2d: {  	p1 =	seq.s32 s12, $0x0  }
0x2e: {  	p2 =	sge.u32 @!p1 s12, s7  }
0x2f: {  	p1 =	por p1, p2  }
.Ltmp2:
0x30: {  	_ = 	snop;
	(pc) =	sbr.rel @p1 .LBB1_5-.Ltmp2, $1  }
0x31: {  	_ =	sdelay $0x3  }
0x32: {  	s15 =	simm.s32 $0x1  }
0x33: {  	_ =	swait.ge [sflag:s5], $0x4000;
	s15 =	simm.s32 @!p0 $0x0  }
0x34: {  	[sflag:s5] =	ssyncset.done $0x0;
	s16 =	sshll.u32 s15, $0xE  }
0x35: {  	[sflag:s5] =	ssyncadd.s32 $0xFFFFC000;
	s17 =	sor.u32 $0x40, s16  }
0x36: {  	s15 =	smul.u32 $0x10200, s15;
	v0 =	vld [tilespmem:s17+$0x30]  }
0x37: {  	v1 =	vld [tilespmem:s17+$0xFFFFFFD0]  }
0x38: {  	s15 =	sshrl.u32 s15, $0x2;
	v5 =	vld [tilespmem:s17+$0xFFFFFFE0]  }
0x39: {  	v6 =	vld [tilespmem:s17+$0xFFFFFFF0];
	s16 =	sor.u32 $0x8000, s15  }
0x3a: {  	s31 =	sand.u32 $0x1, s12;
	v2 =	vld [tilespmem:s17+$0x0];
	s18 =	sadd.s32 $0x0, s16  }
0x3b: {  	v3 =	vld [tilespmem:s17+$0x10];
	s15 =	smul.u32 $0x10200, s31;
	[tilespmem:s18+$0x3870 ss:$0x81] =	vst.msk $0xffff, v0  }
0x3c: {  	v4 =	vld [tilespmem:s17+$0x20];
	[tilespmem:s18+$0x810 ss:$0x81] =	vst.msk $0xffff, v1  }
0x3d: {  	s15 =	sshrl.u32 s15, $0x2;
	v0 =	vld [tilespmem:s17+$0xFFFFFFC0];
	[tilespmem:s18+$0x1020 ss:$0x81] =	vst.msk $0xffff, v5;
	s17 =	sadd.s32 $0x80, s17  }
0x3e: {  	s19 =	simm.s32 $0x4;
	s20 =	simm.s32 $0x8;
	s15 =	sor.u32 $0x8000, s15;
	[tilespmem:s18+$0x1830 ss:$0x81] =	vst.msk $0xffff, v6;
	v1 =	vld [tilespmem:s17+$0x30]  }
.LBB1_3:
0x3f: {  	p1 =	sne.s32 s20, $0x1FC;
	v5 =	vld [tilespmem:s17+$0xFFFFFFD0];
	[tilespmem:s18+$0x2040 ss:$0x81] =	vst.msk $0xffff, v2  }
0x40: {  	v6 =	vld [tilespmem:s17+$0xFFFFFFE0];
	[tilespmem:s18+$0x2850 ss:$0x81] =	vst.msk $0xffff, v3  }
0x41: {  	s21 =	sshra.s32 s19, $0x2;
	s19 =	smov.u32 s20;
	v7 =	vld [tilespmem:s17+$0xFFFFFFF0];
	[tilespmem:s18+$0x3060 ss:$0x81] =	vst.msk $0xffff, v4  }
.Ltmp3:
0x42: {  	v2 =	vld [tilespmem:s17+$0x0];
	[tilespmem:s18+$0x0 ss:$0x81] =	vst.msk $0xffff, v0;
	s18 =	sadd.s32 s21, s16;
	(pc) =	sbr.rel @p1 .LBB1_3-.Ltmp3, $4  }
0x43: {  	v3 =	vld [tilespmem:s17+$0x10];
	[tilespmem:s18+$0x3870 ss:$0x81] =	vst.msk $0xffff, v1  }
0x44: {  	[tilespmem:s18+$0x810 ss:$0x81] =	vst.msk $0xffff, v5;
	v4 =	vld [tilespmem:s17+$0x20]  }
0x45: {  	v0 =	vld [tilespmem:s17+$0xFFFFFFC0];
	[tilespmem:s18+$0x1020 ss:$0x81] =	vst.msk $0xffff, v6;
	s17 =	sadd.s32 $0x80, s17  }
0x46: {  	s20 =	sadd.s32 $0x4, s20;
	v1 =	vld [tilespmem:s17+$0x30];
	[tilespmem:s18+$0x1830 ss:$0x81] =	vst.msk $0xffff, v7  }
0x47: {  	v5 =	vld [tilespmem:s17+$0xFFFFFFD0];
	[tilespmem:s18+$0x2040 ss:$0x81] =	vst.msk $0xffff, v2  }
0x48: {  	v58 =	vld [tilespmem:s17+$0xFFFFFFE0];
	[tilespmem:s18+$0x2850 ss:$0x81] =	vst.msk $0xffff, v3  }
0x49: {  	s19 =	sshra.s32 s19, $0x2;
	v59 =	vld [tilespmem:s17+$0xFFFFFFF0];
	p1 =	sgt.s32 s8, $0x18620;
	[tilespmem:s18+$0x3060 ss:$0x81] =	vst.msk $0xffff, v4  }
0x4a: {  	s20 =	smov.u32 s8;
	s21 =	sshra.s32 s8, $0x1F;
	v60 =	vld [tilespmem:s17+$0x0];
	s16 =	sadd.s32 s19, s16;
	[tilespmem:s18+$0x0 ss:$0x81] =	vst.msk $0xffff, v0  }
0x4b: {  	v61 =	vld [tilespmem:s17+$0x10];
	s24 =	ssub.s32 $0x0, s9;
	s20 =	simm.s32 @!p1 $0x18620;
	s22 =	sand.u32 s21, s8;
	[tilespmem:s16+$0x3870 ss:$0x81] =	vst.msk $0xffff, v1  }
0x4c: {  	v62 =	vld [tilespmem:s17+$0x20];
	s25 =	smin.u32 s9, s24;
	s18 =	ssub.s32 s20, s22;
	[tilespmem:s16+$0x810 ss:$0x81] =	vst.msk $0xffff, v5  }
0x4d: {  	v63 =	vld [tilespmem:s17+$0xFFFFFFC0];
	s26 =	sshrl.u32 s9, $0x3;
	p2 =	sgt.s32 s25, $0x7F;
	s23 =	sadd.s32 $0xFFFE79E0, s18;
	[tilespmem:s16+$0x1020 ss:$0x81] =	vst.msk $0xffff, v58  }
0x4e: {  	s17 =	ssub.s32 $0x80, s25;
	s18 =	ssub.s32 $0x186A0, s18;
	p1 =	sgt.s32 s23, $0x7F;
	[tilespmem:s16+$0x1830 ss:$0x81] =	vst.msk $0xffff, v59  }
.Ltmp4:
0x4f: {  	s17 =	simm.s32 @p2 $0x0;
	[tilespmem:s16+$0x2040 ss:$0x81] =	vst.msk $0xffff, v60;
	s18 =	simm.s32 @p1 $0x0;
	(pc) =	sbr.rel .LBB1_5-.Ltmp4, $4  }
0x50: {  	s27 =	sand.u32 $0xF, s26;
	[tilespmem:s16+$0x2850 ss:$0x81] =	vst.msk $0xffff, v61;
	s17 =	smul.u32 s17, s18  }
0x51: {  	s28 =	sshll.u32 s8, $0x4;
	[tilespmem:s16+$0x3060 ss:$0x81] =	vst.msk $0xffff, v62;
	s18 =	sadd.s32 s2, s27  }
0x52: {  	s31 =	sand.u32 $0x7, s9;
	[tilespmem:s16+$0x0 ss:$0x81] =	vst.msk $0xffff, v63;
	s30 =	sadd.s32 s28, s18;
	s29 =	sand.u32 $0x3FFFFFFF, s17  }
0x53: {  	[hbm4b:s30+s31] =	stream.linear.scatter [tilespmem:s15], [sflag:$0x2], s29, $0x20;
	[tilespmem:$0x10100] =	vst v63  }
.LBB1_6:
0x54: {  	_ =	sfence.sel $0x180000  }
0x55: {  	s2 =	simm.s32 $0x1;
	[bflag:$0x0] =	sbarrier.arrive $0xFFFF  }
0x56: {  	s31 =	simm.s32 $0x2;
	[sflag:s2] =	ssyncpa.u1 $0x1  }
0x57: {  	[sflag:s31] =	ssyncpa.u1 $0x1  }
0x58: {  	p0 =	sne.s32 s1, $0x0;
	_ =	strace $0x9000004A  }
0x59: {  	s0 =	sadd.s32 @!p0 $0x100000, s0;
	[bflag:$0x2] =	sbarrier.arrive $0xFFFF  }
0x5a: {  	[sflag:s0] =	ssyncadd.tile.s32 @!p0 $0x1;
	_ =	shalt  }
.Lfunc_end1:
_tile_overlayer_lowered:
.L_overlay_start_2:
0x5b: {  	(tag) =	ssettag $0x2  }
0x5c: {  	s0 =	rddreg [dreg:$0x0];
	s2 =	stileid.u32  }
0x5d: {  	s1 =	rddreg [dreg:$0x1];
	p0 =	sne.s32 s2, $0x0  }
0x5e: {  	s3 =	rddreg [dreg:$0x2];
	[bflag:$0x3] =	sbarrier.arrive $0xFFFF;
	s2 =	simm.s32 @!p0 $0x1C01  }
0x5f: {  	[timem:s3], [sflag:s2] =	dma.local @!p0 [hbm:s0], s1  }
0x60: {  	s0 =	simm.s32 @!p0 $0x1  }
0x61: {  	_ =	swait.ge @!p0 [sflag:s0], s1  }
0x62: {  	s1 =	ssub.s32 @!p0 $0x0, s1;
	[sflag:s0] =	ssyncset.done @!p0 $0x0  }
0x63: {  	[sflag:s0] =	ssyncadd.s32 @!p0 s1  }
0x64: {  	[bflag:$0x3] =	sbarrier.arrive $0xFFFF  }
0x65: {  	_ =	shalt  }

</sc_bundles>
